<compile_context>
chip_gen: v7x
topology: tpu7x:2x2x1
jax: 0.10.2.dev20260603
libtpu: 0.0.44.dev20260713+nightly
codegen_flags: <defaults>
</compile_context>

<pallas_src>
import functools

import jax
import jax.numpy as jnp
from jax import lax
from jax.experimental import pallas as pl
from jax.experimental.pallas import tpu as pltpu
from jax.experimental.pallas import tpu_sc as plsc

N_NODES = 10000
N_EDGES = 320000
N_GRAPHS = 128
EMB = 128
NC = 2
NS = 16
CH = 40
EPT = N_EDGES // (NC * NS)
NCHUNK = EPT // CH
NPAD = 10240
RPT = NPAD // NS
CNTW = 16

F32 = jnp.float32


NPIPE = 5
NGROUP = NCHUNK // NPIPE


def _make_sc_agg():
    mesh = plsc.VectorSubcoreMesh(core_axis_name="c", subcore_axis_name="s")
    outs = (
        jax.ShapeDtypeStruct((NPAD, EMB), F32),
        jax.ShapeDtypeStruct((NPAD, EMB), F32),
    )
    scratch = (
        [pltpu.VMEM_SHARED((NPAD, EMB), F32)]
        + [pltpu.VMEM((CH,), jnp.int32) for _ in range(2 * NPIPE)]
        + [pltpu.VMEM((CH, EMB), F32) for _ in range(NPIPE)]
        + [pltpu.SemaphoreType.DMA for _ in range(3 * NPIPE)]
    )

    @functools.partial(pl.kernel, out_type=outs, mesh=mesh, scratch_types=scratch)
    def sc(u, srcr, dstr, zz, outa, outb, accum, *scr):
        sidx = scr[0:NPIPE]
        didx = scr[NPIPE:2 * NPIPE]
        rows = scr[2 * NPIPE:3 * NPIPE]
        sems = scr[3 * NPIPE:4 * NPIPE]
        isems = scr[4 * NPIPE:5 * NPIPE]
        dsems = scr[5 * NPIPE:]
        c = lax.axis_index("c")
        s = lax.axis_index("s")
        r0 = s * RPT
        pltpu.sync_copy(zz, accum.at[pl.ds(r0, RPT)])
        plsc.subcore_barrier()

        ebase = c * (N_EDGES // NC) + s * EPT

        def step(g, _):
            base = ebase + g * (NPIPE * CH)
            icps = []
            for k in range(NPIPE):
                icps.append(pltpu.async_copy(
                    srcr.at[pl.ds(base + k * CH, CH)], sidx[k], isems[k]))
                icps.append(pltpu.async_copy(
                    dstr.at[pl.ds(base + k * CH, CH)], didx[k], dsems[k]))
            cps = []
            for k in range(NPIPE):
                icps[2 * k].wait()
                cps.append(pltpu.async_copy(u.at[sidx[k]], rows[k], sems[k]))
            for k in range(NPIPE):
                cps[k].wait()
                icps[2 * k + 1].wait()
                pltpu.sync_copy(rows[k], accum.at[didx[k]], add=True)
            return ()

        lax.fori_loop(0, NGROUP, step, ())
        plsc.subcore_barrier()

        @pl.when(c == 0)
        def _():
            pltpu.sync_copy(accum.at[pl.ds(r0, RPT)], outa.at[pl.ds(r0, RPT)])

        @pl.when(c == 1)
        def _():
            pltpu.sync_copy(accum.at[pl.ds(r0, RPT)], outb.at[pl.ds(r0, RPT)])

    return sc


def _make_sc_count():
    mesh = plsc.VectorSubcoreMesh(core_axis_name="c", subcore_axis_name="s")
    outs = (
        jax.ShapeDtypeStruct((NPAD, EMB), F32),
        jax.ShapeDtypeStruct((NPAD, EMB), F32),
    )
    scratch = (
        [pltpu.VMEM_SHARED((NPAD, EMB), F32),
         pltpu.VMEM((CH, EMB), F32)]
        + [pltpu.VMEM((CH,), jnp.int32) for _ in range(NPIPE)]
        + [pltpu.SemaphoreType.DMA for _ in range(NPIPE)]
    )

    @functools.partial(pl.kernel, out_type=outs, mesh=mesh, scratch_types=scratch)
    def sc(dstr, onesb, zz, outa, outb, accum, onesv, *scr):
        didx = scr[0:NPIPE]
        dsems = scr[NPIPE:]
        c = lax.axis_index("c")
        s = lax.axis_index("s")
        r0 = s * RPT
        pltpu.sync_copy(zz, accum.at[pl.ds(r0, RPT)])
        pltpu.sync_copy(onesb, onesv)
        plsc.subcore_barrier()

        ebase = c * (N_EDGES // NC) + s * EPT

        def step(g, _):
            base = ebase + g * (NPIPE * CH)
            icps = []
            for k in range(NPIPE):
                icps.append(pltpu.async_copy(
                    dstr.at[pl.ds(base + k * CH, CH)], didx[k], dsems[k]))
            for k in range(NPIPE):
                icps[k].wait()
                pltpu.sync_copy(onesv, accum.at[didx[k]], add=True)
            return ()

        lax.fori_loop(0, NGROUP, step, ())
        plsc.subcore_barrier()

        @pl.when(c == 0)
        def _():
            pltpu.sync_copy(accum.at[pl.ds(r0, RPT)], outa.at[pl.ds(r0, RPT)])

        @pl.when(c == 1)
        def _():
            pltpu.sync_copy(accum.at[pl.ds(r0, RPT)], outb.at[pl.ds(r0, RPT)])

    return sc


_sc_agg = _make_sc_agg()
_sc_count = _make_sc_count()


NB = 1000
NGRID = N_NODES // NB


def _enc_body(x0, x1, dep, tp, ap, dp, w_rel, w_root, b1, u_out, r_out):
    oh0 = (x0[...] == lax.broadcasted_iota(jnp.int32, (NB, 128), 1)).astype(F32)
    oh1 = (x1[...] == lax.broadcasted_iota(jnp.int32, (NB, 128), 1)).astype(F32)
    ohd = (dep[...] == lax.broadcasted_iota(jnp.int32, (NB, 32), 1)).astype(F32)
    h = (jnp.dot(oh0, tp[...], preferred_element_type=F32)
         + jnp.dot(oh1, ap[...], preferred_element_type=F32)
         + jnp.dot(ohd, dp[...], preferred_element_type=F32))
    u_out[...] = jnp.dot(h, w_rel[...], preferred_element_type=F32)
    r_out[...] = jnp.dot(h, w_root[...], preferred_element_type=F32) + b1[...]


def _tc_encode(x0, x1, dep, tp, ap, dp, w_rel, w_root, b1):
    return pl.pallas_call(
        _enc_body,
        grid=(NGRID,),
        in_specs=[
            pl.BlockSpec((NB, 1), lambda i: (i, 0)),
            pl.BlockSpec((NB, 1), lambda i: (i, 0)),
            pl.BlockSpec((NB, 1), lambda i: (i, 0)),
            pl.BlockSpec((128, 128), lambda i: (0, 0)),
            pl.BlockSpec((128, 128), lambda i: (0, 0)),
            pl.BlockSpec((32, 128), lambda i: (0, 0)),
            pl.BlockSpec((128, 128), lambda i: (0, 0)),
            pl.BlockSpec((128, 128), lambda i: (0, 0)),
            pl.BlockSpec((1, 128), lambda i: (0, 0)),
        ],
        out_specs=[
            pl.BlockSpec((NB, EMB), lambda i: (i, 0)),
            pl.BlockSpec((NB, EMB), lambda i: (i, 0)),
        ],
        out_shape=[
            jax.ShapeDtypeStruct((N_NODES, EMB), F32),
            jax.ShapeDtypeStruct((N_NODES, EMB), F32),
        ],
    )(x0, x1, dep, tp, ap, dp, w_rel, w_root, b1)


def _mid_body(sa, sb, ca, cb, r, bat, w_rel, w_root, b2,
              u_out, r_out, xs_out, gc_out, cnt_out):
    i = pl.program_id(0)
    cntl = ca[...] + cb[...]
    cnt = jnp.sum(cntl, axis=1, keepdims=True) * (1.0 / CNTW)
    agg = (sa[...] + sb[...]) / jnp.maximum(cnt, 1.0)
    h = jnp.maximum(agg + r[...], 0.0)
    u_out[...] = jnp.dot(h, w_rel[...], preferred_element_type=F32)
    r_out[...] = jnp.dot(h, w_root[...], preferred_element_type=F32) + b2[...]
    cnt_out[...] = cntl
    oh = (bat[...] == lax.broadcasted_iota(jnp.int32, (NB, N_GRAPHS), 1)).astype(F32)
    contrib = lax.dot_general(oh, h, (((0,), (0,)), ((), ())),
                              preferred_element_type=F32)
    gcontrib = lax.dot_general(oh, jnp.ones((NB, 128), F32),
                               (((0,), (0,)), ((), ())),
                               preferred_element_type=F32)

    @pl.when(i == 0)
    def _():
        xs_out[...] = jnp.zeros_like(xs_out)
        gc_out[...] = jnp.zeros_like(gc_out)

    xs_out[...] += contrib
    gc_out[...] += gcontrib


def _tc_mid(sa, sb, ca, cb, r, bat, w_rel, w_root, b2):
    return pl.pallas_call(
        _mid_body,
        grid=(NGRID,),
        in_specs=[
            pl.BlockSpec((NB, EMB), lambda i: (i, 0)),
            pl.BlockSpec((NB, EMB), lambda i: (i, 0)),
            pl.BlockSpec((NB, CNTW), lambda i: (i, 0)),
            pl.BlockSpec((NB, CNTW), lambda i: (i, 0)),
            pl.BlockSpec((NB, EMB), lambda i: (i, 0)),
            pl.BlockSpec((NB, 1), lambda i: (i, 0)),
            pl.BlockSpec((128, 128), lambda i: (0, 0)),
            pl.BlockSpec((128, 128), lambda i: (0, 0)),
            pl.BlockSpec((1, 128), lambda i: (0, 0)),
        ],
        out_specs=[
            pl.BlockSpec((NB, EMB), lambda i: (i, 0)),
            pl.BlockSpec((NB, EMB), lambda i: (i, 0)),
            pl.BlockSpec((N_GRAPHS, EMB), lambda i: (0, 0)),
            pl.BlockSpec((N_GRAPHS, 128), lambda i: (0, 0)),
            pl.BlockSpec((NB, CNTW), lambda i: (i, 0)),
        ],
        out_shape=[
            jax.ShapeDtypeStruct((N_NODES, EMB), F32),
            jax.ShapeDtypeStruct((N_NODES, EMB), F32),
            jax.ShapeDtypeStruct((N_GRAPHS, EMB), F32),
            jax.ShapeDtypeStruct((N_GRAPHS, 128), F32),
            jax.ShapeDtypeStruct((N_NODES, CNTW), F32),
        ],
    )(sa, sb, ca, cb, r, bat, w_rel, w_root, b2)


def _last_body(sa, sb, cn, r, bat, xs_out):
    i = pl.program_id(0)
    cnt = jnp.sum(cn[...], axis=1, keepdims=True) * (1.0 / CNTW)
    agg = (sa[...] + sb[...]) / jnp.maximum(cnt, 1.0)
    h = jnp.maximum(agg + r[...], 0.0)
    oh = (bat[...] == lax.broadcasted_iota(jnp.int32, (NB, N_GRAPHS), 1)).astype(F32)
    contrib = lax.dot_general(oh, h, (((0,), (0,)), ((), ())),
                              preferred_element_type=F32)

    @pl.when(i == 0)
    def _():
        xs_out[...] = jnp.zeros_like(xs_out)

    xs_out[...] += contrib


def _tc_last(sa, sb, cn, r, bat):
    return pl.pallas_call(
        _last_body,
        grid=(NGRID,),
        in_specs=[
            pl.BlockSpec((NB, EMB), lambda i: (i, 0)),
            pl.BlockSpec((NB, EMB), lambda i: (i, 0)),
            pl.BlockSpec((NB, CNTW), lambda i: (i, 0)),
            pl.BlockSpec((NB, EMB), lambda i: (i, 0)),
            pl.BlockSpec((NB, 1), lambda i: (i, 0)),
        ],
        out_specs=[pl.BlockSpec((N_GRAPHS, EMB), lambda i: (0, 0))],
        out_shape=[jax.ShapeDtypeStruct((N_GRAPHS, EMB), F32)],
    )(sa, sb, cn, r, bat)


def _head_body(xs0, xs1, gc, wa, wb, bl, wp, bp, out):
    g = jnp.maximum(gc[...][:, :EMB], 1.0)
    a = xs0[...] / g
    b = xs1[...] / g
    o = jnp.maximum(jnp.dot(a, wa[...], preferred_element_type=F32)
                    + jnp.dot(b, wb[...], preferred_element_type=F32)
                    + bl[...], 0.0)
    out[...] = jnp.dot(o, wp[...], preferred_element_type=F32) + bp[...]


def _tc_head(xs0, xs1, gc, wa, wb, bl, wp, bp):
    return pl.pallas_call(
        _head_body,
        out_shape=jax.ShapeDtypeStruct((N_GRAPHS, 128), F32),
    )(xs0, xs1, gc, wa, wb, bl, wp, bp)


def kernel(x, edge_index, node_depth, batch, type_emb, attr_emb, depth_emb,
           W1_rel, b1_rel, W1_root, W2_rel, b2_rel, W2_root,
           W_lin1, b_lin1, W_pred, b_pred):
    x0 = x[:, 0:1].astype(jnp.int32)
    x1 = x[:, 1:2].astype(jnp.int32)
    dep = jnp.clip(node_depth, 0, 20).astype(jnp.int32)
    bat = batch.reshape(N_NODES, 1).astype(jnp.int32)
    src = edge_index[0].astype(jnp.int32)
    dst = edge_index[1].astype(jnp.int32)

    tp = jnp.pad(type_emb, ((0, 128 - type_emb.shape[0]), (0, 0)))
    ap = jnp.pad(attr_emb, ((0, 128 - attr_emb.shape[0]), (0, 0)))
    dp = jnp.pad(depth_emb, ((0, 32 - depth_emb.shape[0]), (0, 0)))
    b1 = b1_rel.reshape(1, EMB)
    b2 = b2_rel.reshape(1, EMB)
    bl = b_lin1.reshape(1, EMB)
    bp = b_pred.reshape(1, 128)
    wa = W_lin1[:EMB]
    wb = W_lin1[EMB:]

    zz = jnp.zeros((RPT, EMB), F32)
    onesb = jnp.ones((CH, EMB), F32)

    cfa, cfb = _sc_count(dst, onesb, zz)
    ca, cb = cfa[:N_NODES, :CNTW], cfb[:N_NODES, :CNTW]
    u0, r0 = _tc_encode(x0, x1, dep, tp, ap, dp, W1_rel, W1_root, b1)
    s0a, s0b = _sc_agg(u0, src, dst, zz)
    s0a, s0b = s0a[:N_NODES], s0b[:N_NODES]
    u1, r1, xs0s, gc, cn = _tc_mid(s0a, s0b, ca, cb, r0, bat, W2_rel, W2_root, b2)
    s1a, s1b = _sc_agg(u1, src, dst, zz)
    s1a, s1b = s1a[:N_NODES], s1b[:N_NODES]
    (xs1s,) = _tc_last(s1a, s1b, cn, r1, bat)
    return _tc_head(xs0s, xs1s, gc, wa, wb, bl, W_pred, bp)

# --- scband reference (transcript-rebuilt; emitter-appended) ---
"""Pipeline reference for scband-asap-26036091748783 (READ-ONLY COPY).

The authoritative reference and input builder live on the scoring server;
editing this copy changes nothing except your own understanding.
"""

import jax, jax.numpy as jnp
import numpy as np

NUM_NODES = 10000
NUM_EDGES = 320000
NUM_GRAPHS = 128
EMB = 128
HID = 128
NUM_CLASS = 128
TYPE_VOCAB = 100
ATTR_VOCAB = 100
MAX_DEPTH = 20


def _lin(k, fi, fo):
    return (jax.random.normal(k, (fi, fo), dtype=jnp.float32) / np.sqrt(fi)).astype(jnp.float32)


def setup_inputs(seed: int = 0) -> dict:
    key = jax.random.key(seed)
    ks = jax.random.split(key, 16)
    x = jax.random.randint(ks[0], (NUM_NODES, 2), 0, TYPE_VOCAB)
    edge_index = jax.random.randint(ks[1], (2, NUM_EDGES), 0, NUM_NODES)
    node_depth = jax.random.randint(ks[2], (NUM_NODES, 1), 0, MAX_DEPTH)
    batch = jnp.sort(jax.random.randint(ks[3], (NUM_NODES,), 0, NUM_GRAPHS))
    params = dict(
        type_emb=jax.random.normal(ks[4], (TYPE_VOCAB, EMB), dtype=jnp.float32) * 0.1,
        attr_emb=jax.random.normal(ks[5], (ATTR_VOCAB, EMB), dtype=jnp.float32) * 0.1,
        depth_emb=jax.random.normal(ks[6], (MAX_DEPTH + 1, EMB), dtype=jnp.float32) * 0.1,
        W1_rel=_lin(ks[7], EMB, HID), b1_rel=jnp.zeros((HID,), jnp.float32),
        W1_root=_lin(ks[8], EMB, HID),
        W2_rel=_lin(ks[9], HID, HID), b2_rel=jnp.zeros((HID,), jnp.float32),
        W2_root=_lin(ks[10], HID, HID),
        W_lin1=_lin(ks[11], 2 * HID, HID), b_lin1=jnp.zeros((HID,), jnp.float32),
        W_pred=_lin(ks[12], HID, NUM_CLASS), b_pred=jnp.zeros((NUM_CLASS,), jnp.float32),
    )
    return {"x": x, "edge_index": edge_index, "node_depth": node_depth, "batch": batch, **params}


def _graph_conv(h, src, dst, W_rel, b_rel, W_root):
    # PyG GraphConv with aggr='mean': lin_rel(mean_{j->i} x_j) + lin_root(x_i)
    msg = h[src]
    agg = jax.ops.segment_sum(msg, dst, num_segments=NUM_NODES)
    cnt = jax.ops.segment_sum(jnp.ones((src.shape[0],), h.dtype), dst, num_segments=NUM_NODES)
    agg = agg / jnp.maximum(cnt, 1.0)[:, None]
    return agg @ W_rel + b_rel + h @ W_root


def _gmp(h, batch):
    s = jax.ops.segment_sum(h, batch, num_segments=NUM_GRAPHS)
    c = jax.ops.segment_sum(jnp.ones((h.shape[0],), h.dtype), batch, num_segments=NUM_GRAPHS)
    return s / jnp.maximum(c, 1.0)[:, None]


def reference(x, edge_index, node_depth, batch, type_emb, attr_emb, depth_emb,
              W1_rel, b1_rel, W1_root, W2_rel, b2_rel, W2_root,
              W_lin1, b_lin1, W_pred, b_pred):
    # node encoder (ASTNodeEncoder style): type emb + attr emb + clamped depth emb
    d = jnp.clip(node_depth.reshape(-1), 0, MAX_DEPTH)
    h = type_emb[x[:, 0]] + attr_emb[x[:, 1]] + depth_emb[d]
    src, dst = edge_index[0], edge_index[1]
    # conv1 + relu
    h = jax.nn.relu(_graph_conv(h, src, dst, W1_rel, b1_rel, W1_root))
    xs0 = _gmp(h, batch)
    # convs[0] + relu (num_layers=2 -> single extra conv, pooling branch never taken)
    h = jax.nn.relu(_graph_conv(h, src, dst, W2_rel, b2_rel, W2_root))
    xs1 = _gmp(h, batch)
    # JumpingKnowledge(mode='cat')
    j = jnp.concatenate([xs0, xs1], axis=-1)
    o = jax.nn.relu(j @ W_lin1 + b_lin1)
    # dropout p=0.5 is identity in eval mode
    return o @ W_pred + b_pred

if __name__ == "__main__":
    import jax
    _d = setup_inputs()
    print(jax.jit(kernel)(*tuple(_d.values())))

</pallas_src>

<mosaic_0001>
#map = affine_map<(d0, d1) -> (0, 0)>
#map1 = affine_map<(d0, d1) -> (0)>
module attributes {stable_mosaic.version = 14 : i64} {
  func.func @sc(%arg0: i32, %arg1: i32, %arg2: memref<10000x128xf32, #tpu.memory_space<hbm>>, %arg3: memref<320000xi32, #tpu.memory_space<hbm>>, %arg4: memref<320000xi32, #tpu.memory_space<hbm>>, %arg5: memref<640x128xf32, #tpu.memory_space<hbm>>, %arg6: memref<10240x128xf32, #tpu.memory_space<hbm>>, %arg7: memref<10240x128xf32, #tpu.memory_space<hbm>>, %arg8: memref<10240x128xf32, #tpu.memory_space<vmem_shared>>, %arg9: memref<40xi32, #tpu.memory_space<vmem>>, %arg10: memref<40xi32, #tpu.memory_space<vmem>>, %arg11: memref<40xi32, #tpu.memory_space<vmem>>, %arg12: memref<40xi32, #tpu.memory_space<vmem>>, %arg13: memref<40xi32, #tpu.memory_space<vmem>>, %arg14: memref<40xi32, #tpu.memory_space<vmem>>, %arg15: memref<40xi32, #tpu.memory_space<vmem>>, %arg16: memref<40xi32, #tpu.memory_space<vmem>>, %arg17: memref<40xi32, #tpu.memory_space<vmem>>, %arg18: memref<40xi32, #tpu.memory_space<vmem>>, %arg19: memref<40x128xf32, #tpu.memory_space<vmem>>, %arg20: memref<40x128xf32, #tpu.memory_space<vmem>>, %arg21: memref<40x128xf32, #tpu.memory_space<vmem>>, %arg22: memref<40x128xf32, #tpu.memory_space<vmem>>, %arg23: memref<40x128xf32, #tpu.memory_space<vmem>>, %arg24: memref<!tpu.dma_semaphore, #tpu.memory_space<semaphore_mem>>, %arg25: memref<!tpu.dma_semaphore, #tpu.memory_space<semaphore_mem>>, %arg26: memref<!tpu.dma_semaphore, #tpu.memory_space<semaphore_mem>>, %arg27: memref<!tpu.dma_semaphore, #tpu.memory_space<semaphore_mem>>, %arg28: memref<!tpu.dma_semaphore, #tpu.memory_space<semaphore_mem>>, %arg29: memref<!tpu.dma_semaphore, #tpu.memory_space<semaphore_mem>>, %arg30: memref<!tpu.dma_semaphore, #tpu.memory_space<semaphore_mem>>, %arg31: memref<!tpu.dma_semaphore, #tpu.memory_space<semaphore_mem>>, %arg32: memref<!tpu.dma_semaphore, #tpu.memory_space<semaphore_mem>>, %arg33: memref<!tpu.dma_semaphore, #tpu.memory_space<semaphore_mem>>, %arg34: memref<!tpu.dma_semaphore, #tpu.memory_space<semaphore_mem>>, %arg35: memref<!tpu.dma_semaphore, #tpu.memory_space<semaphore_mem>>, %arg36: memref<!tpu.dma_semaphore, #tpu.memory_space<semaphore_mem>>, %arg37: memref<!tpu.dma_semaphore, #tpu.memory_space<semaphore_mem>>, %arg38: memref<!tpu.dma_semaphore, #tpu.memory_space<semaphore_mem>>) attributes {dimension_semantics = [#tpu.dimension_semantics<core_parallel>, #tpu.dimension_semantics<subcore_parallel>], iteration_bounds = array<i64: 2, 16>, scalar_prefetch = 0 : i64, scratch_operands = 31 : i64, tpu.core_type = #tpu.core_type<sc_vector_subcore>, window_params = [{transform_indices = #map}, {transform_indices = #map1}, {transform_indices = #map1}, {transform_indices = #map}, {transform_indices = #map}, {transform_indices = #map}]} {
    %mul3A = arith.constant 640 : i32
    %mul3A_0 = arith.muli %arg1, %mul3A : i32
    "tpu.region"() ({
      %run_scoped3A = tpu.sem_alloc : memref<!tpu.dma_semaphore, #tpu.memory_space<semaphore_mem>>
      %dma_start3A = arith.constant 0 : i32
      %dma_start3A_17 = tpu.memref_slice %arg8[%mul3A_0, %dma_start3A] : memref<10240x128xf32, #tpu.memory_space<vmem_shared>> -> memref<640x128xf32, #tpu.memory_space<vmem_shared>>
      tpu.enqueue_dma source(%arg5 : memref<640x128xf32, #tpu.memory_space<hbm>>) target(%dma_start3A_17 : memref<640x128xf32, #tpu.memory_space<vmem_shared>>) target_semaphore(%run_scoped3A : memref<!tpu.dma_semaphore, #tpu.memory_space<semaphore_mem>>)
      %dma_wait3A = arith.constant 0 : i32
      %dma_wait3A_18 = tpu.memref_slice %arg8[%mul3A_0, %dma_wait3A] : memref<10240x128xf32, #tpu.memory_space<vmem_shared>> -> memref<640x128xf32, #tpu.memory_space<vmem_shared>>
      tpu.wait_dma2 semaphore(%run_scoped3A : memref<!tpu.dma_semaphore, #tpu.memory_space<semaphore_mem>>) src(%arg5 : memref<640x128xf32, #tpu.memory_space<hbm>>) dst(%dma_wait3A_18 : memref<640x128xf32, #tpu.memory_space<vmem_shared>>)
      tpu.yield
    }) : () -> ()
    %barrier3A = arith.constant 0 : index
    tpu.barrier barrier_id(%barrier3A)
    %mul3A_1 = arith.constant 160000 : i32
    %mul3A_2 = arith.muli %arg0, %mul3A_1 : i32
    %mul3A_3 = arith.constant 10000 : i32
    %mul3A_4 = arith.muli %arg1, %mul3A_3 : i32
    %add3A = arith.addi %mul3A_2, %mul3A_4 : i32
    %scan3A = arith.constant 0 : i32
    %scan3A_5 = arith.constant 50 : i32
    %scan3A_6 = arith.addi %scan3A, %scan3A_5 : i32
    %scan3A_7 = arith.constant 1 : i32
    scf.for %scan3A_17 = %scan3A to %scan3A_6 step %scan3A_7  : i32 {
      %mul3A_18 = arith.constant 200 : i32
      %mul3A_19 = arith.muli %scan3A_17, %mul3A_18 : i32
      %add3A_20 = arith.addi %add3A, %mul3A_19 : i32
      %add3A_21 = arith.constant 0 : i32
      %add3A_22 = arith.addi %add3A_20, %add3A_21 : i32
      %dma_start3A = tpu.memref_slice %arg3[%add3A_22] : memref<320000xi32, #tpu.memory_space<hbm>> -> memref<40xi32, #tpu.memory_space<hbm>>
      %dma_start3A_23 = tpu.memref_slice %arg3[%add3A_22] : memref<320000xi32, #tpu.memory_space<hbm>> -> memref<40xi32, #tpu.memory_space<hbm>>
      tpu.enqueue_dma source(%dma_start3A_23 : memref<40xi32, #tpu.memory_space<hbm>>) target(%arg9 : memref<40xi32, #tpu.memory_space<vmem>>) target_semaphore(%arg29 : memref<!tpu.dma_semaphore, #tpu.memory_space<semaphore_mem>>)
      %add3A_24 = arith.constant 0 : i32
      %add3A_25 = arith.addi %add3A_20, %add3A_24 : i32
      %dma_start3A_26 = tpu.memref_slice %arg4[%add3A_25] : memref<320000xi32, #tpu.memory_space<hbm>> -> memref<40xi32, #tpu.memory_space<hbm>>
      %dma_start3A_27 = tpu.memref_slice %arg4[%add3A_25] : memref<320000xi32, #tpu.memory_space<hbm>> -> memref<40xi32, #tpu.memory_space<hbm>>
      tpu.enqueue_dma source(%dma_start3A_27 : memref<40xi32, #tpu.memory_space<hbm>>) target(%arg14 : memref<40xi32, #tpu.memory_space<vmem>>) target_semaphore(%arg34 : memref<!tpu.dma_semaphore, #tpu.memory_space<semaphore_mem>>)
      %add3A_28 = arith.constant 40 : i32
      %add3A_29 = arith.addi %add3A_20, %add3A_28 : i32
      %dma_start3A_30 = tpu.memref_slice %arg3[%add3A_29] : memref<320000xi32, #tpu.memory_space<hbm>> -> memref<40xi32, #tpu.memory_space<hbm>>
      %dma_start3A_31 = tpu.memref_slice %arg3[%add3A_29] : memref<320000xi32, #tpu.memory_space<hbm>> -> memref<40xi32, #tpu.memory_space<hbm>>
      tpu.enqueue_dma source(%dma_start3A_31 : memref<40xi32, #tpu.memory_space<hbm>>) target(%arg10 : memref<40xi32, #tpu.memory_space<vmem>>) target_semaphore(%arg30 : memref<!tpu.dma_semaphore, #tpu.memory_space<semaphore_mem>>)
      %add3A_32 = arith.constant 40 : i32
      %add3A_33 = arith.addi %add3A_20, %add3A_32 : i32
      %dma_start3A_34 = tpu.memref_slice %arg4[%add3A_33] : memref<320000xi32, #tpu.memory_space<hbm>> -> memref<40xi32, #tpu.memory_space<hbm>>
      %dma_start3A_35 = tpu.memref_slice %arg4[%add3A_33] : memref<320000xi32, #tpu.memory_space<hbm>> -> memref<40xi32, #tpu.memory_space<hbm>>
      tpu.enqueue_dma source(%dma_start3A_35 : memref<40xi32, #tpu.memory_space<hbm>>) target(%arg15 : memref<40xi32, #tpu.memory_space<vmem>>) target_semaphore(%arg35 : memref<!tpu.dma_semaphore, #tpu.memory_space<semaphore_mem>>)
      %add3A_36 = arith.constant 80 : i32
      %add3A_37 = arith.addi %add3A_20, %add3A_36 : i32
      %dma_start3A_38 = tpu.memref_slice %arg3[%add3A_37] : memref<320000xi32, #tpu.memory_space<hbm>> -> memref<40xi32, #tpu.memory_space<hbm>>
      %dma_start3A_39 = tpu.memref_slice %arg3[%add3A_37] : memref<320000xi32, #tpu.memory_space<hbm>> -> memref<40xi32, #tpu.memory_space<hbm>>
      tpu.enqueue_dma source(%dma_start3A_39 : memref<40xi32, #tpu.memory_space<hbm>>) target(%arg11 : memref<40xi32, #tpu.memory_space<vmem>>) target_semaphore(%arg31 : memref<!tpu.dma_semaphore, #tpu.memory_space<semaphore_mem>>)
      %add3A_40 = arith.constant 80 : i32
      %add3A_41 = arith.addi %add3A_20, %add3A_40 : i32
      %dma_start3A_42 = tpu.memref_slice %arg4[%add3A_41] : memref<320000xi32, #tpu.memory_space<hbm>> -> memref<40xi32, #tpu.memory_space<hbm>>
      %dma_start3A_43 = tpu.memref_slice %arg4[%add3A_41] : memref<320000xi32, #tpu.memory_space<hbm>> -> memref<40xi32, #tpu.memory_space<hbm>>
      tpu.enqueue_dma source(%dma_start3A_43 : memref<40xi32, #tpu.memory_space<hbm>>) target(%arg16 : memref<40xi32, #tpu.memory_space<vmem>>) target_semaphore(%arg36 : memref<!tpu.dma_semaphore, #tpu.memory_space<semaphore_mem>>)
      %add3A_44 = arith.constant 120 : i32
      %add3A_45 = arith.addi %add3A_20, %add3A_44 : i32
      %dma_start3A_46 = tpu.memref_slice %arg3[%add3A_45] : memref<320000xi32, #tpu.memory_space<hbm>> -> memref<40xi32, #tpu.memory_space<hbm>>
      %dma_start3A_47 = tpu.memref_slice %arg3[%add3A_45] : memref<320000xi32, #tpu.memory_space<hbm>> -> memref<40xi32, #tpu.memory_space<hbm>>
      tpu.enqueue_dma source(%dma_start3A_47 : memref<40xi32, #tpu.memory_space<hbm>>) target(%arg12 : memref<40xi32, #tpu.memory_space<vmem>>) target_semaphore(%arg32 : memref<!tpu.dma_semaphore, #tpu.memory_space<semaphore_mem>>)
      %add3A_48 = arith.constant 120 : i32
      %add3A_49 = arith.addi %add3A_20, %add3A_48 : i32
      %dma_start3A_50 = tpu.memref_slice %arg4[%add3A_49] : memref<320000xi32, #tpu.memory_space<hbm>> -> memref<40xi32, #tpu.memory_space<hbm>>
      %dma_start3A_51 = tpu.memref_slice %arg4[%add3A_49] : memref<320000xi32, #tpu.memory_space<hbm>> -> memref<40xi32, #tpu.memory_space<hbm>>
      tpu.enqueue_dma source(%dma_start3A_51 : memref<40xi32, #tpu.memory_space<hbm>>) target(%arg17 : memref<40xi32, #tpu.memory_space<vmem>>) target_semaphore(%arg37 : memref<!tpu.dma_semaphore, #tpu.memory_space<semaphore_mem>>)
      %add3A_52 = arith.constant 160 : i32
      %add3A_53 = arith.addi %add3A_20, %add3A_52 : i32
      %dma_start3A_54 = tpu.memref_slice %arg3[%add3A_53] : memref<320000xi32, #tpu.memory_space<hbm>> -> memref<40xi32, #tpu.memory_space<hbm>>
      %dma_start3A_55 = tpu.memref_slice %arg3[%add3A_53] : memref<320000xi32, #tpu.memory_space<hbm>> -> memref<40xi32, #tpu.memory_space<hbm>>
      tpu.enqueue_dma source(%dma_start3A_55 : memref<40xi32, #tpu.memory_space<hbm>>) target(%arg13 : memref<40xi32, #tpu.memory_space<vmem>>) target_semaphore(%arg33 : memref<!tpu.dma_semaphore, #tpu.memory_space<semaphore_mem>>)
      %add3A_56 = arith.constant 160 : i32
      %add3A_57 = arith.addi %add3A_20, %add3A_56 : i32
      %dma_start3A_58 = tpu.memref_slice %arg4[%add3A_57] : memref<320000xi32, #tpu.memory_space<hbm>> -> memref<40xi32, #tpu.memory_space<hbm>>
      %dma_start3A_59 = tpu.memref_slice %arg4[%add3A_57] : memref<320000xi32, #tpu.memory_space<hbm>> -> memref<40xi32, #tpu.memory_space<hbm>>
      tpu.enqueue_dma source(%dma_start3A_59 : memref<40xi32, #tpu.memory_space<hbm>>) target(%arg18 : memref<40xi32, #tpu.memory_space<vmem>>) target_semaphore(%arg38 : memref<!tpu.dma_semaphore, #tpu.memory_space<semaphore_mem>>)
      %dma_wait3A = tpu.memref_slice %arg3[%add3A_22] : memref<320000xi32, #tpu.memory_space<hbm>> -> memref<40xi32, #tpu.memory_space<hbm>>
      %dma_wait3A_60 = tpu.memref_slice %arg3[%add3A_22] : memref<320000xi32, #tpu.memory_space<hbm>> -> memref<40xi32, #tpu.memory_space<hbm>>
      tpu.wait_dma2 semaphore(%arg29 : memref<!tpu.dma_semaphore, #tpu.memory_space<semaphore_mem>>) src(%dma_wait3A_60 : memref<40xi32, #tpu.memory_space<hbm>>) dst(%arg9 : memref<40xi32, #tpu.memory_space<vmem>>)
      %dma_start3A_61 = arith.constant 0 : i32
      %dma_start3A_62 = arith.constant 0 : i32
      %dma_start3A_63 = tpu.memref_slice %arg2[%dma_start3A_61, %dma_start3A_62] : memref<10000x128xf32, #tpu.memory_space<hbm>> -> memref<10000x128xf32, #tpu.memory_space<hbm>>
      tpu.enqueue_indirect_dma source(%dma_start3A_63 : memref<10000x128xf32, #tpu.memory_space<hbm>>) target(%arg19 : memref<40x128xf32, #tpu.memory_space<vmem>>) offsets(%arg9 : memref<40xi32, #tpu.memory_space<vmem>>) semaphore(%arg24 : memref<!tpu.dma_semaphore, #tpu.memory_space<semaphore_mem>>)
      %dma_wait3A_64 = tpu.memref_slice %arg3[%add3A_29] : memref<320000xi32, #tpu.memory_space<hbm>> -> memref<40xi32, #tpu.memory_space<hbm>>
      %dma_wait3A_65 = tpu.memref_slice %arg3[%add3A_29] : memref<320000xi32, #tpu.memory_space<hbm>> -> memref<40xi32, #tpu.memory_space<hbm>>
      tpu.wait_dma2 semaphore(%arg30 : memref<!tpu.dma_semaphore, #tpu.memory_space<semaphore_mem>>) src(%dma_wait3A_65 : memref<40xi32, #tpu.memory_space<hbm>>) dst(%arg10 : memref<40xi32, #tpu.memory_space<vmem>>)
      %dma_start3A_66 = arith.constant 0 : i32
      %dma_start3A_67 = arith.constant 0 : i32
      %dma_start3A_68 = tpu.memref_slice %arg2[%dma_start3A_66, %dma_start3A_67] : memref<10000x128xf32, #tpu.memory_space<hbm>> -> memref<10000x128xf32, #tpu.memory_space<hbm>>
      tpu.enqueue_indirect_dma source(%dma_start3A_68 : memref<10000x128xf32, #tpu.memory_space<hbm>>) target(%arg20 : memref<40x128xf32, #tpu.memory_space<vmem>>) offsets(%arg10 : memref<40xi32, #tpu.memory_space<vmem>>) semaphore(%arg25 : memref<!tpu.dma_semaphore, #tpu.memory_space<semaphore_mem>>)
      %dma_wait3A_69 = tpu.memref_slice %arg3[%add3A_37] : memref<320000xi32, #tpu.memory_space<hbm>> -> memref<40xi32, #tpu.memory_space<hbm>>
      %dma_wait3A_70 = tpu.memref_slice %arg3[%add3A_37] : memref<320000xi32, #tpu.memory_space<hbm>> -> memref<40xi32, #tpu.memory_space<hbm>>
      tpu.wait_dma2 semaphore(%arg31 : memref<!tpu.dma_semaphore, #tpu.memory_space<semaphore_mem>>) src(%dma_wait3A_70 : memref<40xi32, #tpu.memory_space<hbm>>) dst(%arg11 : memref<40xi32, #tpu.memory_space<vmem>>)
      %dma_start3A_71 = arith.constant 0 : i32
      %dma_start3A_72 = arith.constant 0 : i32
      %dma_start3A_73 = tpu.memref_slice %arg2[%dma_start3A_71, %dma_start3A_72] : memref<10000x128xf32, #tpu.memory_space<hbm>> -> memref<10000x128xf32, #tpu.memory_space<hbm>>
      tpu.enqueue_indirect_dma source(%dma_start3A_73 : memref<10000x128xf32, #tpu.memory_space<hbm>>) target(%arg21 : memref<40x128xf32, #tpu.memory_space<vmem>>) offsets(%arg11 : memref<40xi32, #tpu.memory_space<vmem>>) semaphore(%arg26 : memref<!tpu.dma_semaphore, #tpu.memory_space<semaphore_mem>>)
      %dma_wait3A_74 = tpu.memref_slice %arg3[%add3A_45] : memref<320000xi32, #tpu.memory_space<hbm>> -> memref<40xi32, #tpu.memory_space<hbm>>
      %dma_wait3A_75 = tpu.memref_slice %arg3[%add3A_45] : memref<320000xi32, #tpu.memory_space<hbm>> -> memref<40xi32, #tpu.memory_space<hbm>>
      tpu.wait_dma2 semaphore(%arg32 : memref<!tpu.dma_semaphore, #tpu.memory_space<semaphore_mem>>) src(%dma_wait3A_75 : memref<40xi32, #tpu.memory_space<hbm>>) dst(%arg12 : memref<40xi32, #tpu.memory_space<vmem>>)
      %dma_start3A_76 = arith.constant 0 : i32
      %dma_start3A_77 = arith.constant 0 : i32
      %dma_start3A_78 = tpu.memref_slice %arg2[%dma_start3A_76, %dma_start3A_77] : memref<10000x128xf32, #tpu.memory_space<hbm>> -> memref<10000x128xf32, #tpu.memory_space<hbm>>
      tpu.enqueue_indirect_dma source(%dma_start3A_78 : memref<10000x128xf32, #tpu.memory_space<hbm>>) target(%arg22 : memref<40x128xf32, #tpu.memory_space<vmem>>) offsets(%arg12 : memref<40xi32, #tpu.memory_space<vmem>>) semaphore(%arg27 : memref<!tpu.dma_semaphore, #tpu.memory_space<semaphore_mem>>)
      %dma_wait3A_79 = tpu.memref_slice %arg3[%add3A_53] : memref<320000xi32, #tpu.memory_space<hbm>> -> memref<40xi32, #tpu.memory_space<hbm>>
      %dma_wait3A_80 = tpu.memref_slice %arg3[%add3A_53] : memref<320000xi32, #tpu.memory_space<hbm>> -> memref<40xi32, #tpu.memory_space<hbm>>
      tpu.wait_dma2 semaphore(%arg33 : memref<!tpu.dma_semaphore, #tpu.memory_space<semaphore_mem>>) src(%dma_wait3A_80 : memref<40xi32, #tpu.memory_space<hbm>>) dst(%arg13 : memref<40xi32, #tpu.memory_space<vmem>>)
      %dma_start3A_81 = arith.constant 0 : i32
      %dma_start3A_82 = arith.constant 0 : i32
      %dma_start3A_83 = tpu.memref_slice %arg2[%dma_start3A_81, %dma_start3A_82] : memref<10000x128xf32, #tpu.memory_space<hbm>> -> memref<10000x128xf32, #tpu.memory_space<hbm>>
      tpu.enqueue_indirect_dma source(%dma_start3A_83 : memref<10000x128xf32, #tpu.memory_space<hbm>>) target(%arg23 : memref<40x128xf32, #tpu.memory_space<vmem>>) offsets(%arg13 : memref<40xi32, #tpu.memory_space<vmem>>) semaphore(%arg28 : memref<!tpu.dma_semaphore, #tpu.memory_space<semaphore_mem>>)
      %dma_wait3A_84 = arith.constant 0 : i32
      %dma_wait3A_85 = arith.constant 0 : i32
      %dma_wait3A_86 = tpu.memref_slice %arg2[%dma_wait3A_84, %dma_wait3A_85] : memref<10000x128xf32, #tpu.memory_space<hbm>> -> memref<10000x128xf32, #tpu.memory_space<hbm>>
      tpu.wait_indirect_dma semaphore(%arg24 : memref<!tpu.dma_semaphore, #tpu.memory_space<semaphore_mem>>) src(%dma_wait3A_86 : memref<10000x128xf32, #tpu.memory_space<hbm>>) dst(%arg19 : memref<40x128xf32, #tpu.memory_space<vmem>>)
      %dma_wait3A_87 = tpu.memref_slice %arg4[%add3A_25] : memref<320000xi32, #tpu.memory_space<hbm>> -> memref<40xi32, #tpu.memory_space<hbm>>
      %dma_wait3A_88 = tpu.memref_slice %arg4[%add3A_25] : memref<320000xi32, #tpu.memory_space<hbm>> -> memref<40xi32, #tpu.memory_space<hbm>>
      tpu.wait_dma2 semaphore(%arg34 : memref<!tpu.dma_semaphore, #tpu.memory_space<semaphore_mem>>) src(%dma_wait3A_88 : memref<40xi32, #tpu.memory_space<hbm>>) dst(%arg14 : memref<40xi32, #tpu.memory_space<vmem>>)
      "tpu.region"() ({
        %run_scoped3A = tpu.sem_alloc : memref<!tpu.dma_semaphore, #tpu.memory_space<semaphore_mem>>
        %dma_start3A_109 = arith.constant 0 : i32
        %dma_start3A_110 = arith.constant 0 : i32
        %dma_start3A_111 = tpu.memref_slice %arg8[%dma_start3A_109, %dma_start3A_110] : memref<10240x128xf32, #tpu.memory_space<vmem_shared>> -> memref<10240x128xf32, #tpu.memory_space<vmem_shared>>
        tpu.enqueue_indirect_dma source(%arg19 : memref<40x128xf32, #tpu.memory_space<vmem>>) target(%dma_start3A_111 : memref<10240x128xf32, #tpu.memory_space<vmem_shared>>) offsets(%arg14 : memref<40xi32, #tpu.memory_space<vmem>>) semaphore(%run_scoped3A : memref<!tpu.dma_semaphore, #tpu.memory_space<semaphore_mem>>) {add = true}
        %dma_wait3A_112 = arith.constant 0 : i32
        %dma_wait3A_113 = arith.constant 0 : i32
        %dma_wait3A_114 = tpu.memref_slice %arg8[%dma_wait3A_112, %dma_wait3A_113] : memref<10240x128xf32, #tpu.memory_space<vmem_shared>> -> memref<10240x128xf32, #tpu.memory_space<vmem_shared>>
        tpu.wait_indirect_dma semaphore(%run_scoped3A : memref<!tpu.dma_semaphore, #tpu.memory_space<semaphore_mem>>) src(%arg19 : memref<40x128xf32, #tpu.memory_space<vmem>>) dst(%dma_wait3A_114 : memref<10240x128xf32, #tpu.memory_space<vmem_shared>>)
        tpu.yield
      }) : () -> ()
      %dma_wait3A_89 = arith.constant 0 : i32
      %dma_wait3A_90 = arith.constant 0 : i32
      %dma_wait3A_91 = tpu.memref_slice %arg2[%dma_wait3A_89, %dma_wait3A_90] : memref<10000x128xf32, #tpu.memory_space<hbm>> -> memref<10000x128xf32, #tpu.memory_space<hbm>>
      tpu.wait_indirect_dma semaphore(%arg25 : memref<!tpu.dma_semaphore, #tpu.memory_space<semaphore_mem>>) src(%dma_wait3A_91 : memref<10000x128xf32, #tpu.memory_space<hbm>>) dst(%arg20 : memref<40x128xf32, #tpu.memory_space<vmem>>)
      %dma_wait3A_92 = tpu.memref_slice %arg4[%add3A_33] : memref<320000xi32, #tpu.memory_space<hbm>> -> memref<40xi32, #tpu.memory_space<hbm>>
      %dma_wait3A_93 = tpu.memref_slice %arg4[%add3A_33] : memref<320000xi32, #tpu.memory_space<hbm>> -> memref<40xi32, #tpu.memory_space<hbm>>
      tpu.wait_dma2 semaphore(%arg35 : memref<!tpu.dma_semaphore, #tpu.memory_space<semaphore_mem>>) src(%dma_wait3A_93 : memref<40xi32, #tpu.memory_space<hbm>>) dst(%arg15 : memref<40xi32, #tpu.memory_space<vmem>>)
      "tpu.region"() ({
        %run_scoped3A = tpu.sem_alloc : memref<!tpu.dma_semaphore, #tpu.memory_space<semaphore_mem>>
        %dma_start3A_109 = arith.constant 0 : i32
        %dma_start3A_110 = arith.constant 0 : i32
        %dma_start3A_111 = tpu.memref_slice %arg8[%dma_start3A_109, %dma_start3A_110] : memref<10240x128xf32, #tpu.memory_space<vmem_shared>> -> memref<10240x128xf32, #tpu.memory_space<vmem_shared>>
        tpu.enqueue_indirect_dma source(%arg20 : memref<40x128xf32, #tpu.memory_space<vmem>>) target(%dma_start3A_111 : memref<10240x128xf32, #tpu.memory_space<vmem_shared>>) offsets(%arg15 : memref<40xi32, #tpu.memory_space<vmem>>) semaphore(%run_scoped3A : memref<!tpu.dma_semaphore, #tpu.memory_space<semaphore_mem>>) {add = true}
        %dma_wait3A_112 = arith.constant 0 : i32
        %dma_wait3A_113 = arith.constant 0 : i32
        %dma_wait3A_114 = tpu.memref_slice %arg8[%dma_wait3A_112, %dma_wait3A_113] : memref<10240x128xf32, #tpu.memory_space<vmem_shared>> -> memref<10240x128xf32, #tpu.memory_space<vmem_shared>>
        tpu.wait_indirect_dma semaphore(%run_scoped3A : memref<!tpu.dma_semaphore, #tpu.memory_space<semaphore_mem>>) src(%arg20 : memref<40x128xf32, #tpu.memory_space<vmem>>) dst(%dma_wait3A_114 : memref<10240x128xf32, #tpu.memory_space<vmem_shared>>)
        tpu.yield
      }) : () -> ()
      %dma_wait3A_94 = arith.constant 0 : i32
      %dma_wait3A_95 = arith.constant 0 : i32
      %dma_wait3A_96 = tpu.memref_slice %arg2[%dma_wait3A_94, %dma_wait3A_95] : memref<10000x128xf32, #tpu.memory_space<hbm>> -> memref<10000x128xf32, #tpu.memory_space<hbm>>
      tpu.wait_indirect_dma semaphore(%arg26 : memref<!tpu.dma_semaphore, #tpu.memory_space<semaphore_mem>>) src(%dma_wait3A_96 : memref<10000x128xf32, #tpu.memory_space<hbm>>) dst(%arg21 : memref<40x128xf32, #tpu.memory_space<vmem>>)
      %dma_wait3A_97 = tpu.memref_slice %arg4[%add3A_41] : memref<320000xi32, #tpu.memory_space<hbm>> -> memref<40xi32, #tpu.memory_space<hbm>>
      %dma_wait3A_98 = tpu.memref_slice %arg4[%add3A_41] : memref<320000xi32, #tpu.memory_space<hbm>> -> memref<40xi32, #tpu.memory_space<hbm>>
      tpu.wait_dma2 semaphore(%arg36 : memref<!tpu.dma_semaphore, #tpu.memory_space<semaphore_mem>>) src(%dma_wait3A_98 : memref<40xi32, #tpu.memory_space<hbm>>) dst(%arg16 : memref<40xi32, #tpu.memory_space<vmem>>)
      "tpu.region"() ({
        %run_scoped3A = tpu.sem_alloc : memref<!tpu.dma_semaphore, #tpu.memory_space<semaphore_mem>>
        %dma_start3A_109 = arith.constant 0 : i32
        %dma_start3A_110 = arith.constant 0 : i32
        %dma_start3A_111 = tpu.memref_slice %arg8[%dma_start3A_109, %dma_start3A_110] : memref<10240x128xf32, #tpu.memory_space<vmem_shared>> -> memref<10240x128xf32, #tpu.memory_space<vmem_shared>>
        tpu.enqueue_indirect_dma source(%arg21 : memref<40x128xf32, #tpu.memory_space<vmem>>) target(%dma_start3A_111 : memref<10240x128xf32, #tpu.memory_space<vmem_shared>>) offsets(%arg16 : memref<40xi32, #tpu.memory_space<vmem>>) semaphore(%run_scoped3A : memref<!tpu.dma_semaphore, #tpu.memory_space<semaphore_mem>>) {add = true}
        %dma_wait3A_112 = arith.constant 0 : i32
        %dma_wait3A_113 = arith.constant 0 : i32
        %dma_wait3A_114 = tpu.memref_slice %arg8[%dma_wait3A_112, %dma_wait3A_113] : memref<10240x128xf32, #tpu.memory_space<vmem_shared>> -> memref<10240x128xf32, #tpu.memory_space<vmem_shared>>
        tpu.wait_indirect_dma semaphore(%run_scoped3A : memref<!tpu.dma_semaphore, #tpu.memory_space<semaphore_mem>>) src(%arg21 : memref<40x128xf32, #tpu.memory_space<vmem>>) dst(%dma_wait3A_114 : memref<10240x128xf32, #tpu.memory_space<vmem_shared>>)
        tpu.yield
      }) : () -> ()
      %dma_wait3A_99 = arith.constant 0 : i32
      %dma_wait3A_100 = arith.constant 0 : i32
      %dma_wait3A_101 = tpu.memref_slice %arg2[%dma_wait3A_99, %dma_wait3A_100] : memref<10000x128xf32, #tpu.memory_space<hbm>> -> memref<10000x128xf32, #tpu.memory_space<hbm>>
      tpu.wait_indirect_dma semaphore(%arg27 : memref<!tpu.dma_semaphore, #tpu.memory_space<semaphore_mem>>) src(%dma_wait3A_101 : memref<10000x128xf32, #tpu.memory_space<hbm>>) dst(%arg22 : memref<40x128xf32, #tpu.memory_space<vmem>>)
      %dma_wait3A_102 = tpu.memref_slice %arg4[%add3A_49] : memref<320000xi32, #tpu.memory_space<hbm>> -> memref<40xi32, #tpu.memory_space<hbm>>
      %dma_wait3A_103 = tpu.memref_slice %arg4[%add3A_49] : memref<320000xi32, #tpu.memory_space<hbm>> -> memref<40xi32, #tpu.memory_space<hbm>>
      tpu.wait_dma2 semaphore(%arg37 : memref<!tpu.dma_semaphore, #tpu.memory_space<semaphore_mem>>) src(%dma_wait3A_103 : memref<40xi32, #tpu.memory_space<hbm>>) dst(%arg17 : memref<40xi32, #tpu.memory_space<vmem>>)
      "tpu.region"() ({
        %run_scoped3A = tpu.sem_alloc : memref<!tpu.dma_semaphore, #tpu.memory_space<semaphore_mem>>
        %dma_start3A_109 = arith.constant 0 : i32
        %dma_start3A_110 = arith.constant 0 : i32
        %dma_start3A_111 = tpu.memref_slice %arg8[%dma_start3A_109, %dma_start3A_110] : memref<10240x128xf32, #tpu.memory_space<vmem_shared>> -> memref<10240x128xf32, #tpu.memory_space<vmem_shared>>
        tpu.enqueue_indirect_dma source(%arg22 : memref<40x128xf32, #tpu.memory_space<vmem>>) target(%dma_start3A_111 : memref<10240x128xf32, #tpu.memory_space<vmem_shared>>) offsets(%arg17 : memref<40xi32, #tpu.memory_space<vmem>>) semaphore(%run_scoped3A : memref<!tpu.dma_semaphore, #tpu.memory_space<semaphore_mem>>) {add = true}
        %dma_wait3A_112 = arith.constant 0 : i32
        %dma_wait3A_113 = arith.constant 0 : i32
        %dma_wait3A_114 = tpu.memref_slice %arg8[%dma_wait3A_112, %dma_wait3A_113] : memref<10240x128xf32, #tpu.memory_space<vmem_shared>> -> memref<10240x128xf32, #tpu.memory_space<vmem_shared>>
        tpu.wait_indirect_dma semaphore(%run_scoped3A : memref<!tpu.dma_semaphore, #tpu.memory_space<semaphore_mem>>) src(%arg22 : memref<40x128xf32, #tpu.memory_space<vmem>>) dst(%dma_wait3A_114 : memref<10240x128xf32, #tpu.memory_space<vmem_shared>>)
        tpu.yield
      }) : () -> ()
      %dma_wait3A_104 = arith.constant 0 : i32
      %dma_wait3A_105 = arith.constant 0 : i32
      %dma_wait3A_106 = tpu.memref_slice %arg2[%dma_wait3A_104, %dma_wait3A_105] : memref<10000x128xf32, #tpu.memory_space<hbm>> -> memref<10000x128xf32, #tpu.memory_space<hbm>>
      tpu.wait_indirect_dma semaphore(%arg28 : memref<!tpu.dma_semaphore, #tpu.memory_space<semaphore_mem>>) src(%dma_wait3A_106 : memref<10000x128xf32, #tpu.memory_space<hbm>>) dst(%arg23 : memref<40x128xf32, #tpu.memory_space<vmem>>)
      %dma_wait3A_107 = tpu.memref_slice %arg4[%add3A_57] : memref<320000xi32, #tpu.memory_space<hbm>> -> memref<40xi32, #tpu.memory_space<hbm>>
      %dma_wait3A_108 = tpu.memref_slice %arg4[%add3A_57] : memref<320000xi32, #tpu.memory_space<hbm>> -> memref<40xi32, #tpu.memory_space<hbm>>
      tpu.wait_dma2 semaphore(%arg38 : memref<!tpu.dma_semaphore, #tpu.memory_space<semaphore_mem>>) src(%dma_wait3A_108 : memref<40xi32, #tpu.memory_space<hbm>>) dst(%arg18 : memref<40xi32, #tpu.memory_space<vmem>>)
      "tpu.region"() ({
        %run_scoped3A = tpu.sem_alloc : memref<!tpu.dma_semaphore, #tpu.memory_space<semaphore_mem>>
        %dma_start3A_109 = arith.constant 0 : i32
        %dma_start3A_110 = arith.constant 0 : i32
        %dma_start3A_111 = tpu.memref_slice %arg8[%dma_start3A_109, %dma_start3A_110] : memref<10240x128xf32, #tpu.memory_space<vmem_shared>> -> memref<10240x128xf32, #tpu.memory_space<vmem_shared>>
        tpu.enqueue_indirect_dma source(%arg23 : memref<40x128xf32, #tpu.memory_space<vmem>>) target(%dma_start3A_111 : memref<10240x128xf32, #tpu.memory_space<vmem_shared>>) offsets(%arg18 : memref<40xi32, #tpu.memory_space<vmem>>) semaphore(%run_scoped3A : memref<!tpu.dma_semaphore, #tpu.memory_space<semaphore_mem>>) {add = true}
        %dma_wait3A_112 = arith.constant 0 : i32
        %dma_wait3A_113 = arith.constant 0 : i32
        %dma_wait3A_114 = tpu.memref_slice %arg8[%dma_wait3A_112, %dma_wait3A_113] : memref<10240x128xf32, #tpu.memory_space<vmem_shared>> -> memref<10240x128xf32, #tpu.memory_space<vmem_shared>>
        tpu.wait_indirect_dma semaphore(%run_scoped3A : memref<!tpu.dma_semaphore, #tpu.memory_space<semaphore_mem>>) src(%arg23 : memref<40x128xf32, #tpu.memory_space<vmem>>) dst(%dma_wait3A_114 : memref<10240x128xf32, #tpu.memory_space<vmem_shared>>)
        tpu.yield
      }) : () -> ()
    }
    %scan3A_8 = arith.constant 50 : i32
    %barrier3A_9 = arith.constant 0 : index
    tpu.barrier barrier_id(%barrier3A_9)
    %eq3A = arith.constant 0 : i32
    %eq3A_10 = arith.cmpi eq, %arg0, %eq3A : i32
    %convert_element_type3A = arith.extui %eq3A_10 : i1 to i32
    %cond3A = arith.constant 0 : i32
    %cond3A_11 = arith.cmpi ne, %convert_element_type3A, %cond3A : i32
    scf.if %cond3A_11 {
      "tpu.region"() ({
        %run_scoped3A = tpu.sem_alloc : memref<!tpu.dma_semaphore, #tpu.memory_space<semaphore_mem>>
        %dma_start3A = arith.constant 0 : i32
        %dma_start3A_17 = tpu.memref_slice %arg6[%mul3A_0, %dma_start3A] : memref<10240x128xf32, #tpu.memory_space<hbm>> -> memref<640x128xf32, #tpu.memory_space<hbm>>
        %dma_start3A_18 = arith.constant 0 : i32
        %dma_start3A_19 = tpu.memref_slice %arg8[%mul3A_0, %dma_start3A_18] : memref<10240x128xf32, #tpu.memory_space<vmem_shared>> -> memref<640x128xf32, #tpu.memory_space<vmem_shared>>
        tpu.enqueue_dma source(%dma_start3A_19 : memref<640x128xf32, #tpu.memory_space<vmem_shared>>) target(%dma_start3A_17 : memref<640x128xf32, #tpu.memory_space<hbm>>) target_semaphore(%run_scoped3A : memref<!tpu.dma_semaphore, #tpu.memory_space<semaphore_mem>>)
        %dma_wait3A = arith.constant 0 : i32
        %dma_wait3A_20 = tpu.memref_slice %arg6[%mul3A_0, %dma_wait3A] : memref<10240x128xf32, #tpu.memory_space<hbm>> -> memref<640x128xf32, #tpu.memory_space<hbm>>
        %dma_wait3A_21 = arith.constant 0 : i32
        %dma_wait3A_22 = tpu.memref_slice %arg8[%mul3A_0, %dma_wait3A_21] : memref<10240x128xf32, #tpu.memory_space<vmem_shared>> -> memref<640x128xf32, #tpu.memory_space<vmem_shared>>
        tpu.wait_dma2 semaphore(%run_scoped3A : memref<!tpu.dma_semaphore, #tpu.memory_space<semaphore_mem>>) src(%dma_wait3A_22 : memref<640x128xf32, #tpu.memory_space<vmem_shared>>) dst(%dma_wait3A_20 : memref<640x128xf32, #tpu.memory_space<hbm>>)
        tpu.yield
      }) : () -> ()
    } else {
    }
    %eq3A_12 = arith.constant 1 : i32
    %eq3A_13 = arith.cmpi eq, %arg0, %eq3A_12 : i32
    %convert_element_type3A_14 = arith.extui %eq3A_13 : i1 to i32
    %cond3A_15 = arith.constant 0 : i32
    %cond3A_16 = arith.cmpi ne, %convert_element_type3A_14, %cond3A_15 : i32
    scf.if %cond3A_16 {
      "tpu.region"() ({
        %run_scoped3A = tpu.sem_alloc : memref<!tpu.dma_semaphore, #tpu.memory_space<semaphore_mem>>
        %dma_start3A = arith.constant 0 : i32
        %dma_start3A_17 = tpu.memref_slice %arg7[%mul3A_0, %dma_start3A] : memref<10240x128xf32, #tpu.memory_space<hbm>> -> memref<640x128xf32, #tpu.memory_space<hbm>>
        %dma_start3A_18 = arith.constant 0 : i32
        %dma_start3A_19 = tpu.memref_slice %arg8[%mul3A_0, %dma_start3A_18] : memref<10240x128xf32, #tpu.memory_space<vmem_shared>> -> memref<640x128xf32, #tpu.memory_space<vmem_shared>>
        tpu.enqueue_dma source(%dma_start3A_19 : memref<640x128xf32, #tpu.memory_space<vmem_shared>>) target(%dma_start3A_17 : memref<640x128xf32, #tpu.memory_space<hbm>>) target_semaphore(%run_scoped3A : memref<!tpu.dma_semaphore, #tpu.memory_space<semaphore_mem>>)
        %dma_wait3A = arith.constant 0 : i32
        %dma_wait3A_20 = tpu.memref_slice %arg7[%mul3A_0, %dma_wait3A] : memref<10240x128xf32, #tpu.memory_space<hbm>> -> memref<640x128xf32, #tpu.memory_space<hbm>>
        %dma_wait3A_21 = arith.constant 0 : i32
        %dma_wait3A_22 = tpu.memref_slice %arg8[%mul3A_0, %dma_wait3A_21] : memref<10240x128xf32, #tpu.memory_space<vmem_shared>> -> memref<640x128xf32, #tpu.memory_space<vmem_shared>>
        tpu.wait_dma2 semaphore(%run_scoped3A : memref<!tpu.dma_semaphore, #tpu.memory_space<semaphore_mem>>) src(%dma_wait3A_22 : memref<640x128xf32, #tpu.memory_space<vmem_shared>>) dst(%dma_wait3A_20 : memref<640x128xf32, #tpu.memory_space<hbm>>)
        tpu.yield
      }) : () -> ()
    } else {
    }
    return
  }
}

#map = affine_map<(d0, d1) -> (0)>
#map1 = affine_map<(d0, d1) -> (0, 0)>
module attributes {stable_mosaic.version = 14 : i64} {
  func.func @sc(%arg0: i32, %arg1: i32, %arg2: memref<320000xi32, #tpu.memory_space<hbm>>, %arg3: memref<40x128xf32, #tpu.memory_space<hbm>>, %arg4: memref<640x128xf32, #tpu.memory_space<hbm>>, %arg5: memref<10240x128xf32, #tpu.memory_space<hbm>>, %arg6: memref<10240x128xf32, #tpu.memory_space<hbm>>, %arg7: memref<10240x128xf32, #tpu.memory_space<vmem_shared>>, %arg8: memref<40x128xf32, #tpu.memory_space<vmem>>, %arg9: memref<40xi32, #tpu.memory_space<vmem>>, %arg10: memref<40xi32, #tpu.memory_space<vmem>>, %arg11: memref<40xi32, #tpu.memory_space<vmem>>, %arg12: memref<40xi32, #tpu.memory_space<vmem>>, %arg13: memref<40xi32, #tpu.memory_space<vmem>>, %arg14: memref<!tpu.dma_semaphore, #tpu.memory_space<semaphore_mem>>, %arg15: memref<!tpu.dma_semaphore, #tpu.memory_space<semaphore_mem>>, %arg16: memref<!tpu.dma_semaphore, #tpu.memory_space<semaphore_mem>>, %arg17: memref<!tpu.dma_semaphore, #tpu.memory_space<semaphore_mem>>, %arg18: memref<!tpu.dma_semaphore, #tpu.memory_space<semaphore_mem>>) attributes {dimension_semantics = [#tpu.dimension_semantics<core_parallel>, #tpu.dimension_semantics<subcore_parallel>], iteration_bounds = array<i64: 2, 16>, scalar_prefetch = 0 : i64, scratch_operands = 12 : i64, tpu.core_type = #tpu.core_type<sc_vector_subcore>, window_params = [{transform_indices = #map}, {transform_indices = #map1}, {transform_indices = #map1}, {transform_indices = #map1}, {transform_indices = #map1}]} {
    %mul3A = arith.constant 640 : i32
    %mul3A_0 = arith.muli %arg1, %mul3A : i32
    "tpu.region"() ({
      %run_scoped3A = tpu.sem_alloc : memref<!tpu.dma_semaphore, #tpu.memory_space<semaphore_mem>>
      %dma_start3A = arith.constant 0 : i32
      %dma_start3A_17 = tpu.memref_slice %arg7[%mul3A_0, %dma_start3A] : memref<10240x128xf32, #tpu.memory_space<vmem_shared>> -> memref<640x128xf32, #tpu.memory_space<vmem_shared>>
      tpu.enqueue_dma source(%arg4 : memref<640x128xf32, #tpu.memory_space<hbm>>) target(%dma_start3A_17 : memref<640x128xf32, #tpu.memory_space<vmem_shared>>) target_semaphore(%run_scoped3A : memref<!tpu.dma_semaphore, #tpu.memory_space<semaphore_mem>>)
      %dma_wait3A = arith.constant 0 : i32
      %dma_wait3A_18 = tpu.memref_slice %arg7[%mul3A_0, %dma_wait3A] : memref<10240x128xf32, #tpu.memory_space<vmem_shared>> -> memref<640x128xf32, #tpu.memory_space<vmem_shared>>
      tpu.wait_dma2 semaphore(%run_scoped3A : memref<!tpu.dma_semaphore, #tpu.memory_space<semaphore_mem>>) src(%arg4 : memref<640x128xf32, #tpu.memory_space<hbm>>) dst(%dma_wait3A_18 : memref<640x128xf32, #tpu.memory_space<vmem_shared>>)
      tpu.yield
    }) : () -> ()
    "tpu.region"() ({
      %run_scoped3A = tpu.sem_alloc : memref<!tpu.dma_semaphore, #tpu.memory_space<semaphore_mem>>
      tpu.enqueue_dma source(%arg3 : memref<40x128xf32, #tpu.memory_space<hbm>>) target(%arg8 : memref<40x128xf32, #tpu.memory_space<vmem>>) target_semaphore(%run_scoped3A : memref<!tpu.dma_semaphore, #tpu.memory_space<semaphore_mem>>)
      tpu.wait_dma2 semaphore(%run_scoped3A : memref<!tpu.dma_semaphore, #tpu.memory_space<semaphore_mem>>) src(%arg3 : memref<40x128xf32, #tpu.memory_space<hbm>>) dst(%arg8 : memref<40x128xf32, #tpu.memory_space<vmem>>)
      tpu.yield
    }) : () -> ()
    %barrier3A = arith.constant 0 : index
    tpu.barrier barrier_id(%barrier3A)
    %mul3A_1 = arith.constant 160000 : i32
    %mul3A_2 = arith.muli %arg0, %mul3A_1 : i32
    %mul3A_3 = arith.constant 10000 : i32
    %mul3A_4 = arith.muli %arg1, %mul3A_3 : i32
    %add3A = arith.addi %mul3A_2, %mul3A_4 : i32
    %scan3A = arith.constant 0 : i32
    %scan3A_5 = arith.constant 50 : i32
    %scan3A_6 = arith.addi %scan3A, %scan3A_5 : i32
    %scan3A_7 = arith.constant 1 : i32
    scf.for %scan3A_17 = %scan3A to %scan3A_6 step %scan3A_7  : i32 {
      %mul3A_18 = arith.constant 200 : i32
      %mul3A_19 = arith.muli %scan3A_17, %mul3A_18 : i32
      %add3A_20 = arith.addi %add3A, %mul3A_19 : i32
      %add3A_21 = arith.constant 0 : i32
      %add3A_22 = arith.addi %add3A_20, %add3A_21 : i32
      %dma_start3A = tpu.memref_slice %arg2[%add3A_22] : memref<320000xi32, #tpu.memory_space<hbm>> -> memref<40xi32, #tpu.memory_space<hbm>>
      %dma_start3A_23 = tpu.memref_slice %arg2[%add3A_22] : memref<320000xi32, #tpu.memory_space<hbm>> -> memref<40xi32, #tpu.memory_space<hbm>>
      tpu.enqueue_dma source(%dma_start3A_23 : memref<40xi32, #tpu.memory_space<hbm>>) target(%arg9 : memref<40xi32, #tpu.memory_space<vmem>>) target_semaphore(%arg14 : memref<!tpu.dma_semaphore, #tpu.memory_space<semaphore_mem>>)
      %add3A_24 = arith.constant 40 : i32
      %add3A_25 = arith.addi %add3A_20, %add3A_24 : i32
      %dma_start3A_26 = tpu.memref_slice %arg2[%add3A_25] : memref<320000xi32, #tpu.memory_space<hbm>> -> memref<40xi32, #tpu.memory_space<hbm>>
      %dma_start3A_27 = tpu.memref_slice %arg2[%add3A_25] : memref<320000xi32, #tpu.memory_space<hbm>> -> memref<40xi32, #tpu.memory_space<hbm>>
      tpu.enqueue_dma source(%dma_start3A_27 : memref<40xi32, #tpu.memory_space<hbm>>) target(%arg10 : memref<40xi32, #tpu.memory_space<vmem>>) target_semaphore(%arg15 : memref<!tpu.dma_semaphore, #tpu.memory_space<semaphore_mem>>)
      %add3A_28 = arith.constant 80 : i32
      %add3A_29 = arith.addi %add3A_20, %add3A_28 : i32
      %dma_start3A_30 = tpu.memref_slice %arg2[%add3A_29] : memref<320000xi32, #tpu.memory_space<hbm>> -> memref<40xi32, #tpu.memory_space<hbm>>
      %dma_start3A_31 = tpu.memref_slice %arg2[%add3A_29] : memref<320000xi32, #tpu.memory_space<hbm>> -> memref<40xi32, #tpu.memory_space<hbm>>
      tpu.enqueue_dma source(%dma_start3A_31 : memref<40xi32, #tpu.memory_space<hbm>>) target(%arg11 : memref<40xi32, #tpu.memory_space<vmem>>) target_semaphore(%arg16 : memref<!tpu.dma_semaphore, #tpu.memory_space<semaphore_mem>>)
      %add3A_32 = arith.constant 120 : i32
      %add3A_33 = arith.addi %add3A_20, %add3A_32 : i32
      %dma_start3A_34 = tpu.memref_slice %arg2[%add3A_33] : memref<320000xi32, #tpu.memory_space<hbm>> -> memref<40xi32, #tpu.memory_space<hbm>>
      %dma_start3A_35 = tpu.memref_slice %arg2[%add3A_33] : memref<320000xi32, #tpu.memory_space<hbm>> -> memref<40xi32, #tpu.memory_space<hbm>>
      tpu.enqueue_dma source(%dma_start3A_35 : memref<40xi32, #tpu.memory_space<hbm>>) target(%arg12 : memref<40xi32, #tpu.memory_space<vmem>>) target_semaphore(%arg17 : memref<!tpu.dma_semaphore, #tpu.memory_space<semaphore_mem>>)
      %add3A_36 = arith.constant 160 : i32
      %add3A_37 = arith.addi %add3A_20, %add3A_36 : i32
      %dma_start3A_38 = tpu.memref_slice %arg2[%add3A_37] : memref<320000xi32, #tpu.memory_space<hbm>> -> memref<40xi32, #tpu.memory_space<hbm>>
      %dma_start3A_39 = tpu.memref_slice %arg2[%add3A_37] : memref<320000xi32, #tpu.memory_space<hbm>> -> memref<40xi32, #tpu.memory_space<hbm>>
      tpu.enqueue_dma source(%dma_start3A_39 : memref<40xi32, #tpu.memory_space<hbm>>) target(%arg13 : memref<40xi32, #tpu.memory_space<vmem>>) target_semaphore(%arg18 : memref<!tpu.dma_semaphore, #tpu.memory_space<semaphore_mem>>)
      %dma_wait3A = tpu.memref_slice %arg2[%add3A_22] : memref<320000xi32, #tpu.memory_space<hbm>> -> memref<40xi32, #tpu.memory_space<hbm>>
      %dma_wait3A_40 = tpu.memref_slice %arg2[%add3A_22] : memref<320000xi32, #tpu.memory_space<hbm>> -> memref<40xi32, #tpu.memory_space<hbm>>
      tpu.wait_dma2 semaphore(%arg14 : memref<!tpu.dma_semaphore, #tpu.memory_space<semaphore_mem>>) src(%dma_wait3A_40 : memref<40xi32, #tpu.memory_space<hbm>>) dst(%arg9 : memref<40xi32, #tpu.memory_space<vmem>>)
      "tpu.region"() ({
        %run_scoped3A = tpu.sem_alloc : memref<!tpu.dma_semaphore, #tpu.memory_space<semaphore_mem>>
        %dma_start3A_49 = arith.constant 0 : i32
        %dma_start3A_50 = arith.constant 0 : i32
        %dma_start3A_51 = tpu.memref_slice %arg7[%dma_start3A_49, %dma_start3A_50] : memref<10240x128xf32, #tpu.memory_space<vmem_shared>> -> memref<10240x128xf32, #tpu.memory_space<vmem_shared>>
        tpu.enqueue_indirect_dma source(%arg8 : memref<40x128xf32, #tpu.memory_space<vmem>>) target(%dma_start3A_51 : memref<10240x128xf32, #tpu.memory_space<vmem_shared>>) offsets(%arg9 : memref<40xi32, #tpu.memory_space<vmem>>) semaphore(%run_scoped3A : memref<!tpu.dma_semaphore, #tpu.memory_space<semaphore_mem>>) {add = true}
        %dma_wait3A_52 = arith.constant 0 : i32
        %dma_wait3A_53 = arith.constant 0 : i32
        %dma_wait3A_54 = tpu.memref_slice %arg7[%dma_wait3A_52, %dma_wait3A_53] : memref<10240x128xf32, #tpu.memory_space<vmem_shared>> -> memref<10240x128xf32, #tpu.memory_space<vmem_shared>>
        tpu.wait_indirect_dma semaphore(%run_scoped3A : memref<!tpu.dma_semaphore, #tpu.memory_space<semaphore_mem>>) src(%arg8 : memref<40x128xf32, #tpu.memory_space<vmem>>) dst(%dma_wait3A_54 : memref<10240x128xf32, #tpu.memory_space<vmem_shared>>)
        tpu.yield
      }) : () -> ()
      %dma_wait3A_41 = tpu.memref_slice %arg2[%add3A_25] : memref<320000xi32, #tpu.memory_space<hbm>> -> memref<40xi32, #tpu.memory_space<hbm>>
      %dma_wait3A_42 = tpu.memref_slice %arg2[%add3A_25] : memref<320000xi32, #tpu.memory_space<hbm>> -> memref<40xi32, #tpu.memory_space<hbm>>
      tpu.wait_dma2 semaphore(%arg15 : memref<!tpu.dma_semaphore, #tpu.memory_space<semaphore_mem>>) src(%dma_wait3A_42 : memref<40xi32, #tpu.memory_space<hbm>>) dst(%arg10 : memref<40xi32, #tpu.memory_space<vmem>>)
      "tpu.region"() ({
        %run_scoped3A = tpu.sem_alloc : memref<!tpu.dma_semaphore, #tpu.memory_space<semaphore_mem>>
        %dma_start3A_49 = arith.constant 0 : i32
        %dma_start3A_50 = arith.constant 0 : i32
        %dma_start3A_51 = tpu.memref_slice %arg7[%dma_start3A_49, %dma_start3A_50] : memref<10240x128xf32, #tpu.memory_space<vmem_shared>> -> memref<10240x128xf32, #tpu.memory_space<vmem_shared>>
        tpu.enqueue_indirect_dma source(%arg8 : memref<40x128xf32, #tpu.memory_space<vmem>>) target(%dma_start3A_51 : memref<10240x128xf32, #tpu.memory_space<vmem_shared>>) offsets(%arg10 : memref<40xi32, #tpu.memory_space<vmem>>) semaphore(%run_scoped3A : memref<!tpu.dma_semaphore, #tpu.memory_space<semaphore_mem>>) {add = true}
        %dma_wait3A_52 = arith.constant 0 : i32
        %dma_wait3A_53 = arith.constant 0 : i32
        %dma_wait3A_54 = tpu.memref_slice %arg7[%dma_wait3A_52, %dma_wait3A_53] : memref<10240x128xf32, #tpu.memory_space<vmem_shared>> -> memref<10240x128xf32, #tpu.memory_space<vmem_shared>>
        tpu.wait_indirect_dma semaphore(%run_scoped3A : memref<!tpu.dma_semaphore, #tpu.memory_space<semaphore_mem>>) src(%arg8 : memref<40x128xf32, #tpu.memory_space<vmem>>) dst(%dma_wait3A_54 : memref<10240x128xf32, #tpu.memory_space<vmem_shared>>)
        tpu.yield
      }) : () -> ()
      %dma_wait3A_43 = tpu.memref_slice %arg2[%add3A_29] : memref<320000xi32, #tpu.memory_space<hbm>> -> memref<40xi32, #tpu.memory_space<hbm>>
      %dma_wait3A_44 = tpu.memref_slice %arg2[%add3A_29] : memref<320000xi32, #tpu.memory_space<hbm>> -> memref<40xi32, #tpu.memory_space<hbm>>
      tpu.wait_dma2 semaphore(%arg16 : memref<!tpu.dma_semaphore, #tpu.memory_space<semaphore_mem>>) src(%dma_wait3A_44 : memref<40xi32, #tpu.memory_space<hbm>>) dst(%arg11 : memref<40xi32, #tpu.memory_space<vmem>>)
      "tpu.region"() ({
        %run_scoped3A = tpu.sem_alloc : memref<!tpu.dma_semaphore, #tpu.memory_space<semaphore_mem>>
        %dma_start3A_49 = arith.constant 0 : i32
        %dma_start3A_50 = arith.constant 0 : i32
        %dma_start3A_51 = tpu.memref_slice %arg7[%dma_start3A_49, %dma_start3A_50] : memref<10240x128xf32, #tpu.memory_space<vmem_shared>> -> memref<10240x128xf32, #tpu.memory_space<vmem_shared>>
        tpu.enqueue_indirect_dma source(%arg8 : memref<40x128xf32, #tpu.memory_space<vmem>>) target(%dma_start3A_51 : memref<10240x128xf32, #tpu.memory_space<vmem_shared>>) offsets(%arg11 : memref<40xi32, #tpu.memory_space<vmem>>) semaphore(%run_scoped3A : memref<!tpu.dma_semaphore, #tpu.memory_space<semaphore_mem>>) {add = true}
        %dma_wait3A_52 = arith.constant 0 : i32
        %dma_wait3A_53 = arith.constant 0 : i32
        %dma_wait3A_54 = tpu.memref_slice %arg7[%dma_wait3A_52, %dma_wait3A_53] : memref<10240x128xf32, #tpu.memory_space<vmem_shared>> -> memref<10240x128xf32, #tpu.memory_space<vmem_shared>>
        tpu.wait_indirect_dma semaphore(%run_scoped3A : memref<!tpu.dma_semaphore, #tpu.memory_space<semaphore_mem>>) src(%arg8 : memref<40x128xf32, #tpu.memory_space<vmem>>) dst(%dma_wait3A_54 : memref<10240x128xf32, #tpu.memory_space<vmem_shared>>)
        tpu.yield
      }) : () -> ()
      %dma_wait3A_45 = tpu.memref_slice %arg2[%add3A_33] : memref<320000xi32, #tpu.memory_space<hbm>> -> memref<40xi32, #tpu.memory_space<hbm>>
      %dma_wait3A_46 = tpu.memref_slice %arg2[%add3A_33] : memref<320000xi32, #tpu.memory_space<hbm>> -> memref<40xi32, #tpu.memory_space<hbm>>
      tpu.wait_dma2 semaphore(%arg17 : memref<!tpu.dma_semaphore, #tpu.memory_space<semaphore_mem>>) src(%dma_wait3A_46 : memref<40xi32, #tpu.memory_space<hbm>>) dst(%arg12 : memref<40xi32, #tpu.memory_space<vmem>>)
      "tpu.region"() ({
        %run_scoped3A = tpu.sem_alloc : memref<!tpu.dma_semaphore, #tpu.memory_space<semaphore_mem>>
        %dma_start3A_49 = arith.constant 0 : i32
        %dma_start3A_50 = arith.constant 0 : i32
        %dma_start3A_51 = tpu.memref_slice %arg7[%dma_start3A_49, %dma_start3A_50] : memref<10240x128xf32, #tpu.memory_space<vmem_shared>> -> memref<10240x128xf32, #tpu.memory_space<vmem_shared>>
        tpu.enqueue_indirect_dma source(%arg8 : memref<40x128xf32, #tpu.memory_space<vmem>>) target(%dma_start3A_51 : memref<10240x128xf32, #tpu.memory_space<vmem_shared>>) offsets(%arg12 : memref<40xi32, #tpu.memory_space<vmem>>) semaphore(%run_scoped3A : memref<!tpu.dma_semaphore, #tpu.memory_space<semaphore_mem>>) {add = true}
        %dma_wait3A_52 = arith.constant 0 : i32
        %dma_wait3A_53 = arith.constant 0 : i32
        %dma_wait3A_54 = tpu.memref_slice %arg7[%dma_wait3A_52, %dma_wait3A_53] : memref<10240x128xf32, #tpu.memory_space<vmem_shared>> -> memref<10240x128xf32, #tpu.memory_space<vmem_shared>>
        tpu.wait_indirect_dma semaphore(%run_scoped3A : memref<!tpu.dma_semaphore, #tpu.memory_space<semaphore_mem>>) src(%arg8 : memref<40x128xf32, #tpu.memory_space<vmem>>) dst(%dma_wait3A_54 : memref<10240x128xf32, #tpu.memory_space<vmem_shared>>)
        tpu.yield
      }) : () -> ()
      %dma_wait3A_47 = tpu.memref_slice %arg2[%add3A_37] : memref<320000xi32, #tpu.memory_space<hbm>> -> memref<40xi32, #tpu.memory_space<hbm>>
      %dma_wait3A_48 = tpu.memref_slice %arg2[%add3A_37] : memref<320000xi32, #tpu.memory_space<hbm>> -> memref<40xi32, #tpu.memory_space<hbm>>
      tpu.wait_dma2 semaphore(%arg18 : memref<!tpu.dma_semaphore, #tpu.memory_space<semaphore_mem>>) src(%dma_wait3A_48 : memref<40xi32, #tpu.memory_space<hbm>>) dst(%arg13 : memref<40xi32, #tpu.memory_space<vmem>>)
      "tpu.region"() ({
        %run_scoped3A = tpu.sem_alloc : memref<!tpu.dma_semaphore, #tpu.memory_space<semaphore_mem>>
        %dma_start3A_49 = arith.constant 0 : i32
        %dma_start3A_50 = arith.constant 0 : i32
        %dma_start3A_51 = tpu.memref_slice %arg7[%dma_start3A_49, %dma_start3A_50] : memref<10240x128xf32, #tpu.memory_space<vmem_shared>> -> memref<10240x128xf32, #tpu.memory_space<vmem_shared>>
        tpu.enqueue_indirect_dma source(%arg8 : memref<40x128xf32, #tpu.memory_space<vmem>>) target(%dma_start3A_51 : memref<10240x128xf32, #tpu.memory_space<vmem_shared>>) offsets(%arg13 : memref<40xi32, #tpu.memory_space<vmem>>) semaphore(%run_scoped3A : memref<!tpu.dma_semaphore, #tpu.memory_space<semaphore_mem>>) {add = true}
        %dma_wait3A_52 = arith.constant 0 : i32
        %dma_wait3A_53 = arith.constant 0 : i32
        %dma_wait3A_54 = tpu.memref_slice %arg7[%dma_wait3A_52, %dma_wait3A_53] : memref<10240x128xf32, #tpu.memory_space<vmem_shared>> -> memref<10240x128xf32, #tpu.memory_space<vmem_shared>>
        tpu.wait_indirect_dma semaphore(%run_scoped3A : memref<!tpu.dma_semaphore, #tpu.memory_space<semaphore_mem>>) src(%arg8 : memref<40x128xf32, #tpu.memory_space<vmem>>) dst(%dma_wait3A_54 : memref<10240x128xf32, #tpu.memory_space<vmem_shared>>)
        tpu.yield
      }) : () -> ()
    }
    %scan3A_8 = arith.constant 50 : i32
    %barrier3A_9 = arith.constant 0 : index
    tpu.barrier barrier_id(%barrier3A_9)
    %eq3A = arith.constant 0 : i32
    %eq3A_10 = arith.cmpi eq, %arg0, %eq3A : i32
    %convert_element_type3A = arith.extui %eq3A_10 : i1 to i32
    %cond3A = arith.constant 0 : i32
    %cond3A_11 = arith.cmpi ne, %convert_element_type3A, %cond3A : i32
    scf.if %cond3A_11 {
      "tpu.region"() ({
        %run_scoped3A = tpu.sem_alloc : memref<!tpu.dma_semaphore, #tpu.memory_space<semaphore_mem>>
        %dma_start3A = arith.constant 0 : i32
        %dma_start3A_17 = tpu.memref_slice %arg5[%mul3A_0, %dma_start3A] : memref<10240x128xf32, #tpu.memory_space<hbm>> -> memref<640x128xf32, #tpu.memory_space<hbm>>
        %dma_start3A_18 = arith.constant 0 : i32
        %dma_start3A_19 = tpu.memref_slice %arg7[%mul3A_0, %dma_start3A_18] : memref<10240x128xf32, #tpu.memory_space<vmem_shared>> -> memref<640x128xf32, #tpu.memory_space<vmem_shared>>
        tpu.enqueue_dma source(%dma_start3A_19 : memref<640x128xf32, #tpu.memory_space<vmem_shared>>) target(%dma_start3A_17 : memref<640x128xf32, #tpu.memory_space<hbm>>) target_semaphore(%run_scoped3A : memref<!tpu.dma_semaphore, #tpu.memory_space<semaphore_mem>>)
        %dma_wait3A = arith.constant 0 : i32
        %dma_wait3A_20 = tpu.memref_slice %arg5[%mul3A_0, %dma_wait3A] : memref<10240x128xf32, #tpu.memory_space<hbm>> -> memref<640x128xf32, #tpu.memory_space<hbm>>
        %dma_wait3A_21 = arith.constant 0 : i32
        %dma_wait3A_22 = tpu.memref_slice %arg7[%mul3A_0, %dma_wait3A_21] : memref<10240x128xf32, #tpu.memory_space<vmem_shared>> -> memref<640x128xf32, #tpu.memory_space<vmem_shared>>
        tpu.wait_dma2 semaphore(%run_scoped3A : memref<!tpu.dma_semaphore, #tpu.memory_space<semaphore_mem>>) src(%dma_wait3A_22 : memref<640x128xf32, #tpu.memory_space<vmem_shared>>) dst(%dma_wait3A_20 : memref<640x128xf32, #tpu.memory_space<hbm>>)
        tpu.yield
      }) : () -> ()
    } else {
    }
    %eq3A_12 = arith.constant 1 : i32
    %eq3A_13 = arith.cmpi eq, %arg0, %eq3A_12 : i32
    %convert_element_type3A_14 = arith.extui %eq3A_13 : i1 to i32
    %cond3A_15 = arith.constant 0 : i32
    %cond3A_16 = arith.cmpi ne, %convert_element_type3A_14, %cond3A_15 : i32
    scf.if %cond3A_16 {
      "tpu.region"() ({
        %run_scoped3A = tpu.sem_alloc : memref<!tpu.dma_semaphore, #tpu.memory_space<semaphore_mem>>
        %dma_start3A = arith.constant 0 : i32
        %dma_start3A_17 = tpu.memref_slice %arg6[%mul3A_0, %dma_start3A] : memref<10240x128xf32, #tpu.memory_space<hbm>> -> memref<640x128xf32, #tpu.memory_space<hbm>>
        %dma_start3A_18 = arith.constant 0 : i32
        %dma_start3A_19 = tpu.memref_slice %arg7[%mul3A_0, %dma_start3A_18] : memref<10240x128xf32, #tpu.memory_space<vmem_shared>> -> memref<640x128xf32, #tpu.memory_space<vmem_shared>>
        tpu.enqueue_dma source(%dma_start3A_19 : memref<640x128xf32, #tpu.memory_space<vmem_shared>>) target(%dma_start3A_17 : memref<640x128xf32, #tpu.memory_space<hbm>>) target_semaphore(%run_scoped3A : memref<!tpu.dma_semaphore, #tpu.memory_space<semaphore_mem>>)
        %dma_wait3A = arith.constant 0 : i32
        %dma_wait3A_20 = tpu.memref_slice %arg6[%mul3A_0, %dma_wait3A] : memref<10240x128xf32, #tpu.memory_space<hbm>> -> memref<640x128xf32, #tpu.memory_space<hbm>>
        %dma_wait3A_21 = arith.constant 0 : i32
        %dma_wait3A_22 = tpu.memref_slice %arg7[%mul3A_0, %dma_wait3A_21] : memref<10240x128xf32, #tpu.memory_space<vmem_shared>> -> memref<640x128xf32, #tpu.memory_space<vmem_shared>>
        tpu.wait_dma2 semaphore(%run_scoped3A : memref<!tpu.dma_semaphore, #tpu.memory_space<semaphore_mem>>) src(%dma_wait3A_22 : memref<640x128xf32, #tpu.memory_space<vmem_shared>>) dst(%dma_wait3A_20 : memref<640x128xf32, #tpu.memory_space<hbm>>)
        tpu.yield
      }) : () -> ()
    } else {
    }
    return
  }
}

#map = affine_map<(d0, d1) -> (0, 0)>
#map1 = affine_map<(d0, d1) -> (0)>
module attributes {stable_mosaic.version = 14 : i64} {
  func.func @sc(%arg0: i32, %arg1: i32, %arg2: memref<10000x128xf32, #tpu.memory_space<hbm>>, %arg3: memref<320000xi32, #tpu.memory_space<hbm>>, %arg4: memref<320000xi32, #tpu.memory_space<hbm>>, %arg5: memref<640x128xf32, #tpu.memory_space<hbm>>, %arg6: memref<10240x128xf32, #tpu.memory_space<hbm>>, %arg7: memref<10240x128xf32, #tpu.memory_space<hbm>>, %arg8: memref<10240x128xf32, #tpu.memory_space<vmem_shared>>, %arg9: memref<40xi32, #tpu.memory_space<vmem>>, %arg10: memref<40xi32, #tpu.memory_space<vmem>>, %arg11: memref<40xi32, #tpu.memory_space<vmem>>, %arg12: memref<40xi32, #tpu.memory_space<vmem>>, %arg13: memref<40xi32, #tpu.memory_space<vmem>>, %arg14: memref<40xi32, #tpu.memory_space<vmem>>, %arg15: memref<40xi32, #tpu.memory_space<vmem>>, %arg16: memref<40xi32, #tpu.memory_space<vmem>>, %arg17: memref<40xi32, #tpu.memory_space<vmem>>, %arg18: memref<40xi32, #tpu.memory_space<vmem>>, %arg19: memref<40x128xf32, #tpu.memory_space<vmem>>, %arg20: memref<40x128xf32, #tpu.memory_space<vmem>>, %arg21: memref<40x128xf32, #tpu.memory_space<vmem>>, %arg22: memref<40x128xf32, #tpu.memory_space<vmem>>, %arg23: memref<40x128xf32, #tpu.memory_space<vmem>>, %arg24: memref<!tpu.dma_semaphore, #tpu.memory_space<semaphore_mem>>, %arg25: memref<!tpu.dma_semaphore, #tpu.memory_space<semaphore_mem>>, %arg26: memref<!tpu.dma_semaphore, #tpu.memory_space<semaphore_mem>>, %arg27: memref<!tpu.dma_semaphore, #tpu.memory_space<semaphore_mem>>, %arg28: memref<!tpu.dma_semaphore, #tpu.memory_space<semaphore_mem>>, %arg29: memref<!tpu.dma_semaphore, #tpu.memory_space<semaphore_mem>>, %arg30: memref<!tpu.dma_semaphore, #tpu.memory_space<semaphore_mem>>, %arg31: memref<!tpu.dma_semaphore, #tpu.memory_space<semaphore_mem>>, %arg32: memref<!tpu.dma_semaphore, #tpu.memory_space<semaphore_mem>>, %arg33: memref<!tpu.dma_semaphore, #tpu.memory_space<semaphore_mem>>, %arg34: memref<!tpu.dma_semaphore, #tpu.memory_space<semaphore_mem>>, %arg35: memref<!tpu.dma_semaphore, #tpu.memory_space<semaphore_mem>>, %arg36: memref<!tpu.dma_semaphore, #tpu.memory_space<semaphore_mem>>, %arg37: memref<!tpu.dma_semaphore, #tpu.memory_space<semaphore_mem>>, %arg38: memref<!tpu.dma_semaphore, #tpu.memory_space<semaphore_mem>>) attributes {dimension_semantics = [#tpu.dimension_semantics<core_parallel>, #tpu.dimension_semantics<subcore_parallel>], iteration_bounds = array<i64: 2, 16>, scalar_prefetch = 0 : i64, scratch_operands = 31 : i64, tpu.core_type = #tpu.core_type<sc_vector_subcore>, window_params = [{transform_indices = #map}, {transform_indices = #map1}, {transform_indices = #map1}, {transform_indices = #map}, {transform_indices = #map}, {transform_indices = #map}]} {
    %mul3A = arith.constant 640 : i32
    %mul3A_0 = arith.muli %arg1, %mul3A : i32
    "tpu.region"() ({
      %run_scoped3A = tpu.sem_alloc : memref<!tpu.dma_semaphore, #tpu.memory_space<semaphore_mem>>
      %dma_start3A = arith.constant 0 : i32
      %dma_start3A_17 = tpu.memref_slice %arg8[%mul3A_0, %dma_start3A] : memref<10240x128xf32, #tpu.memory_space<vmem_shared>> -> memref<640x128xf32, #tpu.memory_space<vmem_shared>>
      tpu.enqueue_dma source(%arg5 : memref<640x128xf32, #tpu.memory_space<hbm>>) target(%dma_start3A_17 : memref<640x128xf32, #tpu.memory_space<vmem_shared>>) target_semaphore(%run_scoped3A : memref<!tpu.dma_semaphore, #tpu.memory_space<semaphore_mem>>)
      %dma_wait3A = arith.constant 0 : i32
      %dma_wait3A_18 = tpu.memref_slice %arg8[%mul3A_0, %dma_wait3A] : memref<10240x128xf32, #tpu.memory_space<vmem_shared>> -> memref<640x128xf32, #tpu.memory_space<vmem_shared>>
      tpu.wait_dma2 semaphore(%run_scoped3A : memref<!tpu.dma_semaphore, #tpu.memory_space<semaphore_mem>>) src(%arg5 : memref<640x128xf32, #tpu.memory_space<hbm>>) dst(%dma_wait3A_18 : memref<640x128xf32, #tpu.memory_space<vmem_shared>>)
      tpu.yield
    }) : () -> ()
    %barrier3A = arith.constant 0 : index
    tpu.barrier barrier_id(%barrier3A)
    %mul3A_1 = arith.constant 160000 : i32
    %mul3A_2 = arith.muli %arg0, %mul3A_1 : i32
    %mul3A_3 = arith.constant 10000 : i32
    %mul3A_4 = arith.muli %arg1, %mul3A_3 : i32
    %add3A = arith.addi %mul3A_2, %mul3A_4 : i32
    %scan3A = arith.constant 0 : i32
    %scan3A_5 = arith.constant 50 : i32
    %scan3A_6 = arith.addi %scan3A, %scan3A_5 : i32
    %scan3A_7 = arith.constant 1 : i32
    scf.for %scan3A_17 = %scan3A to %scan3A_6 step %scan3A_7  : i32 {
      %mul3A_18 = arith.constant 200 : i32
      %mul3A_19 = arith.muli %scan3A_17, %mul3A_18 : i32
      %add3A_20 = arith.addi %add3A, %mul3A_19 : i32
      %add3A_21 = arith.constant 0 : i32
      %add3A_22 = arith.addi %add3A_20, %add3A_21 : i32
      %dma_start3A = tpu.memref_slice %arg3[%add3A_22] : memref<320000xi32, #tpu.memory_space<hbm>> -> memref<40xi32, #tpu.memory_space<hbm>>
      %dma_start3A_23 = tpu.memref_slice %arg3[%add3A_22] : memref<320000xi32, #tpu.memory_space<hbm>> -> memref<40xi32, #tpu.memory_space<hbm>>
      tpu.enqueue_dma source(%dma_start3A_23 : memref<40xi32, #tpu.memory_space<hbm>>) target(%arg9 : memref<40xi32, #tpu.memory_space<vmem>>) target_semaphore(%arg29 : memref<!tpu.dma_semaphore, #tpu.memory_space<semaphore_mem>>)
      %add3A_24 = arith.constant 0 : i32
      %add3A_25 = arith.addi %add3A_20, %add3A_24 : i32
      %dma_start3A_26 = tpu.memref_slice %arg4[%add3A_25] : memref<320000xi32, #tpu.memory_space<hbm>> -> memref<40xi32, #tpu.memory_space<hbm>>
      %dma_start3A_27 = tpu.memref_slice %arg4[%add3A_25] : memref<320000xi32, #tpu.memory_space<hbm>> -> memref<40xi32, #tpu.memory_space<hbm>>
      tpu.enqueue_dma source(%dma_start3A_27 : memref<40xi32, #tpu.memory_space<hbm>>) target(%arg14 : memref<40xi32, #tpu.memory_space<vmem>>) target_semaphore(%arg34 : memref<!tpu.dma_semaphore, #tpu.memory_space<semaphore_mem>>)
      %add3A_28 = arith.constant 40 : i32
      %add3A_29 = arith.addi %add3A_20, %add3A_28 : i32
      %dma_start3A_30 = tpu.memref_slice %arg3[%add3A_29] : memref<320000xi32, #tpu.memory_space<hbm>> -> memref<40xi32, #tpu.memory_space<hbm>>
      %dma_start3A_31 = tpu.memref_slice %arg3[%add3A_29] : memref<320000xi32, #tpu.memory_space<hbm>> -> memref<40xi32, #tpu.memory_space<hbm>>
      tpu.enqueue_dma source(%dma_start3A_31 : memref<40xi32, #tpu.memory_space<hbm>>) target(%arg10 : memref<40xi32, #tpu.memory_space<vmem>>) target_semaphore(%arg30 : memref<!tpu.dma_semaphore, #tpu.memory_space<semaphore_mem>>)
      %add3A_32 = arith.constant 40 : i32
      %add3A_33 = arith.addi %add3A_20, %add3A_32 : i32
      %dma_start3A_34 = tpu.memref_slice %arg4[%add3A_33] : memref<320000xi32, #tpu.memory_space<hbm>> -> memref<40xi32, #tpu.memory_space<hbm>>
      %dma_start3A_35 = tpu.memref_slice %arg4[%add3A_33] : memref<320000xi32, #tpu.memory_space<hbm>> -> memref<40xi32, #tpu.memory_space<hbm>>
      tpu.enqueue_dma source(%dma_start3A_35 : memref<40xi32, #tpu.memory_space<hbm>>) target(%arg15 : memref<40xi32, #tpu.memory_space<vmem>>) target_semaphore(%arg35 : memref<!tpu.dma_semaphore, #tpu.memory_space<semaphore_mem>>)
      %add3A_36 = arith.constant 80 : i32
      %add3A_37 = arith.addi %add3A_20, %add3A_36 : i32
      %dma_start3A_38 = tpu.memref_slice %arg3[%add3A_37] : memref<320000xi32, #tpu.memory_space<hbm>> -> memref<40xi32, #tpu.memory_space<hbm>>
      %dma_start3A_39 = tpu.memref_slice %arg3[%add3A_37] : memref<320000xi32, #tpu.memory_space<hbm>> -> memref<40xi32, #tpu.memory_space<hbm>>
      tpu.enqueue_dma source(%dma_start3A_39 : memref<40xi32, #tpu.memory_space<hbm>>) target(%arg11 : memref<40xi32, #tpu.memory_space<vmem>>) target_semaphore(%arg31 : memref<!tpu.dma_semaphore, #tpu.memory_space<semaphore_mem>>)
      %add3A_40 = arith.constant 80 : i32
      %add3A_41 = arith.addi %add3A_20, %add3A_40 : i32
      %dma_start3A_42 = tpu.memref_slice %arg4[%add3A_41] : memref<320000xi32, #tpu.memory_space<hbm>> -> memref<40xi32, #tpu.memory_space<hbm>>
      %dma_start3A_43 = tpu.memref_slice %arg4[%add3A_41] : memref<320000xi32, #tpu.memory_space<hbm>> -> memref<40xi32, #tpu.memory_space<hbm>>
      tpu.enqueue_dma source(%dma_start3A_43 : memref<40xi32, #tpu.memory_space<hbm>>) target(%arg16 : memref<40xi32, #tpu.memory_space<vmem>>) target_semaphore(%arg36 : memref<!tpu.dma_semaphore, #tpu.memory_space<semaphore_mem>>)
      %add3A_44 = arith.constant 120 : i32
      %add3A_45 = arith.addi %add3A_20, %add3A_44 : i32
      %dma_start3A_46 = tpu.memref_slice %arg3[%add3A_45] : memref<320000xi32, #tpu.memory_space<hbm>> -> memref<40xi32, #tpu.memory_space<hbm>>
      %dma_start3A_47 = tpu.memref_slice %arg3[%add3A_45] : memref<320000xi32, #tpu.memory_space<hbm>> -> memref<40xi32, #tpu.memory_space<hbm>>
      tpu.enqueue_dma source(%dma_start3A_47 : memref<40xi32, #tpu.memory_space<hbm>>) target(%arg12 : memref<40xi32, #tpu.memory_space<vmem>>) target_semaphore(%arg32 : memref<!tpu.dma_semaphore, #tpu.memory_space<semaphore_mem>>)
      %add3A_48 = arith.constant 120 : i32
      %add3A_49 = arith.addi %add3A_20, %add3A_48 : i32
      %dma_start3A_50 = tpu.memref_slice %arg4[%add3A_49] : memref<320000xi32, #tpu.memory_space<hbm>> -> memref<40xi32, #tpu.memory_space<hbm>>
      %dma_start3A_51 = tpu.memref_slice %arg4[%add3A_49] : memref<320000xi32, #tpu.memory_space<hbm>> -> memref<40xi32, #tpu.memory_space<hbm>>
      tpu.enqueue_dma source(%dma_start3A_51 : memref<40xi32, #tpu.memory_space<hbm>>) target(%arg17 : memref<40xi32, #tpu.memory_space<vmem>>) target_semaphore(%arg37 : memref<!tpu.dma_semaphore, #tpu.memory_space<semaphore_mem>>)
      %add3A_52 = arith.constant 160 : i32
      %add3A_53 = arith.addi %add3A_20, %add3A_52 : i32
      %dma_start3A_54 = tpu.memref_slice %arg3[%add3A_53] : memref<320000xi32, #tpu.memory_space<hbm>> -> memref<40xi32, #tpu.memory_space<hbm>>
      %dma_start3A_55 = tpu.memref_slice %arg3[%add3A_53] : memref<320000xi32, #tpu.memory_space<hbm>> -> memref<40xi32, #tpu.memory_space<hbm>>
      tpu.enqueue_dma source(%dma_start3A_55 : memref<40xi32, #tpu.memory_space<hbm>>) target(%arg13 : memref<40xi32, #tpu.memory_space<vmem>>) target_semaphore(%arg33 : memref<!tpu.dma_semaphore, #tpu.memory_space<semaphore_mem>>)
      %add3A_56 = arith.constant 160 : i32
      %add3A_57 = arith.addi %add3A_20, %add3A_56 : i32
      %dma_start3A_58 = tpu.memref_slice %arg4[%add3A_57] : memref<320000xi32, #tpu.memory_space<hbm>> -> memref<40xi32, #tpu.memory_space<hbm>>
      %dma_start3A_59 = tpu.memref_slice %arg4[%add3A_57] : memref<320000xi32, #tpu.memory_space<hbm>> -> memref<40xi32, #tpu.memory_space<hbm>>
      tpu.enqueue_dma source(%dma_start3A_59 : memref<40xi32, #tpu.memory_space<hbm>>) target(%arg18 : memref<40xi32, #tpu.memory_space<vmem>>) target_semaphore(%arg38 : memref<!tpu.dma_semaphore, #tpu.memory_space<semaphore_mem>>)
      %dma_wait3A = tpu.memref_slice %arg3[%add3A_22] : memref<320000xi32, #tpu.memory_space<hbm>> -> memref<40xi32, #tpu.memory_space<hbm>>
      %dma_wait3A_60 = tpu.memref_slice %arg3[%add3A_22] : memref<320000xi32, #tpu.memory_space<hbm>> -> memref<40xi32, #tpu.memory_space<hbm>>
      tpu.wait_dma2 semaphore(%arg29 : memref<!tpu.dma_semaphore, #tpu.memory_space<semaphore_mem>>) src(%dma_wait3A_60 : memref<40xi32, #tpu.memory_space<hbm>>) dst(%arg9 : memref<40xi32, #tpu.memory_space<vmem>>)
      %dma_start3A_61 = arith.constant 0 : i32
      %dma_start3A_62 = arith.constant 0 : i32
      %dma_start3A_63 = tpu.memref_slice %arg2[%dma_start3A_61, %dma_start3A_62] : memref<10000x128xf32, #tpu.memory_space<hbm>> -> memref<10000x128xf32, #tpu.memory_space<hbm>>
      tpu.enqueue_indirect_dma source(%dma_start3A_63 : memref<10000x128xf32, #tpu.memory_space<hbm>>) target(%arg19 : memref<40x128xf32, #tpu.memory_space<vmem>>) offsets(%arg9 : memref<40xi32, #tpu.memory_space<vmem>>) semaphore(%arg24 : memref<!tpu.dma_semaphore, #tpu.memory_space<semaphore_mem>>)
      %dma_wait3A_64 = tpu.memref_slice %arg3[%add3A_29] : memref<320000xi32, #tpu.memory_space<hbm>> -> memref<40xi32, #tpu.memory_space<hbm>>
      %dma_wait3A_65 = tpu.memref_slice %arg3[%add3A_29] : memref<320000xi32, #tpu.memory_space<hbm>> -> memref<40xi32, #tpu.memory_space<hbm>>
      tpu.wait_dma2 semaphore(%arg30 : memref<!tpu.dma_semaphore, #tpu.memory_space<semaphore_mem>>) src(%dma_wait3A_65 : memref<40xi32, #tpu.memory_space<hbm>>) dst(%arg10 : memref<40xi32, #tpu.memory_space<vmem>>)
      %dma_start3A_66 = arith.constant 0 : i32
      %dma_start3A_67 = arith.constant 0 : i32
      %dma_start3A_68 = tpu.memref_slice %arg2[%dma_start3A_66, %dma_start3A_67] : memref<10000x128xf32, #tpu.memory_space<hbm>> -> memref<10000x128xf32, #tpu.memory_space<hbm>>
      tpu.enqueue_indirect_dma source(%dma_start3A_68 : memref<10000x128xf32, #tpu.memory_space<hbm>>) target(%arg20 : memref<40x128xf32, #tpu.memory_space<vmem>>) offsets(%arg10 : memref<40xi32, #tpu.memory_space<vmem>>) semaphore(%arg25 : memref<!tpu.dma_semaphore, #tpu.memory_space<semaphore_mem>>)
      %dma_wait3A_69 = tpu.memref_slice %arg3[%add3A_37] : memref<320000xi32, #tpu.memory_space<hbm>> -> memref<40xi32, #tpu.memory_space<hbm>>
      %dma_wait3A_70 = tpu.memref_slice %arg3[%add3A_37] : memref<320000xi32, #tpu.memory_space<hbm>> -> memref<40xi32, #tpu.memory_space<hbm>>
      tpu.wait_dma2 semaphore(%arg31 : memref<!tpu.dma_semaphore, #tpu.memory_space<semaphore_mem>>) src(%dma_wait3A_70 : memref<40xi32, #tpu.memory_space<hbm>>) dst(%arg11 : memref<40xi32, #tpu.memory_space<vmem>>)
      %dma_start3A_71 = arith.constant 0 : i32
      %dma_start3A_72 = arith.constant 0 : i32
      %dma_start3A_73 = tpu.memref_slice %arg2[%dma_start3A_71, %dma_start3A_72] : memref<10000x128xf32, #tpu.memory_space<hbm>> -> memref<10000x128xf32, #tpu.memory_space<hbm>>
      tpu.enqueue_indirect_dma source(%dma_start3A_73 : memref<10000x128xf32, #tpu.memory_space<hbm>>) target(%arg21 : memref<40x128xf32, #tpu.memory_space<vmem>>) offsets(%arg11 : memref<40xi32, #tpu.memory_space<vmem>>) semaphore(%arg26 : memref<!tpu.dma_semaphore, #tpu.memory_space<semaphore_mem>>)
      %dma_wait3A_74 = tpu.memref_slice %arg3[%add3A_45] : memref<320000xi32, #tpu.memory_space<hbm>> -> memref<40xi32, #tpu.memory_space<hbm>>
      %dma_wait3A_75 = tpu.memref_slice %arg3[%add3A_45] : memref<320000xi32, #tpu.memory_space<hbm>> -> memref<40xi32, #tpu.memory_space<hbm>>
      tpu.wait_dma2 semaphore(%arg32 : memref<!tpu.dma_semaphore, #tpu.memory_space<semaphore_mem>>) src(%dma_wait3A_75 : memref<40xi32, #tpu.memory_space<hbm>>) dst(%arg12 : memref<40xi32, #tpu.memory_space<vmem>>)
      %dma_start3A_76 = arith.constant 0 : i32
      %dma_start3A_77 = arith.constant 0 : i32
      %dma_start3A_78 = tpu.memref_slice %arg2[%dma_start3A_76, %dma_start3A_77] : memref<10000x128xf32, #tpu.memory_space<hbm>> -> memref<10000x128xf32, #tpu.memory_space<hbm>>
      tpu.enqueue_indirect_dma source(%dma_start3A_78 : memref<10000x128xf32, #tpu.memory_space<hbm>>) target(%arg22 : memref<40x128xf32, #tpu.memory_space<vmem>>) offsets(%arg12 : memref<40xi32, #tpu.memory_space<vmem>>) semaphore(%arg27 : memref<!tpu.dma_semaphore, #tpu.memory_space<semaphore_mem>>)
      %dma_wait3A_79 = tpu.memref_slice %arg3[%add3A_53] : memref<320000xi32, #tpu.memory_space<hbm>> -> memref<40xi32, #tpu.memory_space<hbm>>
      %dma_wait3A_80 = tpu.memref_slice %arg3[%add3A_53] : memref<320000xi32, #tpu.memory_space<hbm>> -> memref<40xi32, #tpu.memory_space<hbm>>
      tpu.wait_dma2 semaphore(%arg33 : memref<!tpu.dma_semaphore, #tpu.memory_space<semaphore_mem>>) src(%dma_wait3A_80 : memref<40xi32, #tpu.memory_space<hbm>>) dst(%arg13 : memref<40xi32, #tpu.memory_space<vmem>>)
      %dma_start3A_81 = arith.constant 0 : i32
      %dma_start3A_82 = arith.constant 0 : i32
      %dma_start3A_83 = tpu.memref_slice %arg2[%dma_start3A_81, %dma_start3A_82] : memref<10000x128xf32, #tpu.memory_space<hbm>> -> memref<10000x128xf32, #tpu.memory_space<hbm>>
      tpu.enqueue_indirect_dma source(%dma_start3A_83 : memref<10000x128xf32, #tpu.memory_space<hbm>>) target(%arg23 : memref<40x128xf32, #tpu.memory_space<vmem>>) offsets(%arg13 : memref<40xi32, #tpu.memory_space<vmem>>) semaphore(%arg28 : memref<!tpu.dma_semaphore, #tpu.memory_space<semaphore_mem>>)
      %dma_wait3A_84 = arith.constant 0 : i32
      %dma_wait3A_85 = arith.constant 0 : i32
      %dma_wait3A_86 = tpu.memref_slice %arg2[%dma_wait3A_84, %dma_wait3A_85] : memref<10000x128xf32, #tpu.memory_space<hbm>> -> memref<10000x128xf32, #tpu.memory_space<hbm>>
      tpu.wait_indirect_dma semaphore(%arg24 : memref<!tpu.dma_semaphore, #tpu.memory_space<semaphore_mem>>) src(%dma_wait3A_86 : memref<10000x128xf32, #tpu.memory_space<hbm>>) dst(%arg19 : memref<40x128xf32, #tpu.memory_space<vmem>>)
      %dma_wait3A_87 = tpu.memref_slice %arg4[%add3A_25] : memref<320000xi32, #tpu.memory_space<hbm>> -> memref<40xi32, #tpu.memory_space<hbm>>
      %dma_wait3A_88 = tpu.memref_slice %arg4[%add3A_25] : memref<320000xi32, #tpu.memory_space<hbm>> -> memref<40xi32, #tpu.memory_space<hbm>>
      tpu.wait_dma2 semaphore(%arg34 : memref<!tpu.dma_semaphore, #tpu.memory_space<semaphore_mem>>) src(%dma_wait3A_88 : memref<40xi32, #tpu.memory_space<hbm>>) dst(%arg14 : memref<40xi32, #tpu.memory_space<vmem>>)
      "tpu.region"() ({
        %run_scoped3A = tpu.sem_alloc : memref<!tpu.dma_semaphore, #tpu.memory_space<semaphore_mem>>
        %dma_start3A_109 = arith.constant 0 : i32
        %dma_start3A_110 = arith.constant 0 : i32
        %dma_start3A_111 = tpu.memref_slice %arg8[%dma_start3A_109, %dma_start3A_110] : memref<10240x128xf32, #tpu.memory_space<vmem_shared>> -> memref<10240x128xf32, #tpu.memory_space<vmem_shared>>
        tpu.enqueue_indirect_dma source(%arg19 : memref<40x128xf32, #tpu.memory_space<vmem>>) target(%dma_start3A_111 : memref<10240x128xf32, #tpu.memory_space<vmem_shared>>) offsets(%arg14 : memref<40xi32, #tpu.memory_space<vmem>>) semaphore(%run_scoped3A : memref<!tpu.dma_semaphore, #tpu.memory_space<semaphore_mem>>) {add = true}
        %dma_wait3A_112 = arith.constant 0 : i32
        %dma_wait3A_113 = arith.constant 0 : i32
        %dma_wait3A_114 = tpu.memref_slice %arg8[%dma_wait3A_112, %dma_wait3A_113] : memref<10240x128xf32, #tpu.memory_space<vmem_shared>> -> memref<10240x128xf32, #tpu.memory_space<vmem_shared>>
        tpu.wait_indirect_dma semaphore(%run_scoped3A : memref<!tpu.dma_semaphore, #tpu.memory_space<semaphore_mem>>) src(%arg19 : memref<40x128xf32, #tpu.memory_space<vmem>>) dst(%dma_wait3A_114 : memref<10240x128xf32, #tpu.memory_space<vmem_shared>>)
        tpu.yield
      }) : () -> ()
      %dma_wait3A_89 = arith.constant 0 : i32
      %dma_wait3A_90 = arith.constant 0 : i32
      %dma_wait3A_91 = tpu.memref_slice %arg2[%dma_wait3A_89, %dma_wait3A_90] : memref<10000x128xf32, #tpu.memory_space<hbm>> -> memref<10000x128xf32, #tpu.memory_space<hbm>>
      tpu.wait_indirect_dma semaphore(%arg25 : memref<!tpu.dma_semaphore, #tpu.memory_space<semaphore_mem>>) src(%dma_wait3A_91 : memref<10000x128xf32, #tpu.memory_space<hbm>>) dst(%arg20 : memref<40x128xf32, #tpu.memory_space<vmem>>)
      %dma_wait3A_92 = tpu.memref_slice %arg4[%add3A_33] : memref<320000xi32, #tpu.memory_space<hbm>> -> memref<40xi32, #tpu.memory_space<hbm>>
      %dma_wait3A_93 = tpu.memref_slice %arg4[%add3A_33] : memref<320000xi32, #tpu.memory_space<hbm>> -> memref<40xi32, #tpu.memory_space<hbm>>
      tpu.wait_dma2 semaphore(%arg35 : memref<!tpu.dma_semaphore, #tpu.memory_space<semaphore_mem>>) src(%dma_wait3A_93 : memref<40xi32, #tpu.memory_space<hbm>>) dst(%arg15 : memref<40xi32, #tpu.memory_space<vmem>>)
      "tpu.region"() ({
        %run_scoped3A = tpu.sem_alloc : memref<!tpu.dma_semaphore, #tpu.memory_space<semaphore_mem>>
        %dma_start3A_109 = arith.constant 0 : i32
        %dma_start3A_110 = arith.constant 0 : i32
        %dma_start3A_111 = tpu.memref_slice %arg8[%dma_start3A_109, %dma_start3A_110] : memref<10240x128xf32, #tpu.memory_space<vmem_shared>> -> memref<10240x128xf32, #tpu.memory_space<vmem_shared>>
        tpu.enqueue_indirect_dma source(%arg20 : memref<40x128xf32, #tpu.memory_space<vmem>>) target(%dma_start3A_111 : memref<10240x128xf32, #tpu.memory_space<vmem_shared>>) offsets(%arg15 : memref<40xi32, #tpu.memory_space<vmem>>) semaphore(%run_scoped3A : memref<!tpu.dma_semaphore, #tpu.memory_space<semaphore_mem>>) {add = true}
        %dma_wait3A_112 = arith.constant 0 : i32
        %dma_wait3A_113 = arith.constant 0 : i32
        %dma_wait3A_114 = tpu.memref_slice %arg8[%dma_wait3A_112, %dma_wait3A_113] : memref<10240x128xf32, #tpu.memory_space<vmem_shared>> -> memref<10240x128xf32, #tpu.memory_space<vmem_shared>>
        tpu.wait_indirect_dma semaphore(%run_scoped3A : memref<!tpu.dma_semaphore, #tpu.memory_space<semaphore_mem>>) src(%arg20 : memref<40x128xf32, #tpu.memory_space<vmem>>) dst(%dma_wait3A_114 : memref<10240x128xf32, #tpu.memory_space<vmem_shared>>)
        tpu.yield
      }) : () -> ()
      %dma_wait3A_94 = arith.constant 0 : i32
      %dma_wait3A_95 = arith.constant 0 : i32
      %dma_wait3A_96 = tpu.memref_slice %arg2[%dma_wait3A_94, %dma_wait3A_95] : memref<10000x128xf32, #tpu.memory_space<hbm>> -> memref<10000x128xf32, #tpu.memory_space<hbm>>
      tpu.wait_indirect_dma semaphore(%arg26 : memref<!tpu.dma_semaphore, #tpu.memory_space<semaphore_mem>>) src(%dma_wait3A_96 : memref<10000x128xf32, #tpu.memory_space<hbm>>) dst(%arg21 : memref<40x128xf32, #tpu.memory_space<vmem>>)
      %dma_wait3A_97 = tpu.memref_slice %arg4[%add3A_41] : memref<320000xi32, #tpu.memory_space<hbm>> -> memref<40xi32, #tpu.memory_space<hbm>>
      %dma_wait3A_98 = tpu.memref_slice %arg4[%add3A_41] : memref<320000xi32, #tpu.memory_space<hbm>> -> memref<40xi32, #tpu.memory_space<hbm>>
      tpu.wait_dma2 semaphore(%arg36 : memref<!tpu.dma_semaphore, #tpu.memory_space<semaphore_mem>>) src(%dma_wait3A_98 : memref<40xi32, #tpu.memory_space<hbm>>) dst(%arg16 : memref<40xi32, #tpu.memory_space<vmem>>)
      "tpu.region"() ({
        %run_scoped3A = tpu.sem_alloc : memref<!tpu.dma_semaphore, #tpu.memory_space<semaphore_mem>>
        %dma_start3A_109 = arith.constant 0 : i32
        %dma_start3A_110 = arith.constant 0 : i32
        %dma_start3A_111 = tpu.memref_slice %arg8[%dma_start3A_109, %dma_start3A_110] : memref<10240x128xf32, #tpu.memory_space<vmem_shared>> -> memref<10240x128xf32, #tpu.memory_space<vmem_shared>>
        tpu.enqueue_indirect_dma source(%arg21 : memref<40x128xf32, #tpu.memory_space<vmem>>) target(%dma_start3A_111 : memref<10240x128xf32, #tpu.memory_space<vmem_shared>>) offsets(%arg16 : memref<40xi32, #tpu.memory_space<vmem>>) semaphore(%run_scoped3A : memref<!tpu.dma_semaphore, #tpu.memory_space<semaphore_mem>>) {add = true}
        %dma_wait3A_112 = arith.constant 0 : i32
        %dma_wait3A_113 = arith.constant 0 : i32
        %dma_wait3A_114 = tpu.memref_slice %arg8[%dma_wait3A_112, %dma_wait3A_113] : memref<10240x128xf32, #tpu.memory_space<vmem_shared>> -> memref<10240x128xf32, #tpu.memory_space<vmem_shared>>
        tpu.wait_indirect_dma semaphore(%run_scoped3A : memref<!tpu.dma_semaphore, #tpu.memory_space<semaphore_mem>>) src(%arg21 : memref<40x128xf32, #tpu.memory_space<vmem>>) dst(%dma_wait3A_114 : memref<10240x128xf32, #tpu.memory_space<vmem_shared>>)
        tpu.yield
      }) : () -> ()
      %dma_wait3A_99 = arith.constant 0 : i32
      %dma_wait3A_100 = arith.constant 0 : i32
      %dma_wait3A_101 = tpu.memref_slice %arg2[%dma_wait3A_99, %dma_wait3A_100] : memref<10000x128xf32, #tpu.memory_space<hbm>> -> memref<10000x128xf32, #tpu.memory_space<hbm>>
      tpu.wait_indirect_dma semaphore(%arg27 : memref<!tpu.dma_semaphore, #tpu.memory_space<semaphore_mem>>) src(%dma_wait3A_101 : memref<10000x128xf32, #tpu.memory_space<hbm>>) dst(%arg22 : memref<40x128xf32, #tpu.memory_space<vmem>>)
      %dma_wait3A_102 = tpu.memref_slice %arg4[%add3A_49] : memref<320000xi32, #tpu.memory_space<hbm>> -> memref<40xi32, #tpu.memory_space<hbm>>
      %dma_wait3A_103 = tpu.memref_slice %arg4[%add3A_49] : memref<320000xi32, #tpu.memory_space<hbm>> -> memref<40xi32, #tpu.memory_space<hbm>>
      tpu.wait_dma2 semaphore(%arg37 : memref<!tpu.dma_semaphore, #tpu.memory_space<semaphore_mem>>) src(%dma_wait3A_103 : memref<40xi32, #tpu.memory_space<hbm>>) dst(%arg17 : memref<40xi32, #tpu.memory_space<vmem>>)
      "tpu.region"() ({
        %run_scoped3A = tpu.sem_alloc : memref<!tpu.dma_semaphore, #tpu.memory_space<semaphore_mem>>
        %dma_start3A_109 = arith.constant 0 : i32
        %dma_start3A_110 = arith.constant 0 : i32
        %dma_start3A_111 = tpu.memref_slice %arg8[%dma_start3A_109, %dma_start3A_110] : memref<10240x128xf32, #tpu.memory_space<vmem_shared>> -> memref<10240x128xf32, #tpu.memory_space<vmem_shared>>
        tpu.enqueue_indirect_dma source(%arg22 : memref<40x128xf32, #tpu.memory_space<vmem>>) target(%dma_start3A_111 : memref<10240x128xf32, #tpu.memory_space<vmem_shared>>) offsets(%arg17 : memref<40xi32, #tpu.memory_space<vmem>>) semaphore(%run_scoped3A : memref<!tpu.dma_semaphore, #tpu.memory_space<semaphore_mem>>) {add = true}
        %dma_wait3A_112 = arith.constant 0 : i32
        %dma_wait3A_113 = arith.constant 0 : i32
        %dma_wait3A_114 = tpu.memref_slice %arg8[%dma_wait3A_112, %dma_wait3A_113] : memref<10240x128xf32, #tpu.memory_space<vmem_shared>> -> memref<10240x128xf32, #tpu.memory_space<vmem_shared>>
        tpu.wait_indirect_dma semaphore(%run_scoped3A : memref<!tpu.dma_semaphore, #tpu.memory_space<semaphore_mem>>) src(%arg22 : memref<40x128xf32, #tpu.memory_space<vmem>>) dst(%dma_wait3A_114 : memref<10240x128xf32, #tpu.memory_space<vmem_shared>>)
        tpu.yield
      }) : () -> ()
      %dma_wait3A_104 = arith.constant 0 : i32
      %dma_wait3A_105 = arith.constant 0 : i32
      %dma_wait3A_106 = tpu.memref_slice %arg2[%dma_wait3A_104, %dma_wait3A_105] : memref<10000x128xf32, #tpu.memory_space<hbm>> -> memref<10000x128xf32, #tpu.memory_space<hbm>>
      tpu.wait_indirect_dma semaphore(%arg28 : memref<!tpu.dma_semaphore, #tpu.memory_space<semaphore_mem>>) src(%dma_wait3A_106 : memref<10000x128xf32, #tpu.memory_space<hbm>>) dst(%arg23 : memref<40x128xf32, #tpu.memory_space<vmem>>)
      %dma_wait3A_107 = tpu.memref_slice %arg4[%add3A_57] : memref<320000xi32, #tpu.memory_space<hbm>> -> memref<40xi32, #tpu.memory_space<hbm>>
      %dma_wait3A_108 = tpu.memref_slice %arg4[%add3A_57] : memref<320000xi32, #tpu.memory_space<hbm>> -> memref<40xi32, #tpu.memory_space<hbm>>
      tpu.wait_dma2 semaphore(%arg38 : memref<!tpu.dma_semaphore, #tpu.memory_space<semaphore_mem>>) src(%dma_wait3A_108 : memref<40xi32, #tpu.memory_space<hbm>>) dst(%arg18 : memref<40xi32, #tpu.memory_space<vmem>>)
      "tpu.region"() ({
        %run_scoped3A = tpu.sem_alloc : memref<!tpu.dma_semaphore, #tpu.memory_space<semaphore_mem>>
        %dma_start3A_109 = arith.constant 0 : i32
        %dma_start3A_110 = arith.constant 0 : i32
        %dma_start3A_111 = tpu.memref_slice %arg8[%dma_start3A_109, %dma_start3A_110] : memref<10240x128xf32, #tpu.memory_space<vmem_shared>> -> memref<10240x128xf32, #tpu.memory_space<vmem_shared>>
        tpu.enqueue_indirect_dma source(%arg23 : memref<40x128xf32, #tpu.memory_space<vmem>>) target(%dma_start3A_111 : memref<10240x128xf32, #tpu.memory_space<vmem_shared>>) offsets(%arg18 : memref<40xi32, #tpu.memory_space<vmem>>) semaphore(%run_scoped3A : memref<!tpu.dma_semaphore, #tpu.memory_space<semaphore_mem>>) {add = true}
        %dma_wait3A_112 = arith.constant 0 : i32
        %dma_wait3A_113 = arith.constant 0 : i32
        %dma_wait3A_114 = tpu.memref_slice %arg8[%dma_wait3A_112, %dma_wait3A_113] : memref<10240x128xf32, #tpu.memory_space<vmem_shared>> -> memref<10240x128xf32, #tpu.memory_space<vmem_shared>>
        tpu.wait_indirect_dma semaphore(%run_scoped3A : memref<!tpu.dma_semaphore, #tpu.memory_space<semaphore_mem>>) src(%arg23 : memref<40x128xf32, #tpu.memory_space<vmem>>) dst(%dma_wait3A_114 : memref<10240x128xf32, #tpu.memory_space<vmem_shared>>)
        tpu.yield
      }) : () -> ()
    }
    %scan3A_8 = arith.constant 50 : i32
    %barrier3A_9 = arith.constant 0 : index
    tpu.barrier barrier_id(%barrier3A_9)
    %eq3A = arith.constant 0 : i32
    %eq3A_10 = arith.cmpi eq, %arg0, %eq3A : i32
    %convert_element_type3A = arith.extui %eq3A_10 : i1 to i32
    %cond3A = arith.constant 0 : i32
    %cond3A_11 = arith.cmpi ne, %convert_element_type3A, %cond3A : i32
    scf.if %cond3A_11 {
      "tpu.region"() ({
        %run_scoped3A = tpu.sem_alloc : memref<!tpu.dma_semaphore, #tpu.memory_space<semaphore_mem>>
        %dma_start3A = arith.constant 0 : i32
        %dma_start3A_17 = tpu.memref_slice %arg6[%mul3A_0, %dma_start3A] : memref<10240x128xf32, #tpu.memory_space<hbm>> -> memref<640x128xf32, #tpu.memory_space<hbm>>
        %dma_start3A_18 = arith.constant 0 : i32
        %dma_start3A_19 = tpu.memref_slice %arg8[%mul3A_0, %dma_start3A_18] : memref<10240x128xf32, #tpu.memory_space<vmem_shared>> -> memref<640x128xf32, #tpu.memory_space<vmem_shared>>
        tpu.enqueue_dma source(%dma_start3A_19 : memref<640x128xf32, #tpu.memory_space<vmem_shared>>) target(%dma_start3A_17 : memref<640x128xf32, #tpu.memory_space<hbm>>) target_semaphore(%run_scoped3A : memref<!tpu.dma_semaphore, #tpu.memory_space<semaphore_mem>>)
        %dma_wait3A = arith.constant 0 : i32
        %dma_wait3A_20 = tpu.memref_slice %arg6[%mul3A_0, %dma_wait3A] : memref<10240x128xf32, #tpu.memory_space<hbm>> -> memref<640x128xf32, #tpu.memory_space<hbm>>
        %dma_wait3A_21 = arith.constant 0 : i32
        %dma_wait3A_22 = tpu.memref_slice %arg8[%mul3A_0, %dma_wait3A_21] : memref<10240x128xf32, #tpu.memory_space<vmem_shared>> -> memref<640x128xf32, #tpu.memory_space<vmem_shared>>
        tpu.wait_dma2 semaphore(%run_scoped3A : memref<!tpu.dma_semaphore, #tpu.memory_space<semaphore_mem>>) src(%dma_wait3A_22 : memref<640x128xf32, #tpu.memory_space<vmem_shared>>) dst(%dma_wait3A_20 : memref<640x128xf32, #tpu.memory_space<hbm>>)
        tpu.yield
      }) : () -> ()
    } else {
    }
    %eq3A_12 = arith.constant 1 : i32
    %eq3A_13 = arith.cmpi eq, %arg0, %eq3A_12 : i32
    %convert_element_type3A_14 = arith.extui %eq3A_13 : i1 to i32
    %cond3A_15 = arith.constant 0 : i32
    %cond3A_16 = arith.cmpi ne, %convert_element_type3A_14, %cond3A_15 : i32
    scf.if %cond3A_16 {
      "tpu.region"() ({
        %run_scoped3A = tpu.sem_alloc : memref<!tpu.dma_semaphore, #tpu.memory_space<semaphore_mem>>
        %dma_start3A = arith.constant 0 : i32
        %dma_start3A_17 = tpu.memref_slice %arg7[%mul3A_0, %dma_start3A] : memref<10240x128xf32, #tpu.memory_space<hbm>> -> memref<640x128xf32, #tpu.memory_space<hbm>>
        %dma_start3A_18 = arith.constant 0 : i32
        %dma_start3A_19 = tpu.memref_slice %arg8[%mul3A_0, %dma_start3A_18] : memref<10240x128xf32, #tpu.memory_space<vmem_shared>> -> memref<640x128xf32, #tpu.memory_space<vmem_shared>>
        tpu.enqueue_dma source(%dma_start3A_19 : memref<640x128xf32, #tpu.memory_space<vmem_shared>>) target(%dma_start3A_17 : memref<640x128xf32, #tpu.memory_space<hbm>>) target_semaphore(%run_scoped3A : memref<!tpu.dma_semaphore, #tpu.memory_space<semaphore_mem>>)
        %dma_wait3A = arith.constant 0 : i32
        %dma_wait3A_20 = tpu.memref_slice %arg7[%mul3A_0, %dma_wait3A] : memref<10240x128xf32, #tpu.memory_space<hbm>> -> memref<640x128xf32, #tpu.memory_space<hbm>>
        %dma_wait3A_21 = arith.constant 0 : i32
        %dma_wait3A_22 = tpu.memref_slice %arg8[%mul3A_0, %dma_wait3A_21] : memref<10240x128xf32, #tpu.memory_space<vmem_shared>> -> memref<640x128xf32, #tpu.memory_space<vmem_shared>>
        tpu.wait_dma2 semaphore(%run_scoped3A : memref<!tpu.dma_semaphore, #tpu.memory_space<semaphore_mem>>) src(%dma_wait3A_22 : memref<640x128xf32, #tpu.memory_space<vmem_shared>>) dst(%dma_wait3A_20 : memref<640x128xf32, #tpu.memory_space<hbm>>)
        tpu.yield
      }) : () -> ()
    } else {
    }
    return
  }
}

module attributes {stable_mosaic.version = 14 : i64} {
  func.func @_enc_body(%arg0: i32, %arg1: memref<1000x1xi32, #tpu.memory_space<vmem>>, %arg2: memref<1000x1xi32, #tpu.memory_space<vmem>>, %arg3: memref<1000x1xi32, #tpu.memory_space<vmem>>, %arg4: memref<128x128xf32, #tpu.memory_space<vmem>>, %arg5: memref<128x128xf32, #tpu.memory_space<vmem>>, %arg6: memref<32x128xf32, #tpu.memory_space<vmem>>, %arg7: memref<128x128xf32, #tpu.memory_space<vmem>>, %arg8: memref<128x128xf32, #tpu.memory_space<vmem>>, %arg9: memref<1x128xf32, #tpu.memory_space<vmem>>, %arg10: memref<1000x128xf32, #tpu.memory_space<vmem>>, %arg11: memref<1000x128xf32, #tpu.memory_space<vmem>>) attributes {dimension_semantics = [#tpu.dimension_semantics<arbitrary>], iteration_bounds = array<i64: 10>, scalar_prefetch = 0 : i64, scratch_operands = 0 : i64, tpu.core_type = #tpu.core_type<tc>, window_params = [{transform_indices = @transform_0, window_bounds = array<i64: 1000, 1>}, {transform_indices = @transform_1, window_bounds = array<i64: 1000, 1>}, {transform_indices = @transform_2, window_bounds = array<i64: 1000, 1>}, {pipeline_mode = #tpu.pipeline_mode<synchronous>, transform_indices = @transform_3, window_bounds = array<i64: 128, 128>}, {pipeline_mode = #tpu.pipeline_mode<synchronous>, transform_indices = @transform_4, window_bounds = array<i64: 128, 128>}, {pipeline_mode = #tpu.pipeline_mode<synchronous>, transform_indices = @transform_5, window_bounds = array<i64: 32, 128>}, {pipeline_mode = #tpu.pipeline_mode<synchronous>, transform_indices = @transform_6, window_bounds = array<i64: 128, 128>}, {pipeline_mode = #tpu.pipeline_mode<synchronous>, transform_indices = @transform_7, window_bounds = array<i64: 128, 128>}, {pipeline_mode = #tpu.pipeline_mode<synchronous>, transform_indices = @transform_8, window_bounds = array<i64: 1, 128>}, {transform_indices = @transform_9, window_bounds = array<i64: 1000, 128>}, {transform_indices = @transform_10, window_bounds = array<i64: 1000, 128>}]} {
    %get3A = arith.constant 0 : index
    %get3A_0 = arith.constant 0 : index
    %get3A_1 = vector.load %arg1[%get3A, %get3A_0] : memref<1000x1xi32, #tpu.memory_space<vmem>>, vector<1000x1xi32>
    %iota3A = tpu.iota {dimensions = array<i32: 1>} : vector<1000x128xi32>
    %eq3A = vector.broadcast %get3A_1 : vector<1000x1xi32> to vector<1000x128xi32>
    %eq3A_2 = arith.cmpi eq, %eq3A, %iota3A : vector<1000x128xi32>
    %convert_element_type3A = arith.extui %eq3A_2 : vector<1000x128xi1> to vector<1000x128xi32>
    %convert_element_type3A_3 = arith.sitofp %convert_element_type3A : vector<1000x128xi32> to vector<1000x128xf32>
    %get3A_4 = arith.constant 0 : index
    %get3A_5 = arith.constant 0 : index
    %get3A_6 = vector.load %arg2[%get3A_4, %get3A_5] : memref<1000x1xi32, #tpu.memory_space<vmem>>, vector<1000x1xi32>
    %iota3A_7 = tpu.iota {dimensions = array<i32: 1>} : vector<1000x128xi32>
    %eq3A_8 = vector.broadcast %get3A_6 : vector<1000x1xi32> to vector<1000x128xi32>
    %eq3A_9 = arith.cmpi eq, %eq3A_8, %iota3A_7 : vector<1000x128xi32>
    %convert_element_type3A_10 = arith.extui %eq3A_9 : vector<1000x128xi1> to vector<1000x128xi32>
    %convert_element_type3A_11 = arith.sitofp %convert_element_type3A_10 : vector<1000x128xi32> to vector<1000x128xf32>
    %get3A_12 = arith.constant 0 : index
    %get3A_13 = arith.constant 0 : index
    %get3A_14 = vector.load %arg3[%get3A_12, %get3A_13] : memref<1000x1xi32, #tpu.memory_space<vmem>>, vector<1000x1xi32>
    %iota3A_15 = tpu.iota {dimensions = array<i32: 1>} : vector<1000x32xi32>
    %eq3A_16 = vector.broadcast %get3A_14 : vector<1000x1xi32> to vector<1000x32xi32>
    %eq3A_17 = arith.cmpi eq, %eq3A_16, %iota3A_15 : vector<1000x32xi32>
    %convert_element_type3A_18 = arith.extui %eq3A_17 : vector<1000x32xi1> to vector<1000x32xi32>
    %convert_element_type3A_19 = arith.sitofp %convert_element_type3A_18 : vector<1000x32xi32> to vector<1000x32xf32>
    %get3A_20 = arith.constant 0 : index
    %get3A_21 = arith.constant 0 : index
    %get3A_22 = vector.load %arg4[%get3A_20, %get3A_21] : memref<128x128xf32, #tpu.memory_space<vmem>>, vector<128x128xf32>
    %dot_general3A = arith.constant dense<0.000000e+00> : vector<1000x128xf32>
    %dot_general3A_23 = tpu.matmul %convert_element_type3A_3, %get3A_22, %dot_general3A {dimension_numbers = #tpu.dot_dimension_numbers<[1], [0], [0], [1], [0, 0, 1, 1], [], []>, transpose_lhs_hint = false} : vector<1000x128xf32>, vector<128x128xf32>, vector<1000x128xf32> -> vector<1000x128xf32>
    %get3A_24 = arith.constant 0 : index
    %get3A_25 = arith.constant 0 : index
    %get3A_26 = vector.load %arg5[%get3A_24, %get3A_25] : memref<128x128xf32, #tpu.memory_space<vmem>>, vector<128x128xf32>
    %dot_general3A_27 = arith.constant dense<0.000000e+00> : vector<1000x128xf32>
    %dot_general3A_28 = tpu.matmul %convert_element_type3A_11, %get3A_26, %dot_general3A_27 {dimension_numbers = #tpu.dot_dimension_numbers<[1], [0], [0], [1], [0, 0, 1, 1], [], []>, transpose_lhs_hint = false} : vector<1000x128xf32>, vector<128x128xf32>, vector<1000x128xf32> -> vector<1000x128xf32>
    %add3A = arith.addf %dot_general3A_23, %dot_general3A_28 : vector<1000x128xf32>
    %get3A_29 = arith.constant 0 : index
    %get3A_30 = arith.constant 0 : index
    %get3A_31 = vector.load %arg6[%get3A_29, %get3A_30] : memref<32x128xf32, #tpu.memory_space<vmem>>, vector<32x128xf32>
    %dot_general3A_32 = arith.constant dense<0.000000e+00> : vector<1000x128xf32>
    %dot_general3A_33 = tpu.matmul %convert_element_type3A_19, %get3A_31, %dot_general3A_32 {dimension_numbers = #tpu.dot_dimension_numbers<[1], [0], [0], [1], [0, 0, 1, 1], [], []>, transpose_lhs_hint = false} : vector<1000x32xf32>, vector<32x128xf32>, vector<1000x128xf32> -> vector<1000x128xf32>
    %add3A_34 = arith.addf %add3A, %dot_general3A_33 : vector<1000x128xf32>
    %get3A_35 = arith.constant 0 : index
    %get3A_36 = arith.constant 0 : index
    %get3A_37 = vector.load %arg7[%get3A_35, %get3A_36] : memref<128x128xf32, #tpu.memory_space<vmem>>, vector<128x128xf32>
    %dot_general3A_38 = arith.constant dense<0.000000e+00> : vector<1000x128xf32>
    %dot_general3A_39 = tpu.matmul %add3A_34, %get3A_37, %dot_general3A_38 {dimension_numbers = #tpu.dot_dimension_numbers<[1], [0], [0], [1], [0, 0, 1, 1], [], []>, transpose_lhs_hint = false} : vector<1000x128xf32>, vector<128x128xf32>, vector<1000x128xf32> -> vector<1000x128xf32>
    %swap3A = arith.constant 0 : index
    %swap3A_40 = arith.constant 0 : index
    %swap3A_41 = vector.load %arg10[%swap3A, %swap3A_40] : memref<1000x128xf32, #tpu.memory_space<vmem>>, vector<1000x128xf32>
    tpu.vector_store %arg10[%swap3A, %swap3A_40], %dot_general3A_39 {strides = array<i32>} : memref<1000x128xf32, #tpu.memory_space<vmem>>, vector<1000x128xf32>,
    %get3A_42 = arith.constant 0 : index
    %get3A_43 = arith.constant 0 : index
    %get3A_44 = vector.load %arg8[%get3A_42, %get3A_43] : memref<128x128xf32, #tpu.memory_space<vmem>>, vector<128x128xf32>
    %dot_general3A_45 = arith.constant dense<0.000000e+00> : vector<1000x128xf32>
    %dot_general3A_46 = tpu.matmul %add3A_34, %get3A_44, %dot_general3A_45 {dimension_numbers = #tpu.dot_dimension_numbers<[1], [0], [0], [1], [0, 0, 1, 1], [], []>, transpose_lhs_hint = false} : vector<1000x128xf32>, vector<128x128xf32>, vector<1000x128xf32> -> vector<1000x128xf32>
    %get3A_47 = arith.constant 0 : index
    %get3A_48 = arith.constant 0 : index
    %get3A_49 = vector.load %arg9[%get3A_47, %get3A_48] : memref<1x128xf32, #tpu.memory_space<vmem>>, vector<1x128xf32>
    %add3A_50 = vector.broadcast %get3A_49 : vector<1x128xf32> to vector<1000x128xf32>
    %add3A_51 = arith.addf %dot_general3A_46, %add3A_50 : vector<1000x128xf32>
    %swap3A_52 = arith.constant 0 : index
    %swap3A_53 = arith.constant 0 : index
    %swap3A_54 = vector.load %arg11[%swap3A_52, %swap3A_53] : memref<1000x128xf32, #tpu.memory_space<vmem>>, vector<1000x128xf32>
    tpu.vector_store %arg11[%swap3A_52, %swap3A_53], %add3A_51 {strides = array<i32>} : memref<1000x128xf32, #tpu.memory_space<vmem>>, vector<1000x128xf32>,
    return
  }
  func.func @transform_0(%arg0: i32) -> (i32, i32) {
    %c0_i32 = arith.constant 0 : i32
    %c0_i32_0 = arith.constant 0 : i32
    return %arg0, %c0_i32 : i32, i32
  }
  func.func @transform_1(%arg0: i32) -> (i32, i32) {
    %c0_i32 = arith.constant 0 : i32
    %c0_i32_0 = arith.constant 0 : i32
    return %arg0, %c0_i32 : i32, i32
  }
  func.func @transform_2(%arg0: i32) -> (i32, i32) {
    %c0_i32 = arith.constant 0 : i32
    %c0_i32_0 = arith.constant 0 : i32
    return %arg0, %c0_i32 : i32, i32
  }
  func.func @transform_3(%arg0: i32) -> (i32, i32) {
    %c0_i32 = arith.constant 0 : i32
    %c0_i32_0 = arith.constant 0 : i32
    %c0_i32_1 = arith.constant 0 : i32
    return %c0_i32, %c0_i32_0 : i32, i32
  }
  func.func @transform_4(%arg0: i32) -> (i32, i32) {
    %c0_i32 = arith.constant 0 : i32
    %c0_i32_0 = arith.constant 0 : i32
    %c0_i32_1 = arith.constant 0 : i32
    return %c0_i32, %c0_i32_0 : i32, i32
  }
  func.func @transform_5(%arg0: i32) -> (i32, i32) {
    %c0_i32 = arith.constant 0 : i32
    %c0_i32_0 = arith.constant 0 : i32
    %c0_i32_1 = arith.constant 0 : i32
    return %c0_i32, %c0_i32_0 : i32, i32
  }
  func.func @transform_6(%arg0: i32) -> (i32, i32) {
    %c0_i32 = arith.constant 0 : i32
    %c0_i32_0 = arith.constant 0 : i32
    %c0_i32_1 = arith.constant 0 : i32
    return %c0_i32, %c0_i32_0 : i32, i32
  }
  func.func @transform_7(%arg0: i32) -> (i32, i32) {
    %c0_i32 = arith.constant 0 : i32
    %c0_i32_0 = arith.constant 0 : i32
    %c0_i32_1 = arith.constant 0 : i32
    return %c0_i32, %c0_i32_0 : i32, i32
  }
  func.func @transform_8(%arg0: i32) -> (i32, i32) {
    %c0_i32 = arith.constant 0 : i32
    %c0_i32_0 = arith.constant 0 : i32
    %c0_i32_1 = arith.constant 0 : i32
    return %c0_i32, %c0_i32_0 : i32, i32
  }
  func.func @transform_9(%arg0: i32) -> (i32, i32) {
    %c0_i32 = arith.constant 0 : i32
    %c0_i32_0 = arith.constant 0 : i32
    return %arg0, %c0_i32 : i32, i32
  }
  func.func @transform_10(%arg0: i32) -> (i32, i32) {
    %c0_i32 = arith.constant 0 : i32
    %c0_i32_0 = arith.constant 0 : i32
    return %arg0, %c0_i32 : i32, i32
  }
}

module attributes {stable_mosaic.version = 14 : i64} {
  func.func @_mid_body(%arg0: i32, %arg1: memref<1000x128xf32, #tpu.memory_space<vmem>>, %arg2: memref<1000x128xf32, #tpu.memory_space<vmem>>, %arg3: memref<1000x16xf32, #tpu.memory_space<vmem>>, %arg4: memref<1000x16xf32, #tpu.memory_space<vmem>>, %arg5: memref<1000x128xf32, #tpu.memory_space<vmem>>, %arg6: memref<1000x1xi32, #tpu.memory_space<vmem>>, %arg7: memref<128x128xf32, #tpu.memory_space<vmem>>, %arg8: memref<128x128xf32, #tpu.memory_space<vmem>>, %arg9: memref<1x128xf32, #tpu.memory_space<vmem>>, %arg10: memref<1000x128xf32, #tpu.memory_space<vmem>>, %arg11: memref<1000x128xf32, #tpu.memory_space<vmem>>, %arg12: memref<128x128xf32, #tpu.memory_space<vmem>>, %arg13: memref<128x128xf32, #tpu.memory_space<vmem>>, %arg14: memref<1000x16xf32, #tpu.memory_space<vmem>>) attributes {dimension_semantics = [#tpu.dimension_semantics<arbitrary>], iteration_bounds = array<i64: 10>, scalar_prefetch = 0 : i64, scratch_operands = 0 : i64, tpu.core_type = #tpu.core_type<tc>, window_params = [{transform_indices = @transform_0, window_bounds = array<i64: 1000, 128>}, {transform_indices = @transform_1, window_bounds = array<i64: 1000, 128>}, {transform_indices = @transform_2, window_bounds = array<i64: 1000, 16>}, {transform_indices = @transform_3, window_bounds = array<i64: 1000, 16>}, {transform_indices = @transform_4, window_bounds = array<i64: 1000, 128>}, {transform_indices = @transform_5, window_bounds = array<i64: 1000, 1>}, {pipeline_mode = #tpu.pipeline_mode<synchronous>, transform_indices = @transform_6, window_bounds = array<i64: 128, 128>}, {pipeline_mode = #tpu.pipeline_mode<synchronous>, transform_indices = @transform_7, window_bounds = array<i64: 128, 128>}, {pipeline_mode = #tpu.pipeline_mode<synchronous>, transform_indices = @transform_8, window_bounds = array<i64: 1, 128>}, {transform_indices = @transform_9, window_bounds = array<i64: 1000, 128>}, {transform_indices = @transform_10, window_bounds = array<i64: 1000, 128>}, {pipeline_mode = #tpu.pipeline_mode<synchronous>, transform_indices = @transform_11, window_bounds = array<i64: 128, 128>}, {pipeline_mode = #tpu.pipeline_mode<synchronous>, transform_indices = @transform_12, window_bounds = array<i64: 128, 128>}, {transform_indices = @transform_13, window_bounds = array<i64: 1000, 16>}]} {
    %get3A = arith.constant 0 : index
    %get3A_0 = arith.constant 0 : index
    %get3A_1 = vector.load %arg3[%get3A, %get3A_0] : memref<1000x16xf32, #tpu.memory_space<vmem>>, vector<1000x16xf32>
    %get3A_2 = arith.constant 0 : index
    %get3A_3 = arith.constant 0 : index
    %get3A_4 = vector.load %arg4[%get3A_2, %get3A_3] : memref<1000x16xf32, #tpu.memory_space<vmem>>, vector<1000x16xf32>
    %add3A = arith.addf %get3A_1, %get3A_4 : vector<1000x16xf32>
    %reduce_sum3A = arith.constant dense<0.000000e+00> : vector<1000xf32>
    %reduce_sum3A_5 = vector.multi_reduction <add>, %add3A, %reduce_sum3A [1] : vector<1000x16xf32> to vector<1000xf32>
    %broadcast_in_dim3A = vector.shape_cast %reduce_sum3A_5 : vector<1000xf32> to vector<1000x1xf32>
    %mul3A = arith.constant 6.250000e-02 : f32
    %mul3A_6 = vector.broadcast %mul3A : f32 to vector<1000x1xf32>
    %mul3A_7 = arith.mulf %broadcast_in_dim3A, %mul3A_6 : vector<1000x1xf32>
    %get3A_8 = arith.constant 0 : index
    %get3A_9 = arith.constant 0 : index
    %get3A_10 = vector.load %arg1[%get3A_8, %get3A_9] : memref<1000x128xf32, #tpu.memory_space<vmem>>, vector<1000x128xf32>
    %get3A_11 = arith.constant 0 : index
    %get3A_12 = arith.constant 0 : index
    %get3A_13 = vector.load %arg2[%get3A_11, %get3A_12] : memref<1000x128xf32, #tpu.memory_space<vmem>>, vector<1000x128xf32>
    %add3A_14 = arith.addf %get3A_10, %get3A_13 : vector<1000x128xf32>
    %max3A = arith.constant 1.000000e+00 : f32
    %max3A_15 = vector.broadcast %max3A : f32 to vector<1000x1xf32>
    %max3A_16 = arith.maximumf %mul3A_7, %max3A_15 : vector<1000x1xf32>
    %div3A = vector.broadcast %max3A_16 : vector<1000x1xf32> to vector<1000x128xf32>
    %div3A_17 = arith.divf %add3A_14, %div3A : vector<1000x128xf32>
    %get3A_18 = arith.constant 0 : index
    %get3A_19 = arith.constant 0 : index
    %get3A_20 = vector.load %arg5[%get3A_18, %get3A_19] : memref<1000x128xf32, #tpu.memory_space<vmem>>, vector<1000x128xf32>
    %add3A_21 = arith.addf %div3A_17, %get3A_20 : vector<1000x128xf32>
    %max3A_22 = arith.constant 0.000000e+00 : f32
    %max3A_23 = vector.broadcast %max3A_22 : f32 to vector<1000x128xf32>
    %max3A_24 = arith.maximumf %add3A_21, %max3A_23 : vector<1000x128xf32>
    %get3A_25 = arith.constant 0 : index
    %get3A_26 = arith.constant 0 : index
    %get3A_27 = vector.load %arg7[%get3A_25, %get3A_26] : memref<128x128xf32, #tpu.memory_space<vmem>>, vector<128x128xf32>
    %dot_general3A = arith.constant dense<0.000000e+00> : vector<1000x128xf32>
    %dot_general3A_28 = tpu.matmul %max3A_24, %get3A_27, %dot_general3A {dimension_numbers = #tpu.dot_dimension_numbers<[1], [0], [0], [1], [0, 0, 1, 1], [], []>, transpose_lhs_hint = false} : vector<1000x128xf32>, vector<128x128xf32>, vector<1000x128xf32> -> vector<1000x128xf32>
    %swap3A = arith.constant 0 : index
    %swap3A_29 = arith.constant 0 : index
    %swap3A_30 = vector.load %arg10[%swap3A, %swap3A_29] : memref<1000x128xf32, #tpu.memory_space<vmem>>, vector<1000x128xf32>
    tpu.vector_store %arg10[%swap3A, %swap3A_29], %dot_general3A_28 {strides = array<i32>} : memref<1000x128xf32, #tpu.memory_space<vmem>>, vector<1000x128xf32>,
    %get3A_31 = arith.constant 0 : index
    %get3A_32 = arith.constant 0 : index
    %get3A_33 = vector.load %arg8[%get3A_31, %get3A_32] : memref<128x128xf32, #tpu.memory_space<vmem>>, vector<128x128xf32>
    %dot_general3A_34 = arith.constant dense<0.000000e+00> : vector<1000x128xf32>
    %dot_general3A_35 = tpu.matmul %max3A_24, %get3A_33, %dot_general3A_34 {dimension_numbers = #tpu.dot_dimension_numbers<[1], [0], [0], [1], [0, 0, 1, 1], [], []>, transpose_lhs_hint = false} : vector<1000x128xf32>, vector<128x128xf32>, vector<1000x128xf32> -> vector<1000x128xf32>
    %get3A_36 = arith.constant 0 : index
    %get3A_37 = arith.constant 0 : index
    %get3A_38 = vector.load %arg9[%get3A_36, %get3A_37] : memref<1x128xf32, #tpu.memory_space<vmem>>, vector<1x128xf32>
    %add3A_39 = vector.broadcast %get3A_38 : vector<1x128xf32> to vector<1000x128xf32>
    %add3A_40 = arith.addf %dot_general3A_35, %add3A_39 : vector<1000x128xf32>
    %swap3A_41 = arith.constant 0 : index
    %swap3A_42 = arith.constant 0 : index
    %swap3A_43 = vector.load %arg11[%swap3A_41, %swap3A_42] : memref<1000x128xf32, #tpu.memory_space<vmem>>, vector<1000x128xf32>
    tpu.vector_store %arg11[%swap3A_41, %swap3A_42], %add3A_40 {strides = array<i32>} : memref<1000x128xf32, #tpu.memory_space<vmem>>, vector<1000x128xf32>,
    %swap3A_44 = arith.constant 0 : index
    %swap3A_45 = arith.constant 0 : index
    %swap3A_46 = vector.load %arg14[%swap3A_44, %swap3A_45] : memref<1000x16xf32, #tpu.memory_space<vmem>>, vector<1000x16xf32>
    tpu.vector_store %arg14[%swap3A_44, %swap3A_45], %add3A {strides = array<i32>} : memref<1000x16xf32, #tpu.memory_space<vmem>>, vector<1000x16xf32>,
    %get3A_47 = arith.constant 0 : index
    %get3A_48 = arith.constant 0 : index
    %get3A_49 = vector.load %arg6[%get3A_47, %get3A_48] : memref<1000x1xi32, #tpu.memory_space<vmem>>, vector<1000x1xi32>
    %iota3A = tpu.iota {dimensions = array<i32: 1>} : vector<1000x128xi32>
    %eq3A = vector.broadcast %get3A_49 : vector<1000x1xi32> to vector<1000x128xi32>
    %eq3A_50 = arith.cmpi eq, %eq3A, %iota3A : vector<1000x128xi32>
    %convert_element_type3A = arith.extui %eq3A_50 : vector<1000x128xi1> to vector<1000x128xi32>
    %convert_element_type3A_51 = arith.sitofp %convert_element_type3A : vector<1000x128xi32> to vector<1000x128xf32>
    %dot_general3A_52 = arith.constant dense<0.000000e+00> : vector<128x128xf32>
    %dot_general3A_53 = tpu.matmul %convert_element_type3A_51, %max3A_24, %dot_general3A_52 {dimension_numbers = #tpu.dot_dimension_numbers<[0], [0], [1], [1], [0, 1, 1, 1], [], []>, transpose_lhs_hint = false} : vector<1000x128xf32>, vector<1000x128xf32>, vector<128x128xf32> -> vector<128x128xf32>
    %broadcast_in_dim3A_54 = arith.constant 1.000000e+00 : f32
    %broadcast_in_dim3A_55 = vector.broadcast %broadcast_in_dim3A_54 : f32 to vector<1000x128xf32>
    %dot_general3A_56 = arith.constant dense<0.000000e+00> : vector<128x128xf32>
    %dot_general3A_57 = tpu.matmul %convert_element_type3A_51, %broadcast_in_dim3A_55, %dot_general3A_56 {dimension_numbers = #tpu.dot_dimension_numbers<[0], [0], [1], [1], [0, 1, 1, 1], [], []>, transpose_lhs_hint = false} : vector<1000x128xf32>, vector<1000x128xf32>, vector<128x128xf32> -> vector<128x128xf32>
    %eq3A_58 = arith.constant 0 : i32
    %eq3A_59 = arith.cmpi eq, %arg0, %eq3A_58 : i32
    %convert_element_type3A_60 = arith.extui %eq3A_59 : i1 to i32
    %cond3A = arith.constant 0 : i32
    %cond3A_61 = arith.cmpi ne, %convert_element_type3A_60, %cond3A : i32
    scf.if %cond3A_61 {
      %broadcast_in_dim3A_76 = arith.constant 0.000000e+00 : f32
      %broadcast_in_dim3A_77 = vector.broadcast %broadcast_in_dim3A_76 : f32 to vector<128x128xf32>
      %swap3A_78 = arith.constant 0 : index
      %swap3A_79 = arith.constant 0 : index
      %swap3A_80 = vector.load %arg12[%swap3A_78, %swap3A_79] : memref<128x128xf32, #tpu.memory_space<vmem>>, vector<128x128xf32>
      tpu.vector_store %arg12[%swap3A_78, %swap3A_79], %broadcast_in_dim3A_77 {strides = array<i32>} : memref<128x128xf32, #tpu.memory_space<vmem>>, vector<128x128xf32>,
      %broadcast_in_dim3A_81 = arith.constant 0.000000e+00 : f32
      %broadcast_in_dim3A_82 = vector.broadcast %broadcast_in_dim3A_81 : f32 to vector<128x128xf32>
      %swap3A_83 = arith.constant 0 : index
      %swap3A_84 = arith.constant 0 : index
      %swap3A_85 = vector.load %arg13[%swap3A_83, %swap3A_84] : memref<128x128xf32, #tpu.memory_space<vmem>>, vector<128x128xf32>
      tpu.vector_store %arg13[%swap3A_83, %swap3A_84], %broadcast_in_dim3A_82 {strides = array<i32>} : memref<128x128xf32, #tpu.memory_space<vmem>>, vector<128x128xf32>,
    } else {
    }
    %get3A_62 = arith.constant 0 : index
    %get3A_63 = arith.constant 0 : index
    %get3A_64 = vector.load %arg12[%get3A_62, %get3A_63] : memref<128x128xf32, #tpu.memory_space<vmem>>, vector<128x128xf32>
    %add3A_65 = arith.addf %get3A_64, %dot_general3A_53 : vector<128x128xf32>
    %swap3A_66 = arith.constant 0 : index
    %swap3A_67 = arith.constant 0 : index
    %swap3A_68 = vector.load %arg12[%swap3A_66, %swap3A_67] : memref<128x128xf32, #tpu.memory_space<vmem>>, vector<128x128xf32>
    tpu.vector_store %arg12[%swap3A_66, %swap3A_67], %add3A_65 {strides = array<i32>} : memref<128x128xf32, #tpu.memory_space<vmem>>, vector<128x128xf32>,
    %get3A_69 = arith.constant 0 : index
    %get3A_70 = arith.constant 0 : index
    %get3A_71 = vector.load %arg13[%get3A_69, %get3A_70] : memref<128x128xf32, #tpu.memory_space<vmem>>, vector<128x128xf32>
    %add3A_72 = arith.addf %get3A_71, %dot_general3A_57 : vector<128x128xf32>
    %swap3A_73 = arith.constant 0 : index
    %swap3A_74 = arith.constant 0 : index
    %swap3A_75 = vector.load %arg13[%swap3A_73, %swap3A_74] : memref<128x128xf32, #tpu.memory_space<vmem>>, vector<128x128xf32>
    tpu.vector_store %arg13[%swap3A_73, %swap3A_74], %add3A_72 {strides = array<i32>} : memref<128x128xf32, #tpu.memory_space<vmem>>, vector<128x128xf32>,
    return
  }
  func.func @transform_0(%arg0: i32) -> (i32, i32) {
    %c0_i32 = arith.constant 0 : i32
    %c0_i32_0 = arith.constant 0 : i32
    return %arg0, %c0_i32 : i32, i32
  }
  func.func @transform_1(%arg0: i32) -> (i32, i32) {
    %c0_i32 = arith.constant 0 : i32
    %c0_i32_0 = arith.constant 0 : i32
    return %arg0, %c0_i32 : i32, i32
  }
  func.func @transform_2(%arg0: i32) -> (i32, i32) {
    %c0_i32 = arith.constant 0 : i32
    %c0_i32_0 = arith.constant 0 : i32
    return %arg0, %c0_i32 : i32, i32
  }
  func.func @transform_3(%arg0: i32) -> (i32, i32) {
    %c0_i32 = arith.constant 0 : i32
    %c0_i32_0 = arith.constant 0 : i32
    return %arg0, %c0_i32 : i32, i32
  }
  func.func @transform_4(%arg0: i32) -> (i32, i32) {
    %c0_i32 = arith.constant 0 : i32
    %c0_i32_0 = arith.constant 0 : i32
    return %arg0, %c0_i32 : i32, i32
  }
  func.func @transform_5(%arg0: i32) -> (i32, i32) {
    %c0_i32 = arith.constant 0 : i32
    %c0_i32_0 = arith.constant 0 : i32
    return %arg0, %c0_i32 : i32, i32
  }
  func.func @transform_6(%arg0: i32) -> (i32, i32) {
    %c0_i32 = arith.constant 0 : i32
    %c0_i32_0 = arith.constant 0 : i32
    %c0_i32_1 = arith.constant 0 : i32
    return %c0_i32, %c0_i32_0 : i32, i32
  }
  func.func @transform_7(%arg0: i32) -> (i32, i32) {
    %c0_i32 = arith.constant 0 : i32
    %c0_i32_0 = arith.constant 0 : i32
    %c0_i32_1 = arith.constant 0 : i32
    return %c0_i32, %c0_i32_0 : i32, i32
  }
  func.func @transform_8(%arg0: i32) -> (i32, i32) {
    %c0_i32 = arith.constant 0 : i32
    %c0_i32_0 = arith.constant 0 : i32
    %c0_i32_1 = arith.constant 0 : i32
    return %c0_i32, %c0_i32_0 : i32, i32
  }
  func.func @transform_9(%arg0: i32) -> (i32, i32) {
    %c0_i32 = arith.constant 0 : i32
    %c0_i32_0 = arith.constant 0 : i32
    return %arg0, %c0_i32 : i32, i32
  }
  func.func @transform_10(%arg0: i32) -> (i32, i32) {
    %c0_i32 = arith.constant 0 : i32
    %c0_i32_0 = arith.constant 0 : i32
    return %arg0, %c0_i32 : i32, i32
  }
  func.func @transform_11(%arg0: i32) -> (i32, i32) {
    %c0_i32 = arith.constant 0 : i32
    %c0_i32_0 = arith.constant 0 : i32
    %c0_i32_1 = arith.constant 0 : i32
    return %c0_i32, %c0_i32_0 : i32, i32
  }
  func.func @transform_12(%arg0: i32) -> (i32, i32) {
    %c0_i32 = arith.constant 0 : i32
    %c0_i32_0 = arith.constant 0 : i32
    %c0_i32_1 = arith.constant 0 : i32
    return %c0_i32, %c0_i32_0 : i32, i32
  }
  func.func @transform_13(%arg0: i32) -> (i32, i32) {
    %c0_i32 = arith.constant 0 : i32
    %c0_i32_0 = arith.constant 0 : i32
    return %arg0, %c0_i32 : i32, i32
  }
}

module attributes {stable_mosaic.version = 14 : i64} {
  func.func @_last_body(%arg0: i32, %arg1: memref<1000x128xf32, #tpu.memory_space<vmem>>, %arg2: memref<1000x128xf32, #tpu.memory_space<vmem>>, %arg3: memref<1000x16xf32, #tpu.memory_space<vmem>>, %arg4: memref<1000x128xf32, #tpu.memory_space<vmem>>, %arg5: memref<1000x1xi32, #tpu.memory_space<vmem>>, %arg6: memref<128x128xf32, #tpu.memory_space<vmem>>) attributes {dimension_semantics = [#tpu.dimension_semantics<arbitrary>], iteration_bounds = array<i64: 10>, scalar_prefetch = 0 : i64, scratch_operands = 0 : i64, tpu.core_type = #tpu.core_type<tc>, window_params = [{transform_indices = @transform_0, window_bounds = array<i64: 1000, 128>}, {transform_indices = @transform_1, window_bounds = array<i64: 1000, 128>}, {transform_indices = @transform_2, window_bounds = array<i64: 1000, 16>}, {transform_indices = @transform_3, window_bounds = array<i64: 1000, 128>}, {transform_indices = @transform_4, window_bounds = array<i64: 1000, 1>}, {pipeline_mode = #tpu.pipeline_mode<synchronous>, transform_indices = @transform_5, window_bounds = array<i64: 128, 128>}]} {
    %get3A = arith.constant 0 : index
    %get3A_0 = arith.constant 0 : index
    %get3A_1 = vector.load %arg3[%get3A, %get3A_0] : memref<1000x16xf32, #tpu.memory_space<vmem>>, vector<1000x16xf32>
    %reduce_sum3A = arith.constant dense<0.000000e+00> : vector<1000xf32>
    %reduce_sum3A_2 = vector.multi_reduction <add>, %get3A_1, %reduce_sum3A [1] : vector<1000x16xf32> to vector<1000xf32>
    %broadcast_in_dim3A = vector.shape_cast %reduce_sum3A_2 : vector<1000xf32> to vector<1000x1xf32>
    %mul3A = arith.constant 6.250000e-02 : f32
    %mul3A_3 = vector.broadcast %mul3A : f32 to vector<1000x1xf32>
    %mul3A_4 = arith.mulf %broadcast_in_dim3A, %mul3A_3 : vector<1000x1xf32>
    %get3A_5 = arith.constant 0 : index
    %get3A_6 = arith.constant 0 : index
    %get3A_7 = vector.load %arg1[%get3A_5, %get3A_6] : memref<1000x128xf32, #tpu.memory_space<vmem>>, vector<1000x128xf32>
    %get3A_8 = arith.constant 0 : index
    %get3A_9 = arith.constant 0 : index
    %get3A_10 = vector.load %arg2[%get3A_8, %get3A_9] : memref<1000x128xf32, #tpu.memory_space<vmem>>, vector<1000x128xf32>
    %add3A = arith.addf %get3A_7, %get3A_10 : vector<1000x128xf32>
    %max3A = arith.constant 1.000000e+00 : f32
    %max3A_11 = vector.broadcast %max3A : f32 to vector<1000x1xf32>
    %max3A_12 = arith.maximumf %mul3A_4, %max3A_11 : vector<1000x1xf32>
    %div3A = vector.broadcast %max3A_12 : vector<1000x1xf32> to vector<1000x128xf32>
    %div3A_13 = arith.divf %add3A, %div3A : vector<1000x128xf32>
    %get3A_14 = arith.constant 0 : index
    %get3A_15 = arith.constant 0 : index
    %get3A_16 = vector.load %arg4[%get3A_14, %get3A_15] : memref<1000x128xf32, #tpu.memory_space<vmem>>, vector<1000x128xf32>
    %add3A_17 = arith.addf %div3A_13, %get3A_16 : vector<1000x128xf32>
    %max3A_18 = arith.constant 0.000000e+00 : f32
    %max3A_19 = vector.broadcast %max3A_18 : f32 to vector<1000x128xf32>
    %max3A_20 = arith.maximumf %add3A_17, %max3A_19 : vector<1000x128xf32>
    %get3A_21 = arith.constant 0 : index
    %get3A_22 = arith.constant 0 : index
    %get3A_23 = vector.load %arg5[%get3A_21, %get3A_22] : memref<1000x1xi32, #tpu.memory_space<vmem>>, vector<1000x1xi32>
    %iota3A = tpu.iota {dimensions = array<i32: 1>} : vector<1000x128xi32>
    %eq3A = vector.broadcast %get3A_23 : vector<1000x1xi32> to vector<1000x128xi32>
    %eq3A_24 = arith.cmpi eq, %eq3A, %iota3A : vector<1000x128xi32>
    %convert_element_type3A = arith.extui %eq3A_24 : vector<1000x128xi1> to vector<1000x128xi32>
    %convert_element_type3A_25 = arith.sitofp %convert_element_type3A : vector<1000x128xi32> to vector<1000x128xf32>
    %dot_general3A = arith.constant dense<0.000000e+00> : vector<128x128xf32>
    %dot_general3A_26 = tpu.matmul %convert_element_type3A_25, %max3A_20, %dot_general3A {dimension_numbers = #tpu.dot_dimension_numbers<[0], [0], [1], [1], [0, 1, 1, 1], [], []>, transpose_lhs_hint = false} : vector<1000x128xf32>, vector<1000x128xf32>, vector<128x128xf32> -> vector<128x128xf32>
    %eq3A_27 = arith.constant 0 : i32
    %eq3A_28 = arith.cmpi eq, %arg0, %eq3A_27 : i32
    %convert_element_type3A_29 = arith.extui %eq3A_28 : i1 to i32
    %cond3A = arith.constant 0 : i32
    %cond3A_30 = arith.cmpi ne, %convert_element_type3A_29, %cond3A : i32
    scf.if %cond3A_30 {
      %broadcast_in_dim3A_37 = arith.constant 0.000000e+00 : f32
      %broadcast_in_dim3A_38 = vector.broadcast %broadcast_in_dim3A_37 : f32 to vector<128x128xf32>
      %swap3A_39 = arith.constant 0 : index
      %swap3A_40 = arith.constant 0 : index
      %swap3A_41 = vector.load %arg6[%swap3A_39, %swap3A_40] : memref<128x128xf32, #tpu.memory_space<vmem>>, vector<128x128xf32>
      tpu.vector_store %arg6[%swap3A_39, %swap3A_40], %broadcast_in_dim3A_38 {strides = array<i32>} : memref<128x128xf32, #tpu.memory_space<vmem>>, vector<128x128xf32>,
    } else {
    }
    %get3A_31 = arith.constant 0 : index
    %get3A_32 = arith.constant 0 : index
    %get3A_33 = vector.load %arg6[%get3A_31, %get3A_32] : memref<128x128xf32, #tpu.memory_space<vmem>>, vector<128x128xf32>
    %add3A_34 = arith.addf %get3A_33, %dot_general3A_26 : vector<128x128xf32>
    %swap3A = arith.constant 0 : index
    %swap3A_35 = arith.constant 0 : index
    %swap3A_36 = vector.load %arg6[%swap3A, %swap3A_35] : memref<128x128xf32, #tpu.memory_space<vmem>>, vector<128x128xf32>
    tpu.vector_store %arg6[%swap3A, %swap3A_35], %add3A_34 {strides = array<i32>} : memref<128x128xf32, #tpu.memory_space<vmem>>, vector<128x128xf32>,
    return
  }
  func.func @transform_0(%arg0: i32) -> (i32, i32) {
    %c0_i32 = arith.constant 0 : i32
    %c0_i32_0 = arith.constant 0 : i32
    return %arg0, %c0_i32 : i32, i32
  }
  func.func @transform_1(%arg0: i32) -> (i32, i32) {
    %c0_i32 = arith.constant 0 : i32
    %c0_i32_0 = arith.constant 0 : i32
    return %arg0, %c0_i32 : i32, i32
  }
  func.func @transform_2(%arg0: i32) -> (i32, i32) {
    %c0_i32 = arith.constant 0 : i32
    %c0_i32_0 = arith.constant 0 : i32
    return %arg0, %c0_i32 : i32, i32
  }
  func.func @transform_3(%arg0: i32) -> (i32, i32) {
    %c0_i32 = arith.constant 0 : i32
    %c0_i32_0 = arith.constant 0 : i32
    return %arg0, %c0_i32 : i32, i32
  }
  func.func @transform_4(%arg0: i32) -> (i32, i32) {
    %c0_i32 = arith.constant 0 : i32
    %c0_i32_0 = arith.constant 0 : i32
    return %arg0, %c0_i32 : i32, i32
  }
  func.func @transform_5(%arg0: i32) -> (i32, i32) {
    %c0_i32 = arith.constant 0 : i32
    %c0_i32_0 = arith.constant 0 : i32
    %c0_i32_1 = arith.constant 0 : i32
    return %c0_i32, %c0_i32_0 : i32, i32
  }
}

module attributes {stable_mosaic.version = 14 : i64} {
  func.func @_head_body(%arg0: memref<128x128xf32, #tpu.memory_space<vmem>>, %arg1: memref<128x128xf32, #tpu.memory_space<vmem>>, %arg2: memref<128x128xf32, #tpu.memory_space<vmem>>, %arg3: memref<128x128xf32, #tpu.memory_space<vmem>>, %arg4: memref<128x128xf32, #tpu.memory_space<vmem>>, %arg5: memref<1x128xf32, #tpu.memory_space<vmem>>, %arg6: memref<128x128xf32, #tpu.memory_space<vmem>>, %arg7: memref<1x128xf32, #tpu.memory_space<vmem>>, %arg8: memref<128x128xf32, #tpu.memory_space<vmem>>) attributes {dimension_semantics = [], scalar_prefetch = 0 : i64, scratch_operands = 0 : i64, tpu.core_type = #tpu.core_type<tc>} {
    %get3A = arith.constant 0 : index
    %get3A_0 = arith.constant 0 : index
    %get3A_1 = vector.load %arg2[%get3A, %get3A_0] : memref<128x128xf32, #tpu.memory_space<vmem>>, vector<128x128xf32>
    %max3A = arith.constant 1.000000e+00 : f32
    %max3A_2 = vector.broadcast %max3A : f32 to vector<128x128xf32>
    %max3A_3 = arith.maximumf %get3A_1, %max3A_2 : vector<128x128xf32>
    %get3A_4 = arith.constant 0 : index
    %get3A_5 = arith.constant 0 : index
    %get3A_6 = vector.load %arg0[%get3A_4, %get3A_5] : memref<128x128xf32, #tpu.memory_space<vmem>>, vector<128x128xf32>
    %div3A = arith.divf %get3A_6, %max3A_3 : vector<128x128xf32>
    %get3A_7 = arith.constant 0 : index
    %get3A_8 = arith.constant 0 : index
    %get3A_9 = vector.load %arg1[%get3A_7, %get3A_8] : memref<128x128xf32, #tpu.memory_space<vmem>>, vector<128x128xf32>
    %div3A_10 = arith.divf %get3A_9, %max3A_3 : vector<128x128xf32>
    %get3A_11 = arith.constant 0 : index
    %get3A_12 = arith.constant 0 : index
    %get3A_13 = vector.load %arg3[%get3A_11, %get3A_12] : memref<128x128xf32, #tpu.memory_space<vmem>>, vector<128x128xf32>
    %dot_general3A = arith.constant dense<0.000000e+00> : vector<128x128xf32>
    %dot_general3A_14 = tpu.matmul %div3A, %get3A_13, %dot_general3A {dimension_numbers = #tpu.dot_dimension_numbers<[1], [0], [0], [1], [0, 0, 1, 1], [], []>, transpose_lhs_hint = false} : vector<128x128xf32>, vector<128x128xf32>, vector<128x128xf32> -> vector<128x128xf32>
    %get3A_15 = arith.constant 0 : index
    %get3A_16 = arith.constant 0 : index
    %get3A_17 = vector.load %arg4[%get3A_15, %get3A_16] : memref<128x128xf32, #tpu.memory_space<vmem>>, vector<128x128xf32>
    %dot_general3A_18 = arith.constant dense<0.000000e+00> : vector<128x128xf32>
    %dot_general3A_19 = tpu.matmul %div3A_10, %get3A_17, %dot_general3A_18 {dimension_numbers = #tpu.dot_dimension_numbers<[1], [0], [0], [1], [0, 0, 1, 1], [], []>, transpose_lhs_hint = false} : vector<128x128xf32>, vector<128x128xf32>, vector<128x128xf32> -> vector<128x128xf32>
    %add3A = arith.addf %dot_general3A_14, %dot_general3A_19 : vector<128x128xf32>
    %get3A_20 = arith.constant 0 : index
    %get3A_21 = arith.constant 0 : index
    %get3A_22 = vector.load %arg5[%get3A_20, %get3A_21] : memref<1x128xf32, #tpu.memory_space<vmem>>, vector<1x128xf32>
    %add3A_23 = vector.broadcast %get3A_22 : vector<1x128xf32> to vector<128x128xf32>
    %add3A_24 = arith.addf %add3A, %add3A_23 : vector<128x128xf32>
    %max3A_25 = arith.constant 0.000000e+00 : f32
    %max3A_26 = vector.broadcast %max3A_25 : f32 to vector<128x128xf32>
    %max3A_27 = arith.maximumf %add3A_24, %max3A_26 : vector<128x128xf32>
    %get3A_28 = arith.constant 0 : index
    %get3A_29 = arith.constant 0 : index
    %get3A_30 = vector.load %arg6[%get3A_28, %get3A_29] : memref<128x128xf32, #tpu.memory_space<vmem>>, vector<128x128xf32>
    %dot_general3A_31 = arith.constant dense<0.000000e+00> : vector<128x128xf32>
    %dot_general3A_32 = tpu.matmul %max3A_27, %get3A_30, %dot_general3A_31 {dimension_numbers = #tpu.dot_dimension_numbers<[1], [0], [0], [1], [0, 0, 1, 1], [], []>, transpose_lhs_hint = false} : vector<128x128xf32>, vector<128x128xf32>, vector<128x128xf32> -> vector<128x128xf32>
    %get3A_33 = arith.constant 0 : index
    %get3A_34 = arith.constant 0 : index
    %get3A_35 = vector.load %arg7[%get3A_33, %get3A_34] : memref<1x128xf32, #tpu.memory_space<vmem>>, vector<1x128xf32>
    %add3A_36 = vector.broadcast %get3A_35 : vector<1x128xf32> to vector<128x128xf32>
    %add3A_37 = arith.addf %dot_general3A_32, %add3A_36 : vector<128x128xf32>
    %swap3A = arith.constant 0 : index
    %swap3A_38 = arith.constant 0 : index
    %swap3A_39 = vector.load %arg8[%swap3A, %swap3A_38] : memref<128x128xf32, #tpu.memory_space<vmem>>, vector<128x128xf32>
    tpu.vector_store %arg8[%swap3A, %swap3A_38], %add3A_37 {strides = array<i32>} : memref<128x128xf32, #tpu.memory_space<vmem>>, vector<128x128xf32>,
    return
  }
}

</mosaic_0001>

<sc_bundles>
// kernel: kernel.12.cloned.1.call-start
scs
__scs_entry_jumppad:
0x0: {  	(pc) =	sbr.rel $0x88, $3  }
0x1: {  	(tag) =	ssettag $0x0;
	lr =	simm.s32 $0x1  }
0x2: {  	[smem:$0x3F90] =	sst lr;
	_ =	strace $0xD0000000  }
0x3: {  	_ = 	snop  }
0x4: {  	_ = 	snop  }
0x5: {  	_ = 	snop  }
0x6: {  	_ = 	snop  }
0x7: {  	_ = 	snop  }
__scs_overlays_trampoline_lowered:
0x8: {  	[smem:$0x3F9F] =	sst s0  }
0x9: {  	[smem:$0x3FA0] =	sst s1  }
0xa: {  	[smem:$0x3FA1] =	sst s2  }
0xb: {  	[smem:$0x3FA2] =	sst s3  }
0xc: {  	[smem:$0x3FA3] =	sst s4  }
0xd: {  	[smem:$0x3FA4] =	sst s5  }
0xe: {  	[smem:$0x3FA5] =	sst s6  }
0xf: {  	[smem:$0x3FA6] =	sst s7  }
0x10: {  	[smem:$0x3FA7] =	sst s8  }
0x11: {  	[smem:$0x3FA8] =	sst s9;
	s0 =	simm.s32 @!p0 $0x0  }
0x12: {  	s1 =	sld [smem:$0x3F8E];
	s0 =	simm.s32 @p0 $0x1  }
0x13: {  	[smem:$0x3FA9] =	sst s0;
	s0 =	simm.s32 @!p1 $0x0  }
0x14: {  	s2 =	sld [smem:$0x3F8D];
	s0 =	simm.s32 @p1 $0x1  }
0x15: {  	[smem:$0x3FAA] =	sst s0;
	s0 =	simm.s32 @!p2 $0x0  }
0x16: {  	s3 =	sld [smem:$0x3FDB];
	s0 =	simm.s32 @p2 $0x1  }
0x17: {  	s4 =	simm.s32 $0x1BF5;
	[smem:$0x3FAC] =	sst s0  }
0x18: {  	s0 =	sld [smem:$0x3F8F];
	_ =	swait.ge [sflag:s4], $0x0  }
0x19: {  	s7 =	sld [smem:$0x3F90]  }
0x1a: {  	s8 =	sadd.s32 $0xFFFFE003, lr  }
0x1b: {  	s9 =	sadd.s32 $0xFFFFFEF7, lr;
	s5 =	simm.s32 $0xFFFFFFFF;
	p2 =	slt.u32 s8, $0xFFFFF086  }
0x1c: {  	p1 =	slt.u32 s9, $0xF7A;
	s5 =	simm.s32 @!p2 $0x0  }
0x1d: {  	s5 =	simm.s32 @p1 $0x1;
	p0 =	seq.s32 s7, s2  }
0x1e: {  	s7 =	smul.u32 @!p0 $0xF7A, s2;
	p2 =	seq.s32 @!p0 s5, $0x0  }
0x1f: {  	s9 =	smul.u32 $0xF7A, s1;
	s8 =	simm.s32 @!p0 $0x1BF5;
	p2 =	por !p2, p0  }
0x20: {  	[sflag:s8] =	ssyncset.s32 @!p0 $0xFFFFF086;
	s6 =	sadd.s32 @!p0 s3, s7;
	s7 =	simm.s32 @!p0 $0x108  }
0x21: {  	s3 =	sadd.s32 s3, s9;
	s6 =	sadd.s32 @!p0 $0x88, s6;
	s7 =	simm.s32 @p2 $0x1082  }
0x22: {  	[simem:s7], [sflag:s8] =	dma.local @!p0 [hbm:s6], $0xF7A  }
0x23: {  	s9 =	sor.u32 $0xD0000000, s2;
	s6 =	simm.s32 $0x108;
	_ =	swait.ge @!p0 [sflag:s8], $0x0  }
0x24: {  	s3 =	sadd.s32 $0x88, s3;
	s6 =	simm.s32 @!p1 $0x1082;
	[sflag:s4] =	ssyncset.s32 $0xFFFFF086  }
0x25: {  	[simem:s6], [sflag:s4] =	dma.local [hbm:s3], $0xF7A  }
0x26: {  	[smem:$0x3F90] =	sst s1;
	(tag) =	ssettag s2;
	_ =	strace s9  }
0x27: {  	s1 =	sld [smem:$0x3FA0]  }
0x28: {  	s2 =	sld [smem:$0x3FA1]  }
0x29: {  	s4 =	sld [smem:$0x3FA3]  }
0x2a: {  	p0 =	seq.s32 s5, $0x0;
	s5 =	sld [smem:$0x3FA4]  }
0x2b: {  	s6 =	sld [smem:$0x3FA5]  }
0x2c: {  	s7 =	sld [smem:$0x3FA6]  }
0x2d: {  	s3 =	simm.s32 $0x108;
	s8 =	sld [smem:$0x3FA7]  }
0x2e: {  	s3 =	simm.s32 @!p0 $0x1082;
	s9 =	sld [smem:$0x3FA8]  }
0x2f: {  	lr =	sadd.s32 s0, s3;
	s0 =	sld [smem:$0x3F9F]  }
0x30: {  	s3 =	sld [smem:$0x3FA2]  }
0x31: {  	[smem:$0x3FAB] =	sst s10  }
0x32: {  	s10 =	sld [smem:$0x3FA9];
	_ =	sdelay $0x3  }
0x33: {  	p0 =	seq.s32 s10, $0x1;
	s10 =	sld [smem:$0x3FAB];
	_ =	sdelay $0x3  }
0x34: {  	[smem:$0x3FAB] =	sst s10  }
0x35: {  	s10 =	sld [smem:$0x3FAA];
	_ =	sdelay $0x3  }
0x36: {  	p1 =	seq.s32 s10, $0x1;
	s10 =	sld [smem:$0x3FAB];
	_ =	sdelay $0x3  }
0x37: {  	[smem:$0x3FAB] =	sst s10  }
0x38: {  	s10 =	sld [smem:$0x3FAC]  }
0x39: {  	_ = 	snop;
	(pc) =	sbr.ind lr, $3  }
0x3a: {  	_ = 	snop  }
0x3b: {  	_ = 	snop  }
0x3c: {  	p2 =	seq.s32 s10, $0x1;
	s10 =	sld [smem:$0x3FAB]  }
0x3d: {  	_ =	shalt  }
0x3e: {  	_ =	shalt  }
0x3f: {  	_ =	shalt  }
0x40: {  	_ =	shalt  }
0x41: {  	_ =	shalt  }
0x42: {  	_ =	shalt  }
0x43: {  	_ =	shalt  }
0x44: {  	_ =	shalt  }
0x45: {  	_ =	shalt  }
0x46: {  	_ =	shalt  }
0x47: {  	_ =	shalt  }
0x48: {  	_ =	shalt  }
0x49: {  	_ =	shalt  }
0x4a: {  	_ =	shalt  }
0x4b: {  	_ =	shalt  }
0x4c: {  	_ =	shalt  }
0x4d: {  	_ =	shalt  }
0x4e: {  	_ =	shalt  }
0x4f: {  	_ =	shalt  }
0x50: {  	_ =	shalt  }
0x51: {  	_ =	shalt  }
0x52: {  	_ =	shalt  }
0x53: {  	_ =	shalt  }
0x54: {  	_ =	shalt  }
0x55: {  	_ =	shalt  }
0x56: {  	_ =	shalt  }
0x57: {  	_ =	shalt  }
0x58: {  	_ =	shalt  }
0x59: {  	_ =	shalt  }
0x5a: {  	_ =	shalt  }
0x5b: {  	_ =	shalt  }
0x5c: {  	_ =	shalt  }
0x5d: {  	_ =	shalt  }
0x5e: {  	_ =	shalt  }
0x5f: {  	_ =	shalt  }
0x60: {  	_ =	shalt  }
0x61: {  	_ =	shalt  }
0x62: {  	_ =	shalt  }
0x63: {  	_ =	shalt  }
0x64: {  	_ =	shalt  }
0x65: {  	_ =	shalt  }
0x66: {  	_ =	shalt  }
0x67: {  	_ =	shalt  }
0x68: {  	_ =	shalt  }
0x69: {  	_ =	shalt  }
0x6a: {  	_ =	shalt  }
0x6b: {  	_ =	shalt  }
0x6c: {  	_ =	shalt  }
0x6d: {  	_ =	shalt  }
0x6e: {  	_ =	shalt  }
0x6f: {  	_ =	shalt  }
0x70: {  	_ =	shalt  }
0x71: {  	_ =	shalt  }
0x72: {  	_ =	shalt  }
0x73: {  	_ =	shalt  }
0x74: {  	_ =	shalt  }
0x75: {  	_ =	shalt  }
0x76: {  	_ =	shalt  }
0x77: {  	_ =	shalt  }
0x78: {  	_ =	shalt  }
0x79: {  	_ =	shalt  }
0x7a: {  	_ =	shalt  }
0x7b: {  	_ =	shalt  }
0x7c: {  	_ =	shalt  }
0x7d: {  	_ =	shalt  }
0x7e: {  	_ =	shalt  }
0x7f: {  	_ =	shalt  }
0x80: {  	_ =	shalt  }
0x81: {  	_ =	shalt  }
0x82: {  	_ =	shalt  }
0x83: {  	_ =	shalt  }
0x84: {  	_ =	shalt  }
0x85: {  	_ =	shalt  }
0x86: {  	_ =	shalt  }
0x87: {  	_ =	shalt  }
.Lfunc_end0:
.L_simem_size_0:
called_computation.1_lowered:
.L_overlay_start_0:
0x88: {  	s2 =	sld [smem:$0x3FD9]  }
0x89: {  	s3 =	sld [smem:$0x3FFE];
	_ =	sdelay $0x1  }
0x8a: {  	s1 =	srdreg.scid  }
0x8b: {  	s0 =	sand.u32 $0x1, s1  }
0x8c: {  	s16 =	sshll.u32 s0, $0xA;
	s2 =	sadd.s32 s3, s2  }
0x8d: {  	s2 =	sadd.s32 s2, s16  }
0x8e: {  	[smem:$0x3FB7] =	sst s2  }
0x8f: {  	_ = 	snop  }
0x90: {  	(tm) =	ssettm $0x1  }
0x91: {  	s17 =	sld [smem:$0x3FFB];
	_ =	sdelay $0x3  }
0x92: {  	_ =	strace s17  }
0x93: {  	s2 =	sld [smem:$0x3FFC];
	_ =	sdelay $0x3  }
0x94: {  	_ =	strace s2  }
0x95: {  	s2 =	sld [smem:$0x3FFD];
	_ =	sdelay $0x3  }
0x96: {  	_ =	strace s2  }
0x97: {  	_ =	strace $0x8FFFFFFF  }
0x98: {  	s18 =	sld [smem:$0x3FDB];
	_ =	sdelay $0x1  }
0x99: {  	s19 =	simm.s32 $_scs_section_size  }
0x9a: {  	s4 =	simm.s32 $_size__tile_overlayer_lowered;
	s5 =	simm.s32 $_tile_overlayer_lowered  }
0x9b: {  	s22 =	simm.s32 $0x1BFF;
	s21 =	sshll.u32 s5, $0x1;
	s2 =	sadd.s32 s19, s18  }
0x9c: {  	s6 =	simm.s32 $0x0;
	s20 =	sshll.u32 s4, $0x1;
	s4 =	sadd.s32 s21, s2  }
0x9d: {  	[timem:s6], [sflag:s22] =	dma.local [hbm:s4], s20  }
0x9e: {  	_ =	swait.ge [sflag:s22], s20  }
0x9f: {  	s3 =	ssub.s32 $0x0, s20;
	[sflag:s22] =	ssyncset.done $0x0  }
0xa0: {  	[sflag:s22] =	ssyncadd.s32 s3;
	_ =	sdelay $0x1  }
0xa1: {  	s23 =	simm.s32 $0x1B8B  }
0xa2: {  	_ =	swait.ge [sflag:s23], $0x1  }
0xa3: {  	[sflag:s23] =	ssyncset.done $0x0  }
0xa4: {  	s25 =	simm.s32 $0x1B8E;
	s24 =	sld [smem:$0x3FFE];
	[sflag:s23] =	ssyncadd.s32 $0xFFFFFFFF  }
0xa5: {  	s26 =	simm.s32 $execute0_lowered;
	[smem:$0x3FD2] =	sst s25  }
0xa6: {  	s4 =	sshll.u32 s26, $0x1;
	_ =	strace $0x80000046;
	[dreg:$0x1] =	wrdreg $0xFFFFFFFF  }
0xa7: {  	s28 =	simm.s32 $_size_execute0_lowered;
	s2 =	sadd.s32 s2, s4;
	[dreg:$0x0] =	wrdreg $0x0  }
0xa8: {  	s4 =	sshll.u32 s28, $0x1;
	[dreg:$0x2] =	wrdreg s2  }
0xa9: {  	[dreg:$0x3] =	wrdreg s4  }
0xaa: {  	[dreg:$0x4] =	wrdreg $0xC0  }
0xab: {  	_ =	task [dreg:s6], $0x5FFFF  }
0xac: {  	[dreg:$0x1] =	wrdreg $0xFFFFFFFF  }
0xad: {  	[dreg:$0x0] =	wrdreg $0x60  }
0xae: {  	[dreg:$0x2] =	wrdreg s24  }
0xaf: {  	[dreg:$0x3] =	wrdreg $0x0  }
0xb0: {  	[dreg:$0x4] =	wrdreg $0xA  }
0xb1: {  	_ =	task.clear_ibuf [dreg:s6], $0x5FFFF;
	_ =	strace $0x90000046  }
0xb2: {  	s29 =	simm.s32 $0xA;
	_ =	strace $0x80000048  }
0xb3: {  	_ =	swait.ge [sflag:s29], $0x1  }
0xb4: {  	[sflag:s29] =	ssyncadd.s32 $0xFFFFFFFF  }
0xb5: {  	_ =	strace $0x90000048  }
0xb6: {  	_ =	sfence  }
0xb7: {  	s30 =	sld [smem:$0x0];
	_ =	sdelay $0x2  }
0xb8: {  	s31 =	sshll.u32 s1, $0xD;
	s1 =	sshrl.u32 s1, $0x2  }
0xb9: {  	s3 =	sand.u32 $0x4000, s31;
	s1 =	sadd.s32 s1, s30  }
0xba: {  	s0 =	sor.u32 s3, s0;
	s1 =	sshll.u32 s1, $0x11  }
0xbb: {  	s0 =	sor.u32 s1, s0  }
0xbc: {  	s0 =	sadd.s32 $0x8F2B, s0  }
0xbd: {  	[sflag:s0] =	ssyncadd.remote.s32 $0x1  }
0xbe: {  	_ =	sfence.sel $0xFFFF  }
0xbf: {  	[dreg:$0x0] =	wrdreg $0xFFFFFFFF;
	(pc) =	sbr.abs _section_cstart, $3  }
0xc0: {  	[dreg:$0x1] =	wrdreg $0xFFFFFFFF  }
0xc1: {  	_ =	task.clear_ibuf [dreg:s6], $0x2FFFF;
	_ =	strace $0x9FFFFFFF  }
0xc2: {  	(tm) =	ssettm $0x7FFFFFFF  }
0xc3: {  	_ =	shalt  }
tec
execute0_lowered:
.L_overlay_start_1:
0x0: {  	(tag) =	ssettag $0x1  }
0x1: {  	s0 =	rddreg [dreg:$0x0]  }
0x2: {  	s1 =	rddreg [dreg:$0x1];
	s2 =	simm.s32 $0x0  }
0x3: {  	s3 =	srdreg.scid;
	s12 =	stileid.u32;
	s29 =	simm.s32 $0x9  }
0x4: {  	s31 =	simm.s32 $0xA;
	s28 =	simm.s32 $0x14080;
	s30 =	simm.s32 $0x14300  }
0x5: {  	[smem:$0x7FF] =	sst s2;
	s4 =	sadd.s32 $0x4400, s0;
	s5 =	sadd.s32 $0x35400, s0  }
0x6: {  	s3 =	sand.u32 $0x1, s3;
	s6 =	smul.u32 $0x50000, s12;
	s7 =	sadd.s32 $0x2B600, s0  }
0x7: {  	s10 =	sadd.s32 $0x66400, s0;
	s11 =	smul.u32 $0x2710, s12;
	s25 =	sshll.u32 s12, $0x6  }
0x8: {  	_ =	strace $0x80000047;
	s8 =	ssub.s32 $0x2, s3;
	s9 =	smul.u32 $0x27100, s3  }
0x9: {  	[dreg:$0xd] =	wrdreg s10;
	s16 =	sor.u32 $0x1C10, s25;
	p0 =	seq.s32 s3, $0x1  }
0xa: {  	s3 =	smul.u32 $0x2800, s12;
	s10 =	simm.s32 $0x90C00;
	s24 =	sshrl.u32 s8, $0x1  }
0xb: {  	s6 =	sshrl.u32 s6, $0x2;
	s10 =	simm.s32 @!p0 $0x68C00;
	[dreg:$0xf] =	wrdreg s16  }
0xc: {  	s8 =	ssub.s32 s8, s24;
	s6 =	sadd.s32 s6, s1;
	s26 =	sadd.s32 s11, s9  }
0xd: {  	s0 =	sadd.s32 s10, s0;
	s10 =	simm.s32 $0x10;
	[dreg:$0xe] =	wrdreg s6  }
0xe: {  	s9 =	sshrl.u32 s26, $0x3;
	s13 =	sadd.s32 $0xA0, s26;
	s17 =	sadd.s32 $0x78, s26  }
0xf: {  	s21 =	sadd.s32 $0x50, s26;
	s6 =	sadd.s32 $0x28, s26;
	s26 =	smax.u32 s8, $0x1  }
0x10: {  	s11 =	simm.s32 $0x4;
	s0 =	sadd.s32 s0, s3;
	[dreg:$0x10] =	wrdreg s26  }
0x11: {  	s3 =	simm.s32 $0x1;
	s12 =	sadd.s32 s9, s7;
	[dreg:$0x11] =	wrdreg s0  }
0x12: {  	s9 =	sadd.s32 s9, s5;
	s14 =	sshrl.u32 s13, $0x3;
	[dreg:$0x3] =	wrdreg s12  }
0x13: {  	s8 =	simm.s32 $0xC;
	[dreg:$0x4] =	wrdreg s9;
	s15 =	sadd.s32 s14, s7  }
0x14: {  	s19 =	sshrl.u32 s17, $0x3;
	s18 =	sadd.s32 s14, s5;
	[dreg:$0x5] =	wrdreg s15  }
0x15: {  	s23 =	sshrl.u32 s21, $0x3;
	s20 =	sadd.s32 s19, s7;
	[dreg:$0x6] =	wrdreg s18  }
0x16: {  	s6 =	sshrl.u32 s6, $0x3;
	s22 =	sadd.s32 s19, s5;
	[dreg:$0x7] =	wrdreg s20  }
0x17: {  	s13 =	simm.s32 $0x5;
	s24 =	sadd.s32 s23, s7;
	[dreg:$0x8] =	wrdreg s22  }
0x18: {  	s0 =	simm.s32 $0x0;
	s25 =	sadd.s32 s23, s5;
	[dreg:$0x9] =	wrdreg s24  }
0x19: {  	s7 =	sadd.s32 s6, s7;
	s5 =	sadd.s32 s6, s5;
	[dreg:$0xa] =	wrdreg s25  }
0x1a: {  	s6 =	simm.s32 $0x2;
	s9 =	simm.s32 $0x3;
	[dreg:$0xb] =	wrdreg s7  }
0x1b: {  	s12 =	simm.s32 $0xE;
	s14 =	simm.s32 $0xF;
	[dreg:$0xc] =	wrdreg s5  }
0x1c: {  	s22 =	simm.s32 $0x28;
	s5 =	simm.s32 $0xB;
	s7 =	simm.s32 $0xD  }
.LBB2_1:
0x1d: {  	[dreg:$0x12] =	wrdreg s0  }
0x1e: {  	s15 =	rddreg [dreg:$0xe]  }
0x1f: {  	s18 =	rddreg [dreg:$0xd];
	s17 =	sshrl.u32 s15, $0x3  }
0x20: {  	[dreg:$0x13] =	wrdreg s17  }
0x21: {  	[spmem:s17], [sflag:s16] =	dma.local [hbm:s18], $0x2800  }
0x22: {  	_ =	swait.ge [sflag:s10], $0x2800  }
0x23: {  	[sflag:s10] =	ssyncset.done $0x0  }
0x24: {  	[sflag:s10] =	ssyncadd.s32 $0xFFFFD800  }
0x25: {  	[bflag:$0x0] =	sbarrier.arrive $0xFFFF  }
0x26: {  	s19 =	rddreg [dreg:$0x4]  }
0x27: {  	s18 =	simm.s32 $0x14000;
	s20 =	rddreg [dreg:$0x3];
	s15 =	sadd.s32 $0x0, s19  }
0x28: {  	[tilespmem:s18], [sflag:$0x6] =	stream.linear.gather [hbm4b:s15+s2], $0x28, $0x38;
	[tilespmem:$0x1A900] =	vst v63  }
0x29: {  	s17 =	rddreg [dreg:$0xc];
	s21 =	sadd.s32 $0x0, s20;
	s19 =	simm.s32 $0x14280  }
0x2a: {  	[tilespmem:s19], [sflag:$0xB] =	stream.linear.gather [hbm4b:s21+s2], $0x28, $0x38;
	[tilespmem:$0x1A900] =	vst v63  }
0x2b: {  	s23 =	rddreg [dreg:$0xb];
	s24 =	sadd.s32 $0x0, s17;
	s20 =	simm.s32 $0x14080  }
0x2c: {  	[tilespmem:s20], [sflag:$0x7] =	stream.linear.gather [hbm4b:s24+s2], $0x28, $0x38;
	[tilespmem:$0x1A900] =	vst v63  }
0x2d: {  	s25 =	rddreg [dreg:$0xa];
	s26 =	sadd.s32 $0x0, s23;
	s23 =	simm.s32 $0x14300  }
0x2e: {  	[tilespmem:s23], [sflag:$0xC] =	stream.linear.gather [hbm4b:s26+s2], $0x28, $0x38;
	[tilespmem:$0x1A900] =	vst v63  }
0x2f: {  	s0 =	rddreg [dreg:$0x9];
	s17 =	sadd.s32 $0x0, s25;
	s25 =	simm.s32 $0x14100  }
0x30: {  	[tilespmem:s25], [sflag:$0x8] =	stream.linear.gather [hbm4b:s17+s2], $0x28, $0x38;
	[tilespmem:$0x1A900] =	vst v63  }
0x31: {  	s21 =	rddreg [dreg:$0x8];
	s24 =	sadd.s32 $0x0, s0;
	s0 =	simm.s32 $0x14380  }
0x32: {  	[tilespmem:s0], [sflag:$0xD] =	stream.linear.gather [hbm4b:s24+s2], $0x28, $0x38;
	[tilespmem:$0x1A900] =	vst v63  }
0x33: {  	s26 =	rddreg [dreg:$0x7];
	s24 =	sadd.s32 $0x0, s21;
	s21 =	simm.s32 $0x14180  }
0x34: {  	[tilespmem:s21], [sflag:$0x9] =	stream.linear.gather [hbm4b:s24+s2], $0x28, $0x38;
	[tilespmem:$0x1A900] =	vst v63  }
0x35: {  	s26 =	sadd.s32 $0x0, s26;
	s17 =	rddreg [dreg:$0x6];
	s24 =	simm.s32 $0x14400  }
0x36: {  	[tilespmem:s24], [sflag:$0xE] =	stream.linear.gather [hbm4b:s26+s2], $0x28, $0x38;
	[tilespmem:$0x1A900] =	vst v63  }
0x37: {  	s16 =	rddreg [dreg:$0x5];
	s26 =	sadd.s32 $0x0, s17;
	s17 =	simm.s32 $0x14200  }
0x38: {  	[tilespmem:s17], [sflag:$0xA] =	stream.linear.gather [hbm4b:s26+s2], $0x28, $0x38;
	[tilespmem:$0x1A900] =	vst v63  }
0x39: {  	s26 =	sadd.s32 $0x0, s16;
	s16 =	simm.s32 $0x14480  }
0x3a: {  	[tilespmem:s16], [sflag:$0xF] =	stream.linear.gather [hbm4b:s26+s2], $0x28, $0x38;
	[tilespmem:$0x1A900] =	vst v63  }
0x3b: {  	s26 =	simm.s32 $0x6  }
0x3c: {  	_ =	swait.ge [sflag:s26], $0x28  }
0x3d: {  	[sflag:s26] =	ssyncset.done $0x0  }
0x3e: {  	s15 =	simm.s32 $0x14500;
	[sflag:s26] =	ssyncadd.s32 $0xFFFFFFD8;
	s26 =	simm.s32 $0x7  }
0x3f: {  	[tilespmem:s15], [sflag:$0x1] =	stream.indirect.gather [hbm4b:s4+s22], $0x80, s18, s22, $0xb8;
	[tilespmem:$0x1A900] =	vst v63  }
0x40: {  	_ =	swait.ge [sflag:s26], $0x28  }
0x41: {  	[sflag:s26] =	ssyncset.done $0x0  }
0x42: {  	s18 =	simm.s32 $0x15900;
	[sflag:s26] =	ssyncadd.s32 $0xFFFFFFD8;
	s26 =	simm.s32 $0x8  }
0x43: {  	[tilespmem:s18], [sflag:$0x2] =	stream.indirect.gather [hbm4b:s4+s22], $0x80, s20, s22, $0xb8;
	[tilespmem:$0x1A900] =	vst v63  }
0x44: {  	_ =	swait.ge [sflag:s26], $0x28  }
0x45: {  	[sflag:s26] =	ssyncset.done $0x0  }
0x46: {  	s20 =	simm.s32 $0x16D00;
	[sflag:s26] =	ssyncadd.s32 $0xFFFFFFD8  }
0x47: {  	[tilespmem:s20], [sflag:$0x3] =	stream.indirect.gather [hbm4b:s4+s22], $0x80, s25, s22, $0xb8;
	[tilespmem:$0x1A900] =	vst v63  }
0x48: {  	_ =	swait.ge [sflag:s29], $0x28  }
0x49: {  	[sflag:s29] =	ssyncset.done $0x0  }
0x4a: {  	s25 =	simm.s32 $0x18100;
	[sflag:s29] =	ssyncadd.s32 $0xFFFFFFD8  }
0x4b: {  	[tilespmem:s25], [sflag:$0x4] =	stream.indirect.gather [hbm4b:s4+s22], $0x80, s21, s22, $0xb8;
	[tilespmem:$0x1A900] =	vst v63  }
0x4c: {  	_ =	swait.ge [sflag:s31], $0x28  }
0x4d: {  	[sflag:s31] =	ssyncset.done $0x0  }
0x4e: {  	s26 =	simm.s32 $0x19500;
	[sflag:s31] =	ssyncadd.s32 $0xFFFFFFD8  }
0x4f: {  	[tilespmem:s26], [sflag:$0x5] =	stream.indirect.gather [hbm4b:s4+s22], $0x80, s17, s22, $0xb8;
	[tilespmem:$0x1A900] =	vst v63  }
0x50: {  	_ =	swait.ge [sflag:s3], $0x1400  }
0x51: {  	[sflag:s3] =	ssyncset.done $0x0  }
0x52: {  	[sflag:s3] =	ssyncadd.s32 $0xFFFFEC00  }
0x53: {  	_ =	swait.ge [sflag:s5], $0x28  }
0x54: {  	[sflag:s5] =	ssyncset.done $0x0  }
0x55: {  	[sflag:s5] =	ssyncadd.s32 $0xFFFFFFD8  }
0x56: {  	[spmem:s1] =	stream.indirect.scatter.add.f32 [tilespmem:s15], [sflag:$0x10], $0x80, s19, s22, $0xb8;
	[tilespmem:$0x1A900] =	vst v63  }
0x57: {  	_ =	swait.ge [sflag:s10], $0x1400  }
0x58: {  	[sflag:s10] =	ssyncset.done $0x0  }
0x59: {  	[sflag:s10] =	ssyncadd.s32 $0xFFFFEC00  }
0x5a: {  	_ =	swait.ge [sflag:s6], $0x1400  }
0x5b: {  	[sflag:s6] =	ssyncset.done $0x0  }
0x5c: {  	[sflag:s6] =	ssyncadd.s32 $0xFFFFEC00  }
0x5d: {  	_ =	swait.ge [sflag:s8], $0x28  }
0x5e: {  	[sflag:s8] =	ssyncset.done $0x0  }
0x5f: {  	[sflag:s8] =	ssyncadd.s32 $0xFFFFFFD8  }
0x60: {  	[spmem:s1] =	stream.indirect.scatter.add.f32 [tilespmem:s18], [sflag:$0x10], $0x80, s23, s22, $0xb8;
	[tilespmem:$0x1A900] =	vst v63  }
0x61: {  	_ =	swait.ge [sflag:s10], $0x1400  }
0x62: {  	[sflag:s10] =	ssyncset.done $0x0  }
0x63: {  	[sflag:s10] =	ssyncadd.s32 $0xFFFFEC00  }
0x64: {  	_ =	swait.ge [sflag:s9], $0x1400  }
0x65: {  	[sflag:s9] =	ssyncset.done $0x0  }
0x66: {  	[sflag:s9] =	ssyncadd.s32 $0xFFFFEC00  }
0x67: {  	_ =	swait.ge [sflag:s7], $0x28  }
0x68: {  	[sflag:s7] =	ssyncset.done $0x0  }
0x69: {  	[sflag:s7] =	ssyncadd.s32 $0xFFFFFFD8  }
0x6a: {  	[spmem:s1] =	stream.indirect.scatter.add.f32 [tilespmem:s20], [sflag:$0x10], $0x80, s0, s22, $0xb8;
	[tilespmem:$0x1A900] =	vst v63  }
0x6b: {  	_ =	swait.ge [sflag:s10], $0x1400  }
0x6c: {  	[sflag:s10] =	ssyncset.done $0x0  }
0x6d: {  	[sflag:s10] =	ssyncadd.s32 $0xFFFFEC00  }
0x6e: {  	_ =	swait.ge [sflag:s11], $0x1400  }
0x6f: {  	[sflag:s11] =	ssyncset.done $0x0  }
0x70: {  	[sflag:s11] =	ssyncadd.s32 $0xFFFFEC00  }
0x71: {  	_ =	swait.ge [sflag:s12], $0x28  }
0x72: {  	[sflag:s12] =	ssyncset.done $0x0  }
0x73: {  	[sflag:s12] =	ssyncadd.s32 $0xFFFFFFD8  }
0x74: {  	[spmem:s1] =	stream.indirect.scatter.add.f32 [tilespmem:s25], [sflag:$0x10], $0x80, s24, s22, $0xb8;
	[tilespmem:$0x1A900] =	vst v63  }
0x75: {  	_ =	swait.ge [sflag:s10], $0x1400  }
0x76: {  	[sflag:s10] =	ssyncset.done $0x0  }
0x77: {  	[sflag:s10] =	ssyncadd.s32 $0xFFFFEC00  }
0x78: {  	_ =	swait.ge [sflag:s13], $0x1400  }
0x79: {  	[sflag:s13] =	ssyncset.done $0x0  }
0x7a: {  	[sflag:s13] =	ssyncadd.s32 $0xFFFFEC00  }
0x7b: {  	_ =	swait.ge [sflag:s14], $0x28  }
0x7c: {  	[sflag:s14] =	ssyncset.done $0x0  }
0x7d: {  	[sflag:s14] =	ssyncadd.s32 $0xFFFFFFD8  }
0x7e: {  	[spmem:s1] =	stream.indirect.scatter.add.f32 [tilespmem:s26], [sflag:$0x10], $0x80, s16, s22, $0xb8;
	[tilespmem:$0x1A900] =	vst v63  }
0x7f: {  	s15 =	simm.s32 $0x19;
	_ =	swait.ge [sflag:s10], $0x1400  }
0x80: {  	s16 =	simm.s32 $0x32;
	s17 =	rddreg [dreg:$0x4];
	[sflag:s10] =	ssyncset.done $0x0  }
.LBB2_2:
0x81: {  	[sflag:s10] =	ssyncadd.s32 $0xFFFFEC00  }
0x82: {  	s19 =	rddreg [dreg:$0x3];
	s17 =	sadd.s32 s15, s17;
	s23 =	simm.s32 $0x14000  }
0x83: {  	[tilespmem:s23], [sflag:$0x6] =	stream.linear.gather [hbm4b:s17+s2], $0x28, $0x38;
	[tilespmem:$0x1A900] =	vst v63  }
0x84: {  	s20 =	rddreg [dreg:$0xc];
	s25 =	simm.s32 $0x14280;
	s21 =	sadd.s32 s15, s19  }
0x85: {  	[tilespmem:s25], [sflag:$0xB] =	stream.linear.gather [hbm4b:s21+s2], $0x28, $0x38;
	[tilespmem:$0x1A900] =	vst v63  }
0x86: {  	s24 =	rddreg [dreg:$0xb];
	s26 =	sadd.s32 s15, s20  }
0x87: {  	[tilespmem:s28], [sflag:$0x7] =	stream.linear.gather [hbm4b:s26+s2], $0x28, $0x38;
	[tilespmem:$0x1A900] =	vst v63  }
0x88: {  	s18 =	smov.u32 s16;
	s0 =	rddreg [dreg:$0xa];
	s19 =	sadd.s32 s15, s24  }
0x89: {  	[tilespmem:s30], [sflag:$0xC] =	stream.linear.gather [hbm4b:s19+s2], $0x28, $0x38;
	[tilespmem:$0x1A900] =	vst v63  }
0x8a: {  	s24 =	sadd.s32 s15, s0;
	s0 =	simm.s32 $0x14100;
	s21 =	rddreg [dreg:$0x9]  }
0x8b: {  	[tilespmem:s0], [sflag:$0x8] =	stream.linear.gather [hbm4b:s24+s2], $0x28, $0x38;
	[tilespmem:$0x1A900] =	vst v63  }
0x8c: {  	s26 =	rddreg [dreg:$0x8];
	s24 =	sadd.s32 s15, s21;
	s21 =	simm.s32 $0x14380  }
0x8d: {  	[tilespmem:s21], [sflag:$0xD] =	stream.linear.gather [hbm4b:s24+s2], $0x28, $0x38;
	[tilespmem:$0x1A900] =	vst v63  }
0x8e: {  	s26 =	sadd.s32 s15, s26;
	s19 =	rddreg [dreg:$0x7];
	s24 =	simm.s32 $0x14180  }
0x8f: {  	[tilespmem:s24], [sflag:$0x9] =	stream.linear.gather [hbm4b:s26+s2], $0x28, $0x38;
	[tilespmem:$0x1A900] =	vst v63  }
0x90: {  	s20 =	rddreg [dreg:$0x6];
	s17 =	sadd.s32 s15, s19;
	s26 =	simm.s32 $0x14400  }
0x91: {  	[tilespmem:s26], [sflag:$0xE] =	stream.linear.gather [hbm4b:s17+s2], $0x28, $0x38;
	[tilespmem:$0x1A900] =	vst v63  }
0x92: {  	s19 =	rddreg [dreg:$0x5];
	s17 =	sadd.s32 s15, s20;
	s20 =	simm.s32 $0x14200  }
0x93: {  	[tilespmem:s20], [sflag:$0xA] =	stream.linear.gather [hbm4b:s17+s2], $0x28, $0x38;
	[tilespmem:$0x1A900] =	vst v63  }
0x94: {  	s19 =	sadd.s32 s15, s19;
	s15 =	smov.u32 s18;
	s18 =	simm.s32 $0x14480  }
0x95: {  	[tilespmem:s18], [sflag:$0xF] =	stream.linear.gather [hbm4b:s19+s2], $0x28, $0x38;
	[tilespmem:$0x1A900] =	vst v63  }
0x96: {  	s19 =	simm.s32 $0x6  }
0x97: {  	_ =	swait.ge [sflag:s19], $0x28  }
0x98: {  	[sflag:s19] =	ssyncset.done $0x0  }
0x99: {  	s17 =	simm.s32 $0x14500;
	[sflag:s19] =	ssyncadd.s32 $0xFFFFFFD8  }
0x9a: {  	[tilespmem:s17], [sflag:$0x1] =	stream.indirect.gather [hbm4b:s4+s22], $0x80, s23, s22, $0xb8;
	[tilespmem:$0x1A900] =	vst v63  }
0x9b: {  	s23 =	simm.s32 $0x7  }
0x9c: {  	_ =	swait.ge [sflag:s23], $0x28  }
0x9d: {  	[sflag:s23] =	ssyncset.done $0x0  }
0x9e: {  	s19 =	simm.s32 $0x15900;
	[sflag:s23] =	ssyncadd.s32 $0xFFFFFFD8;
	s23 =	simm.s32 $0x8  }
0x9f: {  	[tilespmem:s19], [sflag:$0x2] =	stream.indirect.gather [hbm4b:s4+s22], $0x80, s28, s22, $0xb8;
	[tilespmem:$0x1A900] =	vst v63  }
0xa0: {  	_ =	swait.ge [sflag:s23], $0x28  }
0xa1: {  	[sflag:s23] =	ssyncset.done $0x0  }
0xa2: {  	[sflag:s23] =	ssyncadd.s32 $0xFFFFFFD8;
	s23 =	simm.s32 $0x16D00  }
0xa3: {  	[tilespmem:s23], [sflag:$0x3] =	stream.indirect.gather [hbm4b:s4+s22], $0x80, s0, s22, $0xb8;
	[tilespmem:$0x1A900] =	vst v63  }
0xa4: {  	_ =	swait.ge [sflag:s29], $0x28  }
0xa5: {  	[sflag:s29] =	ssyncset.done $0x0  }
0xa6: {  	s0 =	simm.s32 $0x18100;
	[sflag:s29] =	ssyncadd.s32 $0xFFFFFFD8  }
0xa7: {  	[tilespmem:s0], [sflag:$0x4] =	stream.indirect.gather [hbm4b:s4+s22], $0x80, s24, s22, $0xb8;
	[tilespmem:$0x1A900] =	vst v63  }
0xa8: {  	_ =	swait.ge [sflag:s31], $0x28  }
0xa9: {  	[sflag:s31] =	ssyncset.done $0x0  }
0xaa: {  	s24 =	simm.s32 $0x19500;
	[sflag:s31] =	ssyncadd.s32 $0xFFFFFFD8  }
0xab: {  	[tilespmem:s24], [sflag:$0x5] =	stream.indirect.gather [hbm4b:s4+s22], $0x80, s20, s22, $0xb8;
	[tilespmem:$0x1A900] =	vst v63  }
0xac: {  	_ =	swait.ge [sflag:s3], $0x1400  }
0xad: {  	[sflag:s3] =	ssyncset.done $0x0  }
0xae: {  	[sflag:s3] =	ssyncadd.s32 $0xFFFFEC00  }
0xaf: {  	_ =	swait.ge [sflag:s5], $0x28  }
0xb0: {  	[sflag:s5] =	ssyncset.done $0x0  }
0xb1: {  	[sflag:s5] =	ssyncadd.s32 $0xFFFFFFD8  }
0xb2: {  	[spmem:s1] =	stream.indirect.scatter.add.f32 [tilespmem:s17], [sflag:$0x10], $0x80, s25, s22, $0xb8;
	[tilespmem:$0x1A900] =	vst v63  }
0xb3: {  	_ =	swait.ge [sflag:s10], $0x1400  }
0xb4: {  	[sflag:s10] =	ssyncset.done $0x0  }
0xb5: {  	[sflag:s10] =	ssyncadd.s32 $0xFFFFEC00  }
0xb6: {  	_ =	swait.ge [sflag:s6], $0x1400  }
0xb7: {  	[sflag:s6] =	ssyncset.done $0x0  }
0xb8: {  	[sflag:s6] =	ssyncadd.s32 $0xFFFFEC00  }
0xb9: {  	_ =	swait.ge [sflag:s8], $0x28  }
0xba: {  	[sflag:s8] =	ssyncset.done $0x0  }
0xbb: {  	[sflag:s8] =	ssyncadd.s32 $0xFFFFFFD8  }
0xbc: {  	[spmem:s1] =	stream.indirect.scatter.add.f32 [tilespmem:s19], [sflag:$0x10], $0x80, s30, s22, $0xb8;
	[tilespmem:$0x1A900] =	vst v63  }
0xbd: {  	_ =	swait.ge [sflag:s10], $0x1400  }
0xbe: {  	[sflag:s10] =	ssyncset.done $0x0  }
0xbf: {  	[sflag:s10] =	ssyncadd.s32 $0xFFFFEC00  }
0xc0: {  	_ =	swait.ge [sflag:s9], $0x1400  }
0xc1: {  	[sflag:s9] =	ssyncset.done $0x0  }
0xc2: {  	[sflag:s9] =	ssyncadd.s32 $0xFFFFEC00  }
0xc3: {  	_ =	swait.ge [sflag:s7], $0x28  }
0xc4: {  	[sflag:s7] =	ssyncset.done $0x0  }
0xc5: {  	[sflag:s7] =	ssyncadd.s32 $0xFFFFFFD8  }
0xc6: {  	[spmem:s1] =	stream.indirect.scatter.add.f32 [tilespmem:s23], [sflag:$0x10], $0x80, s21, s22, $0xb8;
	[tilespmem:$0x1A900] =	vst v63  }
0xc7: {  	_ =	swait.ge [sflag:s10], $0x1400  }
0xc8: {  	[sflag:s10] =	ssyncset.done $0x0  }
0xc9: {  	[sflag:s10] =	ssyncadd.s32 $0xFFFFEC00  }
0xca: {  	_ =	swait.ge [sflag:s11], $0x1400  }
0xcb: {  	[sflag:s11] =	ssyncset.done $0x0  }
0xcc: {  	[sflag:s11] =	ssyncadd.s32 $0xFFFFEC00  }
0xcd: {  	_ =	swait.ge [sflag:s12], $0x28  }
0xce: {  	[sflag:s12] =	ssyncset.done $0x0  }
0xcf: {  	[sflag:s12] =	ssyncadd.s32 $0xFFFFFFD8  }
0xd0: {  	[spmem:s1] =	stream.indirect.scatter.add.f32 [tilespmem:s0], [sflag:$0x10], $0x80, s26, s22, $0xb8;
	[tilespmem:$0x1A900] =	vst v63  }
0xd1: {  	_ =	swait.ge [sflag:s10], $0x1400  }
0xd2: {  	[sflag:s10] =	ssyncset.done $0x0  }
0xd3: {  	[sflag:s10] =	ssyncadd.s32 $0xFFFFEC00  }
0xd4: {  	_ =	swait.ge [sflag:s13], $0x1400  }
0xd5: {  	[sflag:s13] =	ssyncset.done $0x0  }
0xd6: {  	[sflag:s13] =	ssyncadd.s32 $0xFFFFEC00  }
0xd7: {  	p0 =	sne.s32 s16, $0x4C9;
	_ =	swait.ge [sflag:s14], $0x28  }
.Ltmp0:
0xd8: {  	[sflag:s14] =	ssyncset.done $0x0;
	(pc) =	sbr.rel @p0 .LBB2_2-.Ltmp0, $4  }
0xd9: {  	[sflag:s14] =	ssyncadd.s32 $0xFFFFFFD8  }
0xda: {  	[spmem:s1] =	stream.indirect.scatter.add.f32 [tilespmem:s24], [sflag:$0x10], $0x80, s18, s22, $0xb8;
	[tilespmem:$0x1A900] =	vst v63  }
0xdb: {  	_ =	swait.ge [sflag:s10], $0x1400  }
0xdc: {  	s16 =	sadd.s32 $0x19, s16;
	s17 =	rddreg [dreg:$0x4];
	[sflag:s10] =	ssyncset.done $0x0  }
0xdd: {  	s16 =	rddreg [dreg:$0x3]  }
0xde: {  	[sflag:s10] =	ssyncadd.s32 $0xFFFFEC00;
	s17 =	sadd.s32 s15, s17;
	s18 =	simm.s32 $0x14000  }
0xdf: {  	[tilespmem:s18], [sflag:$0x6] =	stream.linear.gather [hbm4b:s17+s2], $0x28, $0x38;
	[tilespmem:$0x1A900] =	vst v63  }
0xe0: {  	s25 =	rddreg [dreg:$0xc];
	s19 =	simm.s32 $0x14280;
	s16 =	sadd.s32 s15, s16  }
0xe1: {  	[tilespmem:s19], [sflag:$0xB] =	stream.linear.gather [hbm4b:s16+s2], $0x28, $0x38;
	[tilespmem:$0x1A900] =	vst v63  }
0xe2: {  	s26 =	rddreg [dreg:$0xb];
	s20 =	simm.s32 $0x14080;
	s17 =	sadd.s32 s15, s25  }
0xe3: {  	[tilespmem:s20], [sflag:$0x7] =	stream.linear.gather [hbm4b:s17+s2], $0x28, $0x38;
	[tilespmem:$0x1A900] =	vst v63  }
0xe4: {  	s0 =	rddreg [dreg:$0xa];
	s23 =	simm.s32 $0x14300;
	s16 =	sadd.s32 s15, s26  }
0xe5: {  	[tilespmem:s23], [sflag:$0xC] =	stream.linear.gather [hbm4b:s16+s2], $0x28, $0x38;
	[tilespmem:$0x1A900] =	vst v63  }
0xe6: {  	s21 =	rddreg [dreg:$0x9];
	s17 =	sadd.s32 s15, s0;
	s0 =	simm.s32 $0x14100  }
0xe7: {  	[tilespmem:s0], [sflag:$0x8] =	stream.linear.gather [hbm4b:s17+s2], $0x28, $0x38;
	[tilespmem:$0x1A900] =	vst v63  }
0xe8: {  	s24 =	rddreg [dreg:$0x8];
	s16 =	sadd.s32 s15, s21;
	s21 =	simm.s32 $0x14380  }
0xe9: {  	[tilespmem:s21], [sflag:$0xD] =	stream.linear.gather [hbm4b:s16+s2], $0x28, $0x38;
	[tilespmem:$0x1A900] =	vst v63  }
0xea: {  	s25 =	rddreg [dreg:$0x7];
	s17 =	sadd.s32 s15, s24;
	s24 =	simm.s32 $0x14180  }
0xeb: {  	[tilespmem:s24], [sflag:$0x9] =	stream.linear.gather [hbm4b:s17+s2], $0x28, $0x38;
	[tilespmem:$0x1A900] =	vst v63  }
0xec: {  	s26 =	rddreg [dreg:$0x6];
	s16 =	sadd.s32 s15, s25;
	s25 =	simm.s32 $0x14400  }
0xed: {  	[tilespmem:s25], [sflag:$0xE] =	stream.linear.gather [hbm4b:s16+s2], $0x28, $0x38;
	[tilespmem:$0x1A900] =	vst v63  }
0xee: {  	s17 =	sadd.s32 s15, s26;
	s26 =	simm.s32 $0x14200;
	s16 =	rddreg [dreg:$0x5]  }
0xef: {  	[tilespmem:s26], [sflag:$0xA] =	stream.linear.gather [hbm4b:s17+s2], $0x28, $0x38;
	[tilespmem:$0x1A900] =	vst v63  }
0xf0: {  	s17 =	sadd.s32 s15, s16;
	s16 =	simm.s32 $0x14480  }
0xf1: {  	[tilespmem:s16], [sflag:$0xF] =	stream.linear.gather [hbm4b:s17+s2], $0x28, $0x38;
	[tilespmem:$0x1A900] =	vst v63  }
0xf2: {  	s17 =	simm.s32 $0x6  }
0xf3: {  	_ =	swait.ge [sflag:s17], $0x28  }
0xf4: {  	[sflag:s17] =	ssyncset.done $0x0  }
0xf5: {  	s15 =	simm.s32 $0x14500;
	[sflag:s17] =	ssyncadd.s32 $0xFFFFFFD8  }
0xf6: {  	[tilespmem:s15], [sflag:$0x1] =	stream.indirect.gather [hbm4b:s4+s22], $0x80, s18, s22, $0xb8;
	[tilespmem:$0x1A900] =	vst v63  }
0xf7: {  	s18 =	simm.s32 $0x7  }
0xf8: {  	_ =	swait.ge [sflag:s18], $0x28  }
0xf9: {  	[sflag:s18] =	ssyncset.done $0x0  }
0xfa: {  	s17 =	simm.s32 $0x15900;
	[sflag:s18] =	ssyncadd.s32 $0xFFFFFFD8  }
0xfb: {  	[tilespmem:s17], [sflag:$0x2] =	stream.indirect.gather [hbm4b:s4+s22], $0x80, s20, s22, $0xb8;
	[tilespmem:$0x1A900] =	vst v63  }
0xfc: {  	s20 =	simm.s32 $0x8  }
0xfd: {  	_ =	swait.ge [sflag:s20], $0x28  }
0xfe: {  	[sflag:s20] =	ssyncset.done $0x0  }
0xff: {  	s18 =	simm.s32 $0x16D00;
	[sflag:s20] =	ssyncadd.s32 $0xFFFFFFD8  }
0x100: {  	[tilespmem:s18], [sflag:$0x3] =	stream.indirect.gather [hbm4b:s4+s22], $0x80, s0, s22, $0xb8;
	[tilespmem:$0x1A900] =	vst v63  }
0x101: {  	_ =	swait.ge [sflag:s29], $0x28  }
0x102: {  	[sflag:s29] =	ssyncset.done $0x0  }
0x103: {  	s20 =	simm.s32 $0x18100;
	[sflag:s29] =	ssyncadd.s32 $0xFFFFFFD8  }
0x104: {  	[tilespmem:s20], [sflag:$0x4] =	stream.indirect.gather [hbm4b:s4+s22], $0x80, s24, s22, $0xb8;
	[tilespmem:$0x1A900] =	vst v63  }
0x105: {  	_ =	swait.ge [sflag:s31], $0x28  }
0x106: {  	[sflag:s31] =	ssyncset.done $0x0  }
0x107: {  	s24 =	simm.s32 $0x19500;
	[sflag:s31] =	ssyncadd.s32 $0xFFFFFFD8  }
0x108: {  	[tilespmem:s24], [sflag:$0x5] =	stream.indirect.gather [hbm4b:s4+s22], $0x80, s26, s22, $0xb8;
	[tilespmem:$0x1A900] =	vst v63  }
0x109: {  	_ =	swait.ge [sflag:s3], $0x1400  }
0x10a: {  	[sflag:s3] =	ssyncset.done $0x0  }
0x10b: {  	[sflag:s3] =	ssyncadd.s32 $0xFFFFEC00  }
0x10c: {  	_ =	swait.ge [sflag:s5], $0x28  }
0x10d: {  	[sflag:s5] =	ssyncset.done $0x0  }
0x10e: {  	[sflag:s5] =	ssyncadd.s32 $0xFFFFFFD8  }
0x10f: {  	[spmem:s1] =	stream.indirect.scatter.add.f32 [tilespmem:s15], [sflag:$0x10], $0x80, s19, s22, $0xb8;
	[tilespmem:$0x1A900] =	vst v63  }
0x110: {  	_ =	swait.ge [sflag:s10], $0x1400  }
0x111: {  	[sflag:s10] =	ssyncset.done $0x0  }
0x112: {  	[sflag:s10] =	ssyncadd.s32 $0xFFFFEC00  }
0x113: {  	_ =	swait.ge [sflag:s6], $0x1400  }
0x114: {  	[sflag:s6] =	ssyncset.done $0x0  }
0x115: {  	[sflag:s6] =	ssyncadd.s32 $0xFFFFEC00  }
0x116: {  	_ =	swait.ge [sflag:s8], $0x28  }
0x117: {  	[sflag:s8] =	ssyncset.done $0x0  }
0x118: {  	[sflag:s8] =	ssyncadd.s32 $0xFFFFFFD8  }
0x119: {  	[spmem:s1] =	stream.indirect.scatter.add.f32 [tilespmem:s17], [sflag:$0x10], $0x80, s23, s22, $0xb8;
	[tilespmem:$0x1A900] =	vst v63  }
0x11a: {  	_ =	swait.ge [sflag:s10], $0x1400  }
0x11b: {  	[sflag:s10] =	ssyncset.done $0x0  }
0x11c: {  	[sflag:s10] =	ssyncadd.s32 $0xFFFFEC00  }
0x11d: {  	_ =	swait.ge [sflag:s9], $0x1400  }
0x11e: {  	[sflag:s9] =	ssyncset.done $0x0  }
0x11f: {  	[sflag:s9] =	ssyncadd.s32 $0xFFFFEC00  }
0x120: {  	_ =	swait.ge [sflag:s7], $0x28  }
0x121: {  	[sflag:s7] =	ssyncset.done $0x0  }
0x122: {  	[sflag:s7] =	ssyncadd.s32 $0xFFFFFFD8  }
0x123: {  	[spmem:s1] =	stream.indirect.scatter.add.f32 [tilespmem:s18], [sflag:$0x10], $0x80, s21, s22, $0xb8;
	[tilespmem:$0x1A900] =	vst v63  }
0x124: {  	_ =	swait.ge [sflag:s10], $0x1400  }
0x125: {  	[sflag:s10] =	ssyncset.done $0x0  }
0x126: {  	[sflag:s10] =	ssyncadd.s32 $0xFFFFEC00  }
0x127: {  	_ =	swait.ge [sflag:s11], $0x1400  }
0x128: {  	[sflag:s11] =	ssyncset.done $0x0  }
0x129: {  	[sflag:s11] =	ssyncadd.s32 $0xFFFFEC00  }
0x12a: {  	_ =	swait.ge [sflag:s12], $0x28  }
0x12b: {  	[sflag:s12] =	ssyncset.done $0x0  }
0x12c: {  	[sflag:s12] =	ssyncadd.s32 $0xFFFFFFD8  }
0x12d: {  	[spmem:s1] =	stream.indirect.scatter.add.f32 [tilespmem:s20], [sflag:$0x10], $0x80, s25, s22, $0xb8;
	[tilespmem:$0x1A900] =	vst v63  }
0x12e: {  	_ =	swait.ge [sflag:s10], $0x1400  }
0x12f: {  	[sflag:s10] =	ssyncset.done $0x0  }
0x130: {  	[sflag:s10] =	ssyncadd.s32 $0xFFFFEC00  }
0x131: {  	_ =	swait.ge [sflag:s13], $0x1400  }
0x132: {  	[sflag:s13] =	ssyncset.done $0x0  }
0x133: {  	[sflag:s13] =	ssyncadd.s32 $0xFFFFEC00  }
0x134: {  	_ =	swait.ge [sflag:s14], $0x28  }
0x135: {  	[sflag:s14] =	ssyncset.done $0x0  }
0x136: {  	[sflag:s14] =	ssyncadd.s32 $0xFFFFFFD8  }
0x137: {  	[spmem:s1] =	stream.indirect.scatter.add.f32 [tilespmem:s24], [sflag:$0x10], $0x80, s16, s22, $0xb8;
	[tilespmem:$0x1A900] =	vst v63  }
0x138: {  	_ =	swait.ge [sflag:s10], $0x1400  }
0x139: {  	[sflag:s10] =	ssyncset.done $0x0  }
0x13a: {  	[sflag:s10] =	ssyncadd.s32 $0xFFFFEC00  }
0x13b: {  	[bflag:$0x0] =	sbarrier.arrive $0xFFFF  }
0x13c: {  	s16 =	rddreg [dreg:$0xf]  }
0x13d: {  	s23 =	rddreg [dreg:$0x11]  }
0x13e: {  	s24 =	rddreg [dreg:$0x13]  }
0x13f: {  	[hbm:s23], [sflag:s16] =	dma.local [spmem:s24], $0x2800  }
0x140: {  	_ =	swait.ge [sflag:s10], $0x2800  }
0x141: {  	s25 =	rddreg [dreg:$0x12]  }
0x142: {  	s26 =	rddreg [dreg:$0x10];
	s0 =	sadd.s32 $0x1, s25  }
0x143: {  	p0 =	sne.s32 s0, s26  }
.Ltmp1:
0x144: {  	_ = 	snop;
	(pc) =	sbr.rel @p0 .LBB2_1-.Ltmp1, $3  }
0x145: {  	_ =	sdelay $0x1  }
0x146: {  	[sflag:s10] =	ssyncset.done $0x0  }
0x147: {  	[sflag:s10] =	ssyncadd.s32 $0xFFFFD800  }
0x148: {  	_ =	sfence.sel $0x180000  }
0x149: {  	[bflag:$0x0] =	sbarrier.arrive $0xFFFF  }
0x14a: {  	_ =	strace $0x90000047  }
0x14b: {  	s0 =	stileid.u32;
	[bflag:$0x2] =	sbarrier.arrive $0xFFFF  }
0x14c: {  	p0 =	sne.s32 s0, $0x0;
	s0 =	rddreg [dreg:$0x2]  }
0x14d: {  	s0 =	sadd.s32 @!p0 $0x100000, s0  }
0x14e: {  	[sflag:s0] =	ssyncadd.tile.s32 @!p0 $0x1;
	_ =	shalt  }
.Lfunc_end2:
_tile_overlayer_lowered:
.L_overlay_start_2:
0x14f: {  	(tag) =	ssettag $0x2  }
0x150: {  	s0 =	rddreg [dreg:$0x0];
	s2 =	stileid.u32  }
0x151: {  	s1 =	rddreg [dreg:$0x1];
	p0 =	sne.s32 s2, $0x0  }
0x152: {  	s3 =	rddreg [dreg:$0x2];
	[bflag:$0x3] =	sbarrier.arrive $0xFFFF;
	s2 =	simm.s32 @!p0 $0x1C10  }
0x153: {  	[timem:s3], [sflag:s2] =	dma.local @!p0 [hbm:s0], s1  }
0x154: {  	s0 =	simm.s32 @!p0 $0x10  }
0x155: {  	_ =	swait.ge @!p0 [sflag:s0], s1  }
0x156: {  	s1 =	ssub.s32 @!p0 $0x0, s1;
	[sflag:s0] =	ssyncset.done @!p0 $0x0  }
0x157: {  	[sflag:s0] =	ssyncadd.s32 @!p0 s1  }
0x158: {  	[bflag:$0x3] =	sbarrier.arrive $0xFFFF  }
0x159: {  	_ =	shalt  }

// kernel: kernel.15.cloned.1.call-start
scs
__scs_entry_jumppad:
0x0: {  	(pc) =	sbr.rel $0x88, $3  }
0x1: {  	(tag) =	ssettag $0x0;
	lr =	simm.s32 $0x1  }
0x2: {  	[smem:$0x3F90] =	sst lr;
	_ =	strace $0xD0000000  }
0x3: {  	_ = 	snop  }
0x4: {  	_ = 	snop  }
0x5: {  	_ = 	snop  }
0x6: {  	_ = 	snop  }
0x7: {  	_ = 	snop  }
__scs_overlays_trampoline_lowered:
0x8: {  	[smem:$0x3F9F] =	sst s0  }
0x9: {  	[smem:$0x3FA0] =	sst s1  }
0xa: {  	[smem:$0x3FA1] =	sst s2  }
0xb: {  	[smem:$0x3FA2] =	sst s3  }
0xc: {  	[smem:$0x3FA3] =	sst s4  }
0xd: {  	[smem:$0x3FA4] =	sst s5  }
0xe: {  	[smem:$0x3FA5] =	sst s6  }
0xf: {  	[smem:$0x3FA6] =	sst s7  }
0x10: {  	[smem:$0x3FA7] =	sst s8  }
0x11: {  	[smem:$0x3FA8] =	sst s9;
	s0 =	simm.s32 @!p0 $0x0  }
0x12: {  	s1 =	sld [smem:$0x3F8E];
	s0 =	simm.s32 @p0 $0x1  }
0x13: {  	[smem:$0x3FA9] =	sst s0;
	s0 =	simm.s32 @!p1 $0x0  }
0x14: {  	s2 =	sld [smem:$0x3F8D];
	s0 =	simm.s32 @p1 $0x1  }
0x15: {  	[smem:$0x3FAA] =	sst s0;
	s0 =	simm.s32 @!p2 $0x0  }
0x16: {  	s3 =	sld [smem:$0x3FDB];
	s0 =	simm.s32 @p2 $0x1  }
0x17: {  	s4 =	simm.s32 $0x1BF5;
	[smem:$0x3FAC] =	sst s0  }
0x18: {  	s0 =	sld [smem:$0x3F8F];
	_ =	swait.ge [sflag:s4], $0x0  }
0x19: {  	s7 =	sld [smem:$0x3F90]  }
0x1a: {  	s8 =	sadd.s32 $0xFFFFE003, lr  }
0x1b: {  	s9 =	sadd.s32 $0xFFFFFEF7, lr;
	s5 =	simm.s32 $0xFFFFFFFF;
	p2 =	slt.u32 s8, $0xFFFFF086  }
0x1c: {  	p1 =	slt.u32 s9, $0xF7A;
	s5 =	simm.s32 @!p2 $0x0  }
0x1d: {  	s5 =	simm.s32 @p1 $0x1;
	p0 =	seq.s32 s7, s2  }
0x1e: {  	s7 =	smul.u32 @!p0 $0xF7A, s2;
	p2 =	seq.s32 @!p0 s5, $0x0  }
0x1f: {  	s9 =	smul.u32 $0xF7A, s1;
	s8 =	simm.s32 @!p0 $0x1BF5;
	p2 =	por !p2, p0  }
0x20: {  	[sflag:s8] =	ssyncset.s32 @!p0 $0xFFFFF086;
	s6 =	sadd.s32 @!p0 s3, s7;
	s7 =	simm.s32 @!p0 $0x108  }
0x21: {  	s3 =	sadd.s32 s3, s9;
	s6 =	sadd.s32 @!p0 $0x88, s6;
	s7 =	simm.s32 @p2 $0x1082  }
0x22: {  	[simem:s7], [sflag:s8] =	dma.local @!p0 [hbm:s6], $0xF7A  }
0x23: {  	s9 =	sor.u32 $0xD0000000, s2;
	s6 =	simm.s32 $0x108;
	_ =	swait.ge @!p0 [sflag:s8], $0x0  }
0x24: {  	s3 =	sadd.s32 $0x88, s3;
	s6 =	simm.s32 @!p1 $0x1082;
	[sflag:s4] =	ssyncset.s32 $0xFFFFF086  }
0x25: {  	[simem:s6], [sflag:s4] =	dma.local [hbm:s3], $0xF7A  }
0x26: {  	[smem:$0x3F90] =	sst s1;
	(tag) =	ssettag s2;
	_ =	strace s9  }
0x27: {  	s1 =	sld [smem:$0x3FA0]  }
0x28: {  	s2 =	sld [smem:$0x3FA1]  }
0x29: {  	s4 =	sld [smem:$0x3FA3]  }
0x2a: {  	p0 =	seq.s32 s5, $0x0;
	s5 =	sld [smem:$0x3FA4]  }
0x2b: {  	s6 =	sld [smem:$0x3FA5]  }
0x2c: {  	s7 =	sld [smem:$0x3FA6]  }
0x2d: {  	s3 =	simm.s32 $0x108;
	s8 =	sld [smem:$0x3FA7]  }
0x2e: {  	s3 =	simm.s32 @!p0 $0x1082;
	s9 =	sld [smem:$0x3FA8]  }
0x2f: {  	lr =	sadd.s32 s0, s3;
	s0 =	sld [smem:$0x3F9F]  }
0x30: {  	s3 =	sld [smem:$0x3FA2]  }
0x31: {  	[smem:$0x3FAB] =	sst s10  }
0x32: {  	s10 =	sld [smem:$0x3FA9];
	_ =	sdelay $0x3  }
0x33: {  	p0 =	seq.s32 s10, $0x1;
	s10 =	sld [smem:$0x3FAB];
	_ =	sdelay $0x3  }
0x34: {  	[smem:$0x3FAB] =	sst s10  }
0x35: {  	s10 =	sld [smem:$0x3FAA];
	_ =	sdelay $0x3  }
0x36: {  	p1 =	seq.s32 s10, $0x1;
	s10 =	sld [smem:$0x3FAB];
	_ =	sdelay $0x3  }
0x37: {  	[smem:$0x3FAB] =	sst s10  }
0x38: {  	s10 =	sld [smem:$0x3FAC]  }
0x39: {  	_ = 	snop;
	(pc) =	sbr.ind lr, $3  }
0x3a: {  	_ = 	snop  }
0x3b: {  	_ = 	snop  }
0x3c: {  	p2 =	seq.s32 s10, $0x1;
	s10 =	sld [smem:$0x3FAB]  }
0x3d: {  	_ =	shalt  }
0x3e: {  	_ =	shalt  }
0x3f: {  	_ =	shalt  }
0x40: {  	_ =	shalt  }
0x41: {  	_ =	shalt  }
0x42: {  	_ =	shalt  }
0x43: {  	_ =	shalt  }
0x44: {  	_ =	shalt  }
0x45: {  	_ =	shalt  }
0x46: {  	_ =	shalt  }
0x47: {  	_ =	shalt  }
0x48: {  	_ =	shalt  }
0x49: {  	_ =	shalt  }
0x4a: {  	_ =	shalt  }
0x4b: {  	_ =	shalt  }
0x4c: {  	_ =	shalt  }
0x4d: {  	_ =	shalt  }
0x4e: {  	_ =	shalt  }
0x4f: {  	_ =	shalt  }
0x50: {  	_ =	shalt  }
0x51: {  	_ =	shalt  }
0x52: {  	_ =	shalt  }
0x53: {  	_ =	shalt  }
0x54: {  	_ =	shalt  }
0x55: {  	_ =	shalt  }
0x56: {  	_ =	shalt  }
0x57: {  	_ =	shalt  }
0x58: {  	_ =	shalt  }
0x59: {  	_ =	shalt  }
0x5a: {  	_ =	shalt  }
0x5b: {  	_ =	shalt  }
0x5c: {  	_ =	shalt  }
0x5d: {  	_ =	shalt  }
0x5e: {  	_ =	shalt  }
0x5f: {  	_ =	shalt  }
0x60: {  	_ =	shalt  }
0x61: {  	_ =	shalt  }
0x62: {  	_ =	shalt  }
0x63: {  	_ =	shalt  }
0x64: {  	_ =	shalt  }
0x65: {  	_ =	shalt  }
0x66: {  	_ =	shalt  }
0x67: {  	_ =	shalt  }
0x68: {  	_ =	shalt  }
0x69: {  	_ =	shalt  }
0x6a: {  	_ =	shalt  }
0x6b: {  	_ =	shalt  }
0x6c: {  	_ =	shalt  }
0x6d: {  	_ =	shalt  }
0x6e: {  	_ =	shalt  }
0x6f: {  	_ =	shalt  }
0x70: {  	_ =	shalt  }
0x71: {  	_ =	shalt  }
0x72: {  	_ =	shalt  }
0x73: {  	_ =	shalt  }
0x74: {  	_ =	shalt  }
0x75: {  	_ =	shalt  }
0x76: {  	_ =	shalt  }
0x77: {  	_ =	shalt  }
0x78: {  	_ =	shalt  }
0x79: {  	_ =	shalt  }
0x7a: {  	_ =	shalt  }
0x7b: {  	_ =	shalt  }
0x7c: {  	_ =	shalt  }
0x7d: {  	_ =	shalt  }
0x7e: {  	_ =	shalt  }
0x7f: {  	_ =	shalt  }
0x80: {  	_ =	shalt  }
0x81: {  	_ =	shalt  }
0x82: {  	_ =	shalt  }
0x83: {  	_ =	shalt  }
0x84: {  	_ =	shalt  }
0x85: {  	_ =	shalt  }
0x86: {  	_ =	shalt  }
0x87: {  	_ =	shalt  }
.Lfunc_end0:
.L_simem_size_0:
called_computation.2_lowered:
.L_overlay_start_0:
0x88: {  	s2 =	sld [smem:$0x3FD9]  }
0x89: {  	s3 =	sld [smem:$0x3FFE];
	_ =	sdelay $0x1  }
0x8a: {  	s1 =	srdreg.scid  }
0x8b: {  	s0 =	sand.u32 $0x1, s1  }
0x8c: {  	s16 =	sshll.u32 s0, $0xA;
	s2 =	sadd.s32 s3, s2  }
0x8d: {  	s2 =	sadd.s32 s2, s16  }
0x8e: {  	[smem:$0x3FB7] =	sst s2  }
0x8f: {  	_ = 	snop  }
0x90: {  	(tm) =	ssettm $0x1  }
0x91: {  	s17 =	sld [smem:$0x3FFB];
	_ =	sdelay $0x3  }
0x92: {  	_ =	strace s17  }
0x93: {  	s2 =	sld [smem:$0x3FFC];
	_ =	sdelay $0x3  }
0x94: {  	_ =	strace s2  }
0x95: {  	s2 =	sld [smem:$0x3FFD];
	_ =	sdelay $0x3  }
0x96: {  	_ =	strace s2  }
0x97: {  	_ =	strace $0x8FFFFFFF  }
0x98: {  	s18 =	sld [smem:$0x3FDB];
	_ =	sdelay $0x1  }
0x99: {  	s19 =	simm.s32 $_scs_section_size  }
0x9a: {  	s4 =	simm.s32 $_size__tile_overlayer_lowered;
	s5 =	simm.s32 $_tile_overlayer_lowered  }
0x9b: {  	s22 =	simm.s32 $0x1BFF;
	s21 =	sshll.u32 s5, $0x1;
	s2 =	sadd.s32 s19, s18  }
0x9c: {  	s6 =	simm.s32 $0x0;
	s20 =	sshll.u32 s4, $0x1;
	s4 =	sadd.s32 s21, s2  }
0x9d: {  	[timem:s6], [sflag:s22] =	dma.local [hbm:s4], s20  }
0x9e: {  	_ =	swait.ge [sflag:s22], s20  }
0x9f: {  	s3 =	ssub.s32 $0x0, s20;
	[sflag:s22] =	ssyncset.done $0x0  }
0xa0: {  	[sflag:s22] =	ssyncadd.s32 s3;
	_ =	sdelay $0x1  }
0xa1: {  	s23 =	simm.s32 $0x1B8B  }
0xa2: {  	_ =	swait.ge [sflag:s23], $0x1  }
0xa3: {  	[sflag:s23] =	ssyncset.done $0x0  }
0xa4: {  	s25 =	simm.s32 $0x1B8E;
	s24 =	sld [smem:$0x3FFE];
	[sflag:s23] =	ssyncadd.s32 $0xFFFFFFFF  }
0xa5: {  	s26 =	simm.s32 $execute0_lowered;
	[smem:$0x3FD2] =	sst s25  }
0xa6: {  	s4 =	sshll.u32 s26, $0x1;
	_ =	strace $0x8000004C;
	[dreg:$0x1] =	wrdreg $0xFFFFFFFF  }
0xa7: {  	s28 =	simm.s32 $_size_execute0_lowered;
	s2 =	sadd.s32 s2, s4;
	[dreg:$0x0] =	wrdreg $0x0  }
0xa8: {  	s4 =	sshll.u32 s28, $0x1;
	[dreg:$0x2] =	wrdreg s2  }
0xa9: {  	[dreg:$0x3] =	wrdreg s4  }
0xaa: {  	[dreg:$0x4] =	wrdreg $0xC0  }
0xab: {  	_ =	task [dreg:s6], $0x5FFFF  }
0xac: {  	[dreg:$0x1] =	wrdreg $0xFFFFFFFF  }
0xad: {  	[dreg:$0x0] =	wrdreg $0x60  }
0xae: {  	[dreg:$0x2] =	wrdreg s24  }
0xaf: {  	[dreg:$0x3] =	wrdreg $0x0  }
0xb0: {  	[dreg:$0x4] =	wrdreg $0x9  }
0xb1: {  	_ =	task.clear_ibuf [dreg:s6], $0x5FFFF;
	_ =	strace $0x9000004C  }
0xb2: {  	s29 =	simm.s32 $0x9;
	_ =	strace $0x8000004E  }
0xb3: {  	_ =	swait.ge [sflag:s29], $0x1  }
0xb4: {  	[sflag:s29] =	ssyncadd.s32 $0xFFFFFFFF  }
0xb5: {  	_ =	strace $0x9000004E  }
0xb6: {  	_ =	sfence  }
0xb7: {  	s30 =	sld [smem:$0x0];
	_ =	sdelay $0x2  }
0xb8: {  	s31 =	sshll.u32 s1, $0xD;
	s1 =	sshrl.u32 s1, $0x2  }
0xb9: {  	s3 =	sand.u32 $0x4000, s31;
	s1 =	sadd.s32 s1, s30  }
0xba: {  	s0 =	sor.u32 s3, s0;
	s1 =	sshll.u32 s1, $0x11  }
0xbb: {  	s0 =	sor.u32 s1, s0  }
0xbc: {  	s0 =	sadd.s32 $0x8F2B, s0  }
0xbd: {  	[sflag:s0] =	ssyncadd.remote.s32 $0x1  }
0xbe: {  	_ =	sfence.sel $0xFFFF  }
0xbf: {  	[dreg:$0x0] =	wrdreg $0xFFFFFFFF;
	(pc) =	sbr.abs _section_cstart, $3  }
0xc0: {  	[dreg:$0x1] =	wrdreg $0xFFFFFFFF  }
0xc1: {  	_ =	task.clear_ibuf [dreg:s6], $0x2FFFF;
	_ =	strace $0x9FFFFFFF  }
0xc2: {  	(tm) =	ssettm $0x7FFFFFFF  }
0xc3: {  	_ =	shalt  }
tec
execute0_lowered:
.L_overlay_start_1:
0x0: {  	(tag) =	ssettag $0x1  }
0x1: {  	s0 =	rddreg [dreg:$0x0]  }
0x2: {  	s1 =	rddreg [dreg:$0x1];
	s2 =	simm.s32 $0x0  }
0x3: {  	s3 =	srdreg.scid;
	s12 =	stileid.u32;
	s29 =	simm.s32 $0x9  }
0x4: {  	s31 =	simm.s32 $0xA;
	s28 =	simm.s32 $0x14080;
	s30 =	simm.s32 $0x14300  }
0x5: {  	[smem:$0x7FF] =	sst s2;
	s4 =	sadd.s32 $0x4400, s0;
	s5 =	sadd.s32 $0x35400, s0  }
0x6: {  	s3 =	sand.u32 $0x1, s3;
	s6 =	smul.u32 $0x50000, s12;
	s7 =	sadd.s32 $0x2B600, s0  }
0x7: {  	s10 =	sadd.s32 $0x66400, s0;
	s11 =	smul.u32 $0x2710, s12;
	s25 =	sshll.u32 s12, $0x6  }
0x8: {  	_ =	strace $0x8000004D;
	s8 =	ssub.s32 $0x2, s3;
	s9 =	smul.u32 $0x27100, s3  }
0x9: {  	[dreg:$0xd] =	wrdreg s10;
	s16 =	sor.u32 $0x1C10, s25;
	p0 =	seq.s32 s3, $0x1  }
0xa: {  	s3 =	smul.u32 $0x2800, s12;
	s10 =	simm.s32 $0x90C00;
	s24 =	sshrl.u32 s8, $0x1  }
0xb: {  	s6 =	sshrl.u32 s6, $0x2;
	s10 =	simm.s32 @!p0 $0x68C00;
	[dreg:$0xf] =	wrdreg s16  }
0xc: {  	s8 =	ssub.s32 s8, s24;
	s6 =	sadd.s32 s6, s1;
	s26 =	sadd.s32 s11, s9  }
0xd: {  	s0 =	sadd.s32 s10, s0;
	s10 =	simm.s32 $0x10;
	[dreg:$0xe] =	wrdreg s6  }
0xe: {  	s9 =	sshrl.u32 s26, $0x3;
	s13 =	sadd.s32 $0xA0, s26;
	s17 =	sadd.s32 $0x78, s26  }
0xf: {  	s21 =	sadd.s32 $0x50, s26;
	s6 =	sadd.s32 $0x28, s26;
	s26 =	smax.u32 s8, $0x1  }
0x10: {  	s11 =	simm.s32 $0x4;
	s0 =	sadd.s32 s0, s3;
	[dreg:$0x10] =	wrdreg s26  }
0x11: {  	s3 =	simm.s32 $0x1;
	s12 =	sadd.s32 s9, s7;
	[dreg:$0x11] =	wrdreg s0  }
0x12: {  	s9 =	sadd.s32 s9, s5;
	s14 =	sshrl.u32 s13, $0x3;
	[dreg:$0x3] =	wrdreg s12  }
0x13: {  	s8 =	simm.s32 $0xC;
	[dreg:$0x4] =	wrdreg s9;
	s15 =	sadd.s32 s14, s7  }
0x14: {  	s19 =	sshrl.u32 s17, $0x3;
	s18 =	sadd.s32 s14, s5;
	[dreg:$0x5] =	wrdreg s15  }
0x15: {  	s23 =	sshrl.u32 s21, $0x3;
	s20 =	sadd.s32 s19, s7;
	[dreg:$0x6] =	wrdreg s18  }
0x16: {  	s6 =	sshrl.u32 s6, $0x3;
	s22 =	sadd.s32 s19, s5;
	[dreg:$0x7] =	wrdreg s20  }
0x17: {  	s13 =	simm.s32 $0x5;
	s24 =	sadd.s32 s23, s7;
	[dreg:$0x8] =	wrdreg s22  }
0x18: {  	s0 =	simm.s32 $0x0;
	s25 =	sadd.s32 s23, s5;
	[dreg:$0x9] =	wrdreg s24  }
0x19: {  	s7 =	sadd.s32 s6, s7;
	s5 =	sadd.s32 s6, s5;
	[dreg:$0xa] =	wrdreg s25  }
0x1a: {  	s6 =	simm.s32 $0x2;
	s9 =	simm.s32 $0x3;
	[dreg:$0xb] =	wrdreg s7  }
0x1b: {  	s12 =	simm.s32 $0xE;
	s14 =	simm.s32 $0xF;
	[dreg:$0xc] =	wrdreg s5  }
0x1c: {  	s22 =	simm.s32 $0x28;
	s5 =	simm.s32 $0xB;
	s7 =	simm.s32 $0xD  }
.LBB2_1:
0x1d: {  	[dreg:$0x12] =	wrdreg s0  }
0x1e: {  	s15 =	rddreg [dreg:$0xe]  }
0x1f: {  	s18 =	rddreg [dreg:$0xd];
	s17 =	sshrl.u32 s15, $0x3  }
0x20: {  	[dreg:$0x13] =	wrdreg s17  }
0x21: {  	[spmem:s17], [sflag:s16] =	dma.local [hbm:s18], $0x2800  }
0x22: {  	_ =	swait.ge [sflag:s10], $0x2800  }
0x23: {  	[sflag:s10] =	ssyncset.done $0x0  }
0x24: {  	[sflag:s10] =	ssyncadd.s32 $0xFFFFD800  }
0x25: {  	[bflag:$0x0] =	sbarrier.arrive $0xFFFF  }
0x26: {  	s19 =	rddreg [dreg:$0x4]  }
0x27: {  	s18 =	simm.s32 $0x14000;
	s20 =	rddreg [dreg:$0x3];
	s15 =	sadd.s32 $0x0, s19  }
0x28: {  	[tilespmem:s18], [sflag:$0x6] =	stream.linear.gather [hbm4b:s15+s2], $0x28, $0x38;
	[tilespmem:$0x1A900] =	vst v63  }
0x29: {  	s17 =	rddreg [dreg:$0xc];
	s21 =	sadd.s32 $0x0, s20;
	s19 =	simm.s32 $0x14280  }
0x2a: {  	[tilespmem:s19], [sflag:$0xB] =	stream.linear.gather [hbm4b:s21+s2], $0x28, $0x38;
	[tilespmem:$0x1A900] =	vst v63  }
0x2b: {  	s23 =	rddreg [dreg:$0xb];
	s24 =	sadd.s32 $0x0, s17;
	s20 =	simm.s32 $0x14080  }
0x2c: {  	[tilespmem:s20], [sflag:$0x7] =	stream.linear.gather [hbm4b:s24+s2], $0x28, $0x38;
	[tilespmem:$0x1A900] =	vst v63  }
0x2d: {  	s25 =	rddreg [dreg:$0xa];
	s26 =	sadd.s32 $0x0, s23;
	s23 =	simm.s32 $0x14300  }
0x2e: {  	[tilespmem:s23], [sflag:$0xC] =	stream.linear.gather [hbm4b:s26+s2], $0x28, $0x38;
	[tilespmem:$0x1A900] =	vst v63  }
0x2f: {  	s0 =	rddreg [dreg:$0x9];
	s17 =	sadd.s32 $0x0, s25;
	s25 =	simm.s32 $0x14100  }
0x30: {  	[tilespmem:s25], [sflag:$0x8] =	stream.linear.gather [hbm4b:s17+s2], $0x28, $0x38;
	[tilespmem:$0x1A900] =	vst v63  }
0x31: {  	s21 =	rddreg [dreg:$0x8];
	s24 =	sadd.s32 $0x0, s0;
	s0 =	simm.s32 $0x14380  }
0x32: {  	[tilespmem:s0], [sflag:$0xD] =	stream.linear.gather [hbm4b:s24+s2], $0x28, $0x38;
	[tilespmem:$0x1A900] =	vst v63  }
0x33: {  	s26 =	rddreg [dreg:$0x7];
	s24 =	sadd.s32 $0x0, s21;
	s21 =	simm.s32 $0x14180  }
0x34: {  	[tilespmem:s21], [sflag:$0x9] =	stream.linear.gather [hbm4b:s24+s2], $0x28, $0x38;
	[tilespmem:$0x1A900] =	vst v63  }
0x35: {  	s26 =	sadd.s32 $0x0, s26;
	s17 =	rddreg [dreg:$0x6];
	s24 =	simm.s32 $0x14400  }
0x36: {  	[tilespmem:s24], [sflag:$0xE] =	stream.linear.gather [hbm4b:s26+s2], $0x28, $0x38;
	[tilespmem:$0x1A900] =	vst v63  }
0x37: {  	s16 =	rddreg [dreg:$0x5];
	s26 =	sadd.s32 $0x0, s17;
	s17 =	simm.s32 $0x14200  }
0x38: {  	[tilespmem:s17], [sflag:$0xA] =	stream.linear.gather [hbm4b:s26+s2], $0x28, $0x38;
	[tilespmem:$0x1A900] =	vst v63  }
0x39: {  	s26 =	sadd.s32 $0x0, s16;
	s16 =	simm.s32 $0x14480  }
0x3a: {  	[tilespmem:s16], [sflag:$0xF] =	stream.linear.gather [hbm4b:s26+s2], $0x28, $0x38;
	[tilespmem:$0x1A900] =	vst v63  }
0x3b: {  	s26 =	simm.s32 $0x6  }
0x3c: {  	_ =	swait.ge [sflag:s26], $0x28  }
0x3d: {  	[sflag:s26] =	ssyncset.done $0x0  }
0x3e: {  	s15 =	simm.s32 $0x14500;
	[sflag:s26] =	ssyncadd.s32 $0xFFFFFFD8;
	s26 =	simm.s32 $0x7  }
0x3f: {  	[tilespmem:s15], [sflag:$0x1] =	stream.indirect.gather [hbm4b:s4+s22], $0x80, s18, s22, $0xb8;
	[tilespmem:$0x1A900] =	vst v63  }
0x40: {  	_ =	swait.ge [sflag:s26], $0x28  }
0x41: {  	[sflag:s26] =	ssyncset.done $0x0  }
0x42: {  	s18 =	simm.s32 $0x15900;
	[sflag:s26] =	ssyncadd.s32 $0xFFFFFFD8;
	s26 =	simm.s32 $0x8  }
0x43: {  	[tilespmem:s18], [sflag:$0x2] =	stream.indirect.gather [hbm4b:s4+s22], $0x80, s20, s22, $0xb8;
	[tilespmem:$0x1A900] =	vst v63  }
0x44: {  	_ =	swait.ge [sflag:s26], $0x28  }
0x45: {  	[sflag:s26] =	ssyncset.done $0x0  }
0x46: {  	s20 =	simm.s32 $0x16D00;
	[sflag:s26] =	ssyncadd.s32 $0xFFFFFFD8  }
0x47: {  	[tilespmem:s20], [sflag:$0x3] =	stream.indirect.gather [hbm4b:s4+s22], $0x80, s25, s22, $0xb8;
	[tilespmem:$0x1A900] =	vst v63  }
0x48: {  	_ =	swait.ge [sflag:s29], $0x28  }
0x49: {  	[sflag:s29] =	ssyncset.done $0x0  }
0x4a: {  	s25 =	simm.s32 $0x18100;
	[sflag:s29] =	ssyncadd.s32 $0xFFFFFFD8  }
0x4b: {  	[tilespmem:s25], [sflag:$0x4] =	stream.indirect.gather [hbm4b:s4+s22], $0x80, s21, s22, $0xb8;
	[tilespmem:$0x1A900] =	vst v63  }
0x4c: {  	_ =	swait.ge [sflag:s31], $0x28  }
0x4d: {  	[sflag:s31] =	ssyncset.done $0x0  }
0x4e: {  	s26 =	simm.s32 $0x19500;
	[sflag:s31] =	ssyncadd.s32 $0xFFFFFFD8  }
0x4f: {  	[tilespmem:s26], [sflag:$0x5] =	stream.indirect.gather [hbm4b:s4+s22], $0x80, s17, s22, $0xb8;
	[tilespmem:$0x1A900] =	vst v63  }
0x50: {  	_ =	swait.ge [sflag:s3], $0x1400  }
0x51: {  	[sflag:s3] =	ssyncset.done $0x0  }
0x52: {  	[sflag:s3] =	ssyncadd.s32 $0xFFFFEC00  }
0x53: {  	_ =	swait.ge [sflag:s5], $0x28  }
0x54: {  	[sflag:s5] =	ssyncset.done $0x0  }
0x55: {  	[sflag:s5] =	ssyncadd.s32 $0xFFFFFFD8  }
0x56: {  	[spmem:s1] =	stream.indirect.scatter.add.f32 [tilespmem:s15], [sflag:$0x10], $0x80, s19, s22, $0xb8;
	[tilespmem:$0x1A900] =	vst v63  }
0x57: {  	_ =	swait.ge [sflag:s10], $0x1400  }
0x58: {  	[sflag:s10] =	ssyncset.done $0x0  }
0x59: {  	[sflag:s10] =	ssyncadd.s32 $0xFFFFEC00  }
0x5a: {  	_ =	swait.ge [sflag:s6], $0x1400  }
0x5b: {  	[sflag:s6] =	ssyncset.done $0x0  }
0x5c: {  	[sflag:s6] =	ssyncadd.s32 $0xFFFFEC00  }
0x5d: {  	_ =	swait.ge [sflag:s8], $0x28  }
0x5e: {  	[sflag:s8] =	ssyncset.done $0x0  }
0x5f: {  	[sflag:s8] =	ssyncadd.s32 $0xFFFFFFD8  }
0x60: {  	[spmem:s1] =	stream.indirect.scatter.add.f32 [tilespmem:s18], [sflag:$0x10], $0x80, s23, s22, $0xb8;
	[tilespmem:$0x1A900] =	vst v63  }
0x61: {  	_ =	swait.ge [sflag:s10], $0x1400  }
0x62: {  	[sflag:s10] =	ssyncset.done $0x0  }
0x63: {  	[sflag:s10] =	ssyncadd.s32 $0xFFFFEC00  }
0x64: {  	_ =	swait.ge [sflag:s9], $0x1400  }
0x65: {  	[sflag:s9] =	ssyncset.done $0x0  }
0x66: {  	[sflag:s9] =	ssyncadd.s32 $0xFFFFEC00  }
0x67: {  	_ =	swait.ge [sflag:s7], $0x28  }
0x68: {  	[sflag:s7] =	ssyncset.done $0x0  }
0x69: {  	[sflag:s7] =	ssyncadd.s32 $0xFFFFFFD8  }
0x6a: {  	[spmem:s1] =	stream.indirect.scatter.add.f32 [tilespmem:s20], [sflag:$0x10], $0x80, s0, s22, $0xb8;
	[tilespmem:$0x1A900] =	vst v63  }
0x6b: {  	_ =	swait.ge [sflag:s10], $0x1400  }
0x6c: {  	[sflag:s10] =	ssyncset.done $0x0  }
0x6d: {  	[sflag:s10] =	ssyncadd.s32 $0xFFFFEC00  }
0x6e: {  	_ =	swait.ge [sflag:s11], $0x1400  }
0x6f: {  	[sflag:s11] =	ssyncset.done $0x0  }
0x70: {  	[sflag:s11] =	ssyncadd.s32 $0xFFFFEC00  }
0x71: {  	_ =	swait.ge [sflag:s12], $0x28  }
0x72: {  	[sflag:s12] =	ssyncset.done $0x0  }
0x73: {  	[sflag:s12] =	ssyncadd.s32 $0xFFFFFFD8  }
0x74: {  	[spmem:s1] =	stream.indirect.scatter.add.f32 [tilespmem:s25], [sflag:$0x10], $0x80, s24, s22, $0xb8;
	[tilespmem:$0x1A900] =	vst v63  }
0x75: {  	_ =	swait.ge [sflag:s10], $0x1400  }
0x76: {  	[sflag:s10] =	ssyncset.done $0x0  }
0x77: {  	[sflag:s10] =	ssyncadd.s32 $0xFFFFEC00  }
0x78: {  	_ =	swait.ge [sflag:s13], $0x1400  }
0x79: {  	[sflag:s13] =	ssyncset.done $0x0  }
0x7a: {  	[sflag:s13] =	ssyncadd.s32 $0xFFFFEC00  }
0x7b: {  	_ =	swait.ge [sflag:s14], $0x28  }
0x7c: {  	[sflag:s14] =	ssyncset.done $0x0  }
0x7d: {  	[sflag:s14] =	ssyncadd.s32 $0xFFFFFFD8  }
0x7e: {  	[spmem:s1] =	stream.indirect.scatter.add.f32 [tilespmem:s26], [sflag:$0x10], $0x80, s16, s22, $0xb8;
	[tilespmem:$0x1A900] =	vst v63  }
0x7f: {  	s15 =	simm.s32 $0x19;
	_ =	swait.ge [sflag:s10], $0x1400  }
0x80: {  	s16 =	simm.s32 $0x32;
	s17 =	rddreg [dreg:$0x4];
	[sflag:s10] =	ssyncset.done $0x0  }
.LBB2_2:
0x81: {  	[sflag:s10] =	ssyncadd.s32 $0xFFFFEC00  }
0x82: {  	s19 =	rddreg [dreg:$0x3];
	s17 =	sadd.s32 s15, s17;
	s23 =	simm.s32 $0x14000  }
0x83: {  	[tilespmem:s23], [sflag:$0x6] =	stream.linear.gather [hbm4b:s17+s2], $0x28, $0x38;
	[tilespmem:$0x1A900] =	vst v63  }
0x84: {  	s20 =	rddreg [dreg:$0xc];
	s25 =	simm.s32 $0x14280;
	s21 =	sadd.s32 s15, s19  }
0x85: {  	[tilespmem:s25], [sflag:$0xB] =	stream.linear.gather [hbm4b:s21+s2], $0x28, $0x38;
	[tilespmem:$0x1A900] =	vst v63  }
0x86: {  	s24 =	rddreg [dreg:$0xb];
	s26 =	sadd.s32 s15, s20  }
0x87: {  	[tilespmem:s28], [sflag:$0x7] =	stream.linear.gather [hbm4b:s26+s2], $0x28, $0x38;
	[tilespmem:$0x1A900] =	vst v63  }
0x88: {  	s18 =	smov.u32 s16;
	s0 =	rddreg [dreg:$0xa];
	s19 =	sadd.s32 s15, s24  }
0x89: {  	[tilespmem:s30], [sflag:$0xC] =	stream.linear.gather [hbm4b:s19+s2], $0x28, $0x38;
	[tilespmem:$0x1A900] =	vst v63  }
0x8a: {  	s24 =	sadd.s32 s15, s0;
	s0 =	simm.s32 $0x14100;
	s21 =	rddreg [dreg:$0x9]  }
0x8b: {  	[tilespmem:s0], [sflag:$0x8] =	stream.linear.gather [hbm4b:s24+s2], $0x28, $0x38;
	[tilespmem:$0x1A900] =	vst v63  }
0x8c: {  	s26 =	rddreg [dreg:$0x8];
	s24 =	sadd.s32 s15, s21;
	s21 =	simm.s32 $0x14380  }
0x8d: {  	[tilespmem:s21], [sflag:$0xD] =	stream.linear.gather [hbm4b:s24+s2], $0x28, $0x38;
	[tilespmem:$0x1A900] =	vst v63  }
0x8e: {  	s26 =	sadd.s32 s15, s26;
	s19 =	rddreg [dreg:$0x7];
	s24 =	simm.s32 $0x14180  }
0x8f: {  	[tilespmem:s24], [sflag:$0x9] =	stream.linear.gather [hbm4b:s26+s2], $0x28, $0x38;
	[tilespmem:$0x1A900] =	vst v63  }
0x90: {  	s20 =	rddreg [dreg:$0x6];
	s17 =	sadd.s32 s15, s19;
	s26 =	simm.s32 $0x14400  }
0x91: {  	[tilespmem:s26], [sflag:$0xE] =	stream.linear.gather [hbm4b:s17+s2], $0x28, $0x38;
	[tilespmem:$0x1A900] =	vst v63  }
0x92: {  	s19 =	rddreg [dreg:$0x5];
	s17 =	sadd.s32 s15, s20;
	s20 =	simm.s32 $0x14200  }
0x93: {  	[tilespmem:s20], [sflag:$0xA] =	stream.linear.gather [hbm4b:s17+s2], $0x28, $0x38;
	[tilespmem:$0x1A900] =	vst v63  }
0x94: {  	s19 =	sadd.s32 s15, s19;
	s15 =	smov.u32 s18;
	s18 =	simm.s32 $0x14480  }
0x95: {  	[tilespmem:s18], [sflag:$0xF] =	stream.linear.gather [hbm4b:s19+s2], $0x28, $0x38;
	[tilespmem:$0x1A900] =	vst v63  }
0x96: {  	s19 =	simm.s32 $0x6  }
0x97: {  	_ =	swait.ge [sflag:s19], $0x28  }
0x98: {  	[sflag:s19] =	ssyncset.done $0x0  }
0x99: {  	s17 =	simm.s32 $0x14500;
	[sflag:s19] =	ssyncadd.s32 $0xFFFFFFD8  }
0x9a: {  	[tilespmem:s17], [sflag:$0x1] =	stream.indirect.gather [hbm4b:s4+s22], $0x80, s23, s22, $0xb8;
	[tilespmem:$0x1A900] =	vst v63  }
0x9b: {  	s23 =	simm.s32 $0x7  }
0x9c: {  	_ =	swait.ge [sflag:s23], $0x28  }
0x9d: {  	[sflag:s23] =	ssyncset.done $0x0  }
0x9e: {  	s19 =	simm.s32 $0x15900;
	[sflag:s23] =	ssyncadd.s32 $0xFFFFFFD8;
	s23 =	simm.s32 $0x8  }
0x9f: {  	[tilespmem:s19], [sflag:$0x2] =	stream.indirect.gather [hbm4b:s4+s22], $0x80, s28, s22, $0xb8;
	[tilespmem:$0x1A900] =	vst v63  }
0xa0: {  	_ =	swait.ge [sflag:s23], $0x28  }
0xa1: {  	[sflag:s23] =	ssyncset.done $0x0  }
0xa2: {  	[sflag:s23] =	ssyncadd.s32 $0xFFFFFFD8;
	s23 =	simm.s32 $0x16D00  }
0xa3: {  	[tilespmem:s23], [sflag:$0x3] =	stream.indirect.gather [hbm4b:s4+s22], $0x80, s0, s22, $0xb8;
	[tilespmem:$0x1A900] =	vst v63  }
0xa4: {  	_ =	swait.ge [sflag:s29], $0x28  }
0xa5: {  	[sflag:s29] =	ssyncset.done $0x0  }
0xa6: {  	s0 =	simm.s32 $0x18100;
	[sflag:s29] =	ssyncadd.s32 $0xFFFFFFD8  }
0xa7: {  	[tilespmem:s0], [sflag:$0x4] =	stream.indirect.gather [hbm4b:s4+s22], $0x80, s24, s22, $0xb8;
	[tilespmem:$0x1A900] =	vst v63  }
0xa8: {  	_ =	swait.ge [sflag:s31], $0x28  }
0xa9: {  	[sflag:s31] =	ssyncset.done $0x0  }
0xaa: {  	s24 =	simm.s32 $0x19500;
	[sflag:s31] =	ssyncadd.s32 $0xFFFFFFD8  }
0xab: {  	[tilespmem:s24], [sflag:$0x5] =	stream.indirect.gather [hbm4b:s4+s22], $0x80, s20, s22, $0xb8;
	[tilespmem:$0x1A900] =	vst v63  }
0xac: {  	_ =	swait.ge [sflag:s3], $0x1400  }
0xad: {  	[sflag:s3] =	ssyncset.done $0x0  }
0xae: {  	[sflag:s3] =	ssyncadd.s32 $0xFFFFEC00  }
0xaf: {  	_ =	swait.ge [sflag:s5], $0x28  }
0xb0: {  	[sflag:s5] =	ssyncset.done $0x0  }
0xb1: {  	[sflag:s5] =	ssyncadd.s32 $0xFFFFFFD8  }
0xb2: {  	[spmem:s1] =	stream.indirect.scatter.add.f32 [tilespmem:s17], [sflag:$0x10], $0x80, s25, s22, $0xb8;
	[tilespmem:$0x1A900] =	vst v63  }
0xb3: {  	_ =	swait.ge [sflag:s10], $0x1400  }
0xb4: {  	[sflag:s10] =	ssyncset.done $0x0  }
0xb5: {  	[sflag:s10] =	ssyncadd.s32 $0xFFFFEC00  }
0xb6: {  	_ =	swait.ge [sflag:s6], $0x1400  }
0xb7: {  	[sflag:s6] =	ssyncset.done $0x0  }
0xb8: {  	[sflag:s6] =	ssyncadd.s32 $0xFFFFEC00  }
0xb9: {  	_ =	swait.ge [sflag:s8], $0x28  }
0xba: {  	[sflag:s8] =	ssyncset.done $0x0  }
0xbb: {  	[sflag:s8] =	ssyncadd.s32 $0xFFFFFFD8  }
0xbc: {  	[spmem:s1] =	stream.indirect.scatter.add.f32 [tilespmem:s19], [sflag:$0x10], $0x80, s30, s22, $0xb8;
	[tilespmem:$0x1A900] =	vst v63  }
0xbd: {  	_ =	swait.ge [sflag:s10], $0x1400  }
0xbe: {  	[sflag:s10] =	ssyncset.done $0x0  }
0xbf: {  	[sflag:s10] =	ssyncadd.s32 $0xFFFFEC00  }
0xc0: {  	_ =	swait.ge [sflag:s9], $0x1400  }
0xc1: {  	[sflag:s9] =	ssyncset.done $0x0  }
0xc2: {  	[sflag:s9] =	ssyncadd.s32 $0xFFFFEC00  }
0xc3: {  	_ =	swait.ge [sflag:s7], $0x28  }
0xc4: {  	[sflag:s7] =	ssyncset.done $0x0  }
0xc5: {  	[sflag:s7] =	ssyncadd.s32 $0xFFFFFFD8  }
0xc6: {  	[spmem:s1] =	stream.indirect.scatter.add.f32 [tilespmem:s23], [sflag:$0x10], $0x80, s21, s22, $0xb8;
	[tilespmem:$0x1A900] =	vst v63  }
0xc7: {  	_ =	swait.ge [sflag:s10], $0x1400  }
0xc8: {  	[sflag:s10] =	ssyncset.done $0x0  }
0xc9: {  	[sflag:s10] =	ssyncadd.s32 $0xFFFFEC00  }
0xca: {  	_ =	swait.ge [sflag:s11], $0x1400  }
0xcb: {  	[sflag:s11] =	ssyncset.done $0x0  }
0xcc: {  	[sflag:s11] =	ssyncadd.s32 $0xFFFFEC00  }
0xcd: {  	_ =	swait.ge [sflag:s12], $0x28  }
0xce: {  	[sflag:s12] =	ssyncset.done $0x0  }
0xcf: {  	[sflag:s12] =	ssyncadd.s32 $0xFFFFFFD8  }
0xd0: {  	[spmem:s1] =	stream.indirect.scatter.add.f32 [tilespmem:s0], [sflag:$0x10], $0x80, s26, s22, $0xb8;
	[tilespmem:$0x1A900] =	vst v63  }
0xd1: {  	_ =	swait.ge [sflag:s10], $0x1400  }
0xd2: {  	[sflag:s10] =	ssyncset.done $0x0  }
0xd3: {  	[sflag:s10] =	ssyncadd.s32 $0xFFFFEC00  }
0xd4: {  	_ =	swait.ge [sflag:s13], $0x1400  }
0xd5: {  	[sflag:s13] =	ssyncset.done $0x0  }
0xd6: {  	[sflag:s13] =	ssyncadd.s32 $0xFFFFEC00  }
0xd7: {  	p0 =	sne.s32 s16, $0x4C9;
	_ =	swait.ge [sflag:s14], $0x28  }
.Ltmp0:
0xd8: {  	[sflag:s14] =	ssyncset.done $0x0;
	(pc) =	sbr.rel @p0 .LBB2_2-.Ltmp0, $4  }
0xd9: {  	[sflag:s14] =	ssyncadd.s32 $0xFFFFFFD8  }
0xda: {  	[spmem:s1] =	stream.indirect.scatter.add.f32 [tilespmem:s24], [sflag:$0x10], $0x80, s18, s22, $0xb8;
	[tilespmem:$0x1A900] =	vst v63  }
0xdb: {  	_ =	swait.ge [sflag:s10], $0x1400  }
0xdc: {  	s16 =	sadd.s32 $0x19, s16;
	s17 =	rddreg [dreg:$0x4];
	[sflag:s10] =	ssyncset.done $0x0  }
0xdd: {  	s16 =	rddreg [dreg:$0x3]  }
0xde: {  	[sflag:s10] =	ssyncadd.s32 $0xFFFFEC00;
	s17 =	sadd.s32 s15, s17;
	s18 =	simm.s32 $0x14000  }
0xdf: {  	[tilespmem:s18], [sflag:$0x6] =	stream.linear.gather [hbm4b:s17+s2], $0x28, $0x38;
	[tilespmem:$0x1A900] =	vst v63  }
0xe0: {  	s25 =	rddreg [dreg:$0xc];
	s19 =	simm.s32 $0x14280;
	s16 =	sadd.s32 s15, s16  }
0xe1: {  	[tilespmem:s19], [sflag:$0xB] =	stream.linear.gather [hbm4b:s16+s2], $0x28, $0x38;
	[tilespmem:$0x1A900] =	vst v63  }
0xe2: {  	s26 =	rddreg [dreg:$0xb];
	s20 =	simm.s32 $0x14080;
	s17 =	sadd.s32 s15, s25  }
0xe3: {  	[tilespmem:s20], [sflag:$0x7] =	stream.linear.gather [hbm4b:s17+s2], $0x28, $0x38;
	[tilespmem:$0x1A900] =	vst v63  }
0xe4: {  	s0 =	rddreg [dreg:$0xa];
	s23 =	simm.s32 $0x14300;
	s16 =	sadd.s32 s15, s26  }
0xe5: {  	[tilespmem:s23], [sflag:$0xC] =	stream.linear.gather [hbm4b:s16+s2], $0x28, $0x38;
	[tilespmem:$0x1A900] =	vst v63  }
0xe6: {  	s21 =	rddreg [dreg:$0x9];
	s17 =	sadd.s32 s15, s0;
	s0 =	simm.s32 $0x14100  }
0xe7: {  	[tilespmem:s0], [sflag:$0x8] =	stream.linear.gather [hbm4b:s17+s2], $0x28, $0x38;
	[tilespmem:$0x1A900] =	vst v63  }
0xe8: {  	s24 =	rddreg [dreg:$0x8];
	s16 =	sadd.s32 s15, s21;
	s21 =	simm.s32 $0x14380  }
0xe9: {  	[tilespmem:s21], [sflag:$0xD] =	stream.linear.gather [hbm4b:s16+s2], $0x28, $0x38;
	[tilespmem:$0x1A900] =	vst v63  }
0xea: {  	s25 =	rddreg [dreg:$0x7];
	s17 =	sadd.s32 s15, s24;
	s24 =	simm.s32 $0x14180  }
0xeb: {  	[tilespmem:s24], [sflag:$0x9] =	stream.linear.gather [hbm4b:s17+s2], $0x28, $0x38;
	[tilespmem:$0x1A900] =	vst v63  }
0xec: {  	s26 =	rddreg [dreg:$0x6];
	s16 =	sadd.s32 s15, s25;
	s25 =	simm.s32 $0x14400  }
0xed: {  	[tilespmem:s25], [sflag:$0xE] =	stream.linear.gather [hbm4b:s16+s2], $0x28, $0x38;
	[tilespmem:$0x1A900] =	vst v63  }
0xee: {  	s17 =	sadd.s32 s15, s26;
	s26 =	simm.s32 $0x14200;
	s16 =	rddreg [dreg:$0x5]  }
0xef: {  	[tilespmem:s26], [sflag:$0xA] =	stream.linear.gather [hbm4b:s17+s2], $0x28, $0x38;
	[tilespmem:$0x1A900] =	vst v63  }
0xf0: {  	s17 =	sadd.s32 s15, s16;
	s16 =	simm.s32 $0x14480  }
0xf1: {  	[tilespmem:s16], [sflag:$0xF] =	stream.linear.gather [hbm4b:s17+s2], $0x28, $0x38;
	[tilespmem:$0x1A900] =	vst v63  }
0xf2: {  	s17 =	simm.s32 $0x6  }
0xf3: {  	_ =	swait.ge [sflag:s17], $0x28  }
0xf4: {  	[sflag:s17] =	ssyncset.done $0x0  }
0xf5: {  	s15 =	simm.s32 $0x14500;
	[sflag:s17] =	ssyncadd.s32 $0xFFFFFFD8  }
0xf6: {  	[tilespmem:s15], [sflag:$0x1] =	stream.indirect.gather [hbm4b:s4+s22], $0x80, s18, s22, $0xb8;
	[tilespmem:$0x1A900] =	vst v63  }
0xf7: {  	s18 =	simm.s32 $0x7  }
0xf8: {  	_ =	swait.ge [sflag:s18], $0x28  }
0xf9: {  	[sflag:s18] =	ssyncset.done $0x0  }
0xfa: {  	s17 =	simm.s32 $0x15900;
	[sflag:s18] =	ssyncadd.s32 $0xFFFFFFD8  }
0xfb: {  	[tilespmem:s17], [sflag:$0x2] =	stream.indirect.gather [hbm4b:s4+s22], $0x80, s20, s22, $0xb8;
	[tilespmem:$0x1A900] =	vst v63  }
0xfc: {  	s20 =	simm.s32 $0x8  }
0xfd: {  	_ =	swait.ge [sflag:s20], $0x28  }
0xfe: {  	[sflag:s20] =	ssyncset.done $0x0  }
0xff: {  	s18 =	simm.s32 $0x16D00;
	[sflag:s20] =	ssyncadd.s32 $0xFFFFFFD8  }
0x100: {  	[tilespmem:s18], [sflag:$0x3] =	stream.indirect.gather [hbm4b:s4+s22], $0x80, s0, s22, $0xb8;
	[tilespmem:$0x1A900] =	vst v63  }
0x101: {  	_ =	swait.ge [sflag:s29], $0x28  }
0x102: {  	[sflag:s29] =	ssyncset.done $0x0  }
0x103: {  	s20 =	simm.s32 $0x18100;
	[sflag:s29] =	ssyncadd.s32 $0xFFFFFFD8  }
0x104: {  	[tilespmem:s20], [sflag:$0x4] =	stream.indirect.gather [hbm4b:s4+s22], $0x80, s24, s22, $0xb8;
	[tilespmem:$0x1A900] =	vst v63  }
0x105: {  	_ =	swait.ge [sflag:s31], $0x28  }
0x106: {  	[sflag:s31] =	ssyncset.done $0x0  }
0x107: {  	s24 =	simm.s32 $0x19500;
	[sflag:s31] =	ssyncadd.s32 $0xFFFFFFD8  }
0x108: {  	[tilespmem:s24], [sflag:$0x5] =	stream.indirect.gather [hbm4b:s4+s22], $0x80, s26, s22, $0xb8;
	[tilespmem:$0x1A900] =	vst v63  }
0x109: {  	_ =	swait.ge [sflag:s3], $0x1400  }
0x10a: {  	[sflag:s3] =	ssyncset.done $0x0  }
0x10b: {  	[sflag:s3] =	ssyncadd.s32 $0xFFFFEC00  }
0x10c: {  	_ =	swait.ge [sflag:s5], $0x28  }
0x10d: {  	[sflag:s5] =	ssyncset.done $0x0  }
0x10e: {  	[sflag:s5] =	ssyncadd.s32 $0xFFFFFFD8  }
0x10f: {  	[spmem:s1] =	stream.indirect.scatter.add.f32 [tilespmem:s15], [sflag:$0x10], $0x80, s19, s22, $0xb8;
	[tilespmem:$0x1A900] =	vst v63  }
0x110: {  	_ =	swait.ge [sflag:s10], $0x1400  }
0x111: {  	[sflag:s10] =	ssyncset.done $0x0  }
0x112: {  	[sflag:s10] =	ssyncadd.s32 $0xFFFFEC00  }
0x113: {  	_ =	swait.ge [sflag:s6], $0x1400  }
0x114: {  	[sflag:s6] =	ssyncset.done $0x0  }
0x115: {  	[sflag:s6] =	ssyncadd.s32 $0xFFFFEC00  }
0x116: {  	_ =	swait.ge [sflag:s8], $0x28  }
0x117: {  	[sflag:s8] =	ssyncset.done $0x0  }
0x118: {  	[sflag:s8] =	ssyncadd.s32 $0xFFFFFFD8  }
0x119: {  	[spmem:s1] =	stream.indirect.scatter.add.f32 [tilespmem:s17], [sflag:$0x10], $0x80, s23, s22, $0xb8;
	[tilespmem:$0x1A900] =	vst v63  }
0x11a: {  	_ =	swait.ge [sflag:s10], $0x1400  }
0x11b: {  	[sflag:s10] =	ssyncset.done $0x0  }
0x11c: {  	[sflag:s10] =	ssyncadd.s32 $0xFFFFEC00  }
0x11d: {  	_ =	swait.ge [sflag:s9], $0x1400  }
0x11e: {  	[sflag:s9] =	ssyncset.done $0x0  }
0x11f: {  	[sflag:s9] =	ssyncadd.s32 $0xFFFFEC00  }
0x120: {  	_ =	swait.ge [sflag:s7], $0x28  }
0x121: {  	[sflag:s7] =	ssyncset.done $0x0  }
0x122: {  	[sflag:s7] =	ssyncadd.s32 $0xFFFFFFD8  }
0x123: {  	[spmem:s1] =	stream.indirect.scatter.add.f32 [tilespmem:s18], [sflag:$0x10], $0x80, s21, s22, $0xb8;
	[tilespmem:$0x1A900] =	vst v63  }
0x124: {  	_ =	swait.ge [sflag:s10], $0x1400  }
0x125: {  	[sflag:s10] =	ssyncset.done $0x0  }
0x126: {  	[sflag:s10] =	ssyncadd.s32 $0xFFFFEC00  }
0x127: {  	_ =	swait.ge [sflag:s11], $0x1400  }
0x128: {  	[sflag:s11] =	ssyncset.done $0x0  }
0x129: {  	[sflag:s11] =	ssyncadd.s32 $0xFFFFEC00  }
0x12a: {  	_ =	swait.ge [sflag:s12], $0x28  }
0x12b: {  	[sflag:s12] =	ssyncset.done $0x0  }
0x12c: {  	[sflag:s12] =	ssyncadd.s32 $0xFFFFFFD8  }
0x12d: {  	[spmem:s1] =	stream.indirect.scatter.add.f32 [tilespmem:s20], [sflag:$0x10], $0x80, s25, s22, $0xb8;
	[tilespmem:$0x1A900] =	vst v63  }
0x12e: {  	_ =	swait.ge [sflag:s10], $0x1400  }
0x12f: {  	[sflag:s10] =	ssyncset.done $0x0  }
0x130: {  	[sflag:s10] =	ssyncadd.s32 $0xFFFFEC00  }
0x131: {  	_ =	swait.ge [sflag:s13], $0x1400  }
0x132: {  	[sflag:s13] =	ssyncset.done $0x0  }
0x133: {  	[sflag:s13] =	ssyncadd.s32 $0xFFFFEC00  }
0x134: {  	_ =	swait.ge [sflag:s14], $0x28  }
0x135: {  	[sflag:s14] =	ssyncset.done $0x0  }
0x136: {  	[sflag:s14] =	ssyncadd.s32 $0xFFFFFFD8  }
0x137: {  	[spmem:s1] =	stream.indirect.scatter.add.f32 [tilespmem:s24], [sflag:$0x10], $0x80, s16, s22, $0xb8;
	[tilespmem:$0x1A900] =	vst v63  }
0x138: {  	_ =	swait.ge [sflag:s10], $0x1400  }
0x139: {  	[sflag:s10] =	ssyncset.done $0x0  }
0x13a: {  	[sflag:s10] =	ssyncadd.s32 $0xFFFFEC00  }
0x13b: {  	[bflag:$0x0] =	sbarrier.arrive $0xFFFF  }
0x13c: {  	s16 =	rddreg [dreg:$0xf]  }
0x13d: {  	s23 =	rddreg [dreg:$0x11]  }
0x13e: {  	s24 =	rddreg [dreg:$0x13]  }
0x13f: {  	[hbm:s23], [sflag:s16] =	dma.local [spmem:s24], $0x2800  }
0x140: {  	_ =	swait.ge [sflag:s10], $0x2800  }
0x141: {  	s25 =	rddreg [dreg:$0x12]  }
0x142: {  	s26 =	rddreg [dreg:$0x10];
	s0 =	sadd.s32 $0x1, s25  }
0x143: {  	p0 =	sne.s32 s0, s26  }
.Ltmp1:
0x144: {  	_ = 	snop;
	(pc) =	sbr.rel @p0 .LBB2_1-.Ltmp1, $3  }
0x145: {  	_ =	sdelay $0x1  }
0x146: {  	[sflag:s10] =	ssyncset.done $0x0  }
0x147: {  	[sflag:s10] =	ssyncadd.s32 $0xFFFFD800  }
0x148: {  	_ =	sfence.sel $0x180000  }
0x149: {  	[bflag:$0x0] =	sbarrier.arrive $0xFFFF  }
0x14a: {  	_ =	strace $0x9000004D  }
0x14b: {  	s0 =	stileid.u32;
	[bflag:$0x2] =	sbarrier.arrive $0xFFFF  }
0x14c: {  	p0 =	sne.s32 s0, $0x0;
	s0 =	rddreg [dreg:$0x2]  }
0x14d: {  	s0 =	sadd.s32 @!p0 $0x100000, s0  }
0x14e: {  	[sflag:s0] =	ssyncadd.tile.s32 @!p0 $0x1;
	_ =	shalt  }
.Lfunc_end2:
_tile_overlayer_lowered:
.L_overlay_start_2:
0x14f: {  	(tag) =	ssettag $0x2  }
0x150: {  	s0 =	rddreg [dreg:$0x0];
	s2 =	stileid.u32  }
0x151: {  	s1 =	rddreg [dreg:$0x1];
	p0 =	sne.s32 s2, $0x0  }
0x152: {  	s3 =	rddreg [dreg:$0x2];
	[bflag:$0x3] =	sbarrier.arrive $0xFFFF;
	s2 =	simm.s32 @!p0 $0x1C10  }
0x153: {  	[timem:s3], [sflag:s2] =	dma.local @!p0 [hbm:s0], s1  }
0x154: {  	s0 =	simm.s32 @!p0 $0x10  }
0x155: {  	_ =	swait.ge @!p0 [sflag:s0], s1  }
0x156: {  	s1 =	ssub.s32 @!p0 $0x0, s1;
	[sflag:s0] =	ssyncset.done @!p0 $0x0  }
0x157: {  	[sflag:s0] =	ssyncadd.s32 @!p0 s1  }
0x158: {  	[bflag:$0x3] =	sbarrier.arrive $0xFFFF  }
0x159: {  	_ =	shalt  }

// kernel: kernel.9.cloned.1.call-start
scs
__scs_entry_jumppad:
0x0: {  	(pc) =	sbr.rel $0x88, $3  }
0x1: {  	(tag) =	ssettag $0x0;
	lr =	simm.s32 $0x1  }
0x2: {  	[smem:$0x3F90] =	sst lr;
	_ =	strace $0xD0000000  }
0x3: {  	_ = 	snop  }
0x4: {  	_ = 	snop  }
0x5: {  	_ = 	snop  }
0x6: {  	_ = 	snop  }
0x7: {  	_ = 	snop  }
__scs_overlays_trampoline_lowered:
0x8: {  	[smem:$0x3F9F] =	sst s0  }
0x9: {  	[smem:$0x3FA0] =	sst s1  }
0xa: {  	[smem:$0x3FA1] =	sst s2  }
0xb: {  	[smem:$0x3FA2] =	sst s3  }
0xc: {  	[smem:$0x3FA3] =	sst s4  }
0xd: {  	[smem:$0x3FA4] =	sst s5  }
0xe: {  	[smem:$0x3FA5] =	sst s6  }
0xf: {  	[smem:$0x3FA6] =	sst s7  }
0x10: {  	[smem:$0x3FA7] =	sst s8  }
0x11: {  	[smem:$0x3FA8] =	sst s9;
	s0 =	simm.s32 @!p0 $0x0  }
0x12: {  	s1 =	sld [smem:$0x3F8E];
	s0 =	simm.s32 @p0 $0x1  }
0x13: {  	[smem:$0x3FA9] =	sst s0;
	s0 =	simm.s32 @!p1 $0x0  }
0x14: {  	s2 =	sld [smem:$0x3F8D];
	s0 =	simm.s32 @p1 $0x1  }
0x15: {  	[smem:$0x3FAA] =	sst s0;
	s0 =	simm.s32 @!p2 $0x0  }
0x16: {  	s3 =	sld [smem:$0x3FDB];
	s0 =	simm.s32 @p2 $0x1  }
0x17: {  	s4 =	simm.s32 $0x1BF5;
	[smem:$0x3FAC] =	sst s0  }
0x18: {  	s0 =	sld [smem:$0x3F8F];
	_ =	swait.ge [sflag:s4], $0x0  }
0x19: {  	s7 =	sld [smem:$0x3F90]  }
0x1a: {  	s8 =	sadd.s32 $0xFFFFE003, lr  }
0x1b: {  	s9 =	sadd.s32 $0xFFFFFEF7, lr;
	s5 =	simm.s32 $0xFFFFFFFF;
	p2 =	slt.u32 s8, $0xFFFFF086  }
0x1c: {  	p1 =	slt.u32 s9, $0xF7A;
	s5 =	simm.s32 @!p2 $0x0  }
0x1d: {  	s5 =	simm.s32 @p1 $0x1;
	p0 =	seq.s32 s7, s2  }
0x1e: {  	s7 =	smul.u32 @!p0 $0xF7A, s2;
	p2 =	seq.s32 @!p0 s5, $0x0  }
0x1f: {  	s9 =	smul.u32 $0xF7A, s1;
	s8 =	simm.s32 @!p0 $0x1BF5;
	p2 =	por !p2, p0  }
0x20: {  	[sflag:s8] =	ssyncset.s32 @!p0 $0xFFFFF086;
	s6 =	sadd.s32 @!p0 s3, s7;
	s7 =	simm.s32 @!p0 $0x108  }
0x21: {  	s3 =	sadd.s32 s3, s9;
	s6 =	sadd.s32 @!p0 $0x88, s6;
	s7 =	simm.s32 @p2 $0x1082  }
0x22: {  	[simem:s7], [sflag:s8] =	dma.local @!p0 [hbm:s6], $0xF7A  }
0x23: {  	s9 =	sor.u32 $0xD0000000, s2;
	s6 =	simm.s32 $0x108;
	_ =	swait.ge @!p0 [sflag:s8], $0x0  }
0x24: {  	s3 =	sadd.s32 $0x88, s3;
	s6 =	simm.s32 @!p1 $0x1082;
	[sflag:s4] =	ssyncset.s32 $0xFFFFF086  }
0x25: {  	[simem:s6], [sflag:s4] =	dma.local [hbm:s3], $0xF7A  }
0x26: {  	[smem:$0x3F90] =	sst s1;
	(tag) =	ssettag s2;
	_ =	strace s9  }
0x27: {  	s1 =	sld [smem:$0x3FA0]  }
0x28: {  	s2 =	sld [smem:$0x3FA1]  }
0x29: {  	s4 =	sld [smem:$0x3FA3]  }
0x2a: {  	p0 =	seq.s32 s5, $0x0;
	s5 =	sld [smem:$0x3FA4]  }
0x2b: {  	s6 =	sld [smem:$0x3FA5]  }
0x2c: {  	s7 =	sld [smem:$0x3FA6]  }
0x2d: {  	s3 =	simm.s32 $0x108;
	s8 =	sld [smem:$0x3FA7]  }
0x2e: {  	s3 =	simm.s32 @!p0 $0x1082;
	s9 =	sld [smem:$0x3FA8]  }
0x2f: {  	lr =	sadd.s32 s0, s3;
	s0 =	sld [smem:$0x3F9F]  }
0x30: {  	s3 =	sld [smem:$0x3FA2]  }
0x31: {  	[smem:$0x3FAB] =	sst s10  }
0x32: {  	s10 =	sld [smem:$0x3FA9];
	_ =	sdelay $0x3  }
0x33: {  	p0 =	seq.s32 s10, $0x1;
	s10 =	sld [smem:$0x3FAB];
	_ =	sdelay $0x3  }
0x34: {  	[smem:$0x3FAB] =	sst s10  }
0x35: {  	s10 =	sld [smem:$0x3FAA];
	_ =	sdelay $0x3  }
0x36: {  	p1 =	seq.s32 s10, $0x1;
	s10 =	sld [smem:$0x3FAB];
	_ =	sdelay $0x3  }
0x37: {  	[smem:$0x3FAB] =	sst s10  }
0x38: {  	s10 =	sld [smem:$0x3FAC]  }
0x39: {  	_ = 	snop;
	(pc) =	sbr.ind lr, $3  }
0x3a: {  	_ = 	snop  }
0x3b: {  	_ = 	snop  }
0x3c: {  	p2 =	seq.s32 s10, $0x1;
	s10 =	sld [smem:$0x3FAB]  }
0x3d: {  	_ =	shalt  }
0x3e: {  	_ =	shalt  }
0x3f: {  	_ =	shalt  }
0x40: {  	_ =	shalt  }
0x41: {  	_ =	shalt  }
0x42: {  	_ =	shalt  }
0x43: {  	_ =	shalt  }
0x44: {  	_ =	shalt  }
0x45: {  	_ =	shalt  }
0x46: {  	_ =	shalt  }
0x47: {  	_ =	shalt  }
0x48: {  	_ =	shalt  }
0x49: {  	_ =	shalt  }
0x4a: {  	_ =	shalt  }
0x4b: {  	_ =	shalt  }
0x4c: {  	_ =	shalt  }
0x4d: {  	_ =	shalt  }
0x4e: {  	_ =	shalt  }
0x4f: {  	_ =	shalt  }
0x50: {  	_ =	shalt  }
0x51: {  	_ =	shalt  }
0x52: {  	_ =	shalt  }
0x53: {  	_ =	shalt  }
0x54: {  	_ =	shalt  }
0x55: {  	_ =	shalt  }
0x56: {  	_ =	shalt  }
0x57: {  	_ =	shalt  }
0x58: {  	_ =	shalt  }
0x59: {  	_ =	shalt  }
0x5a: {  	_ =	shalt  }
0x5b: {  	_ =	shalt  }
0x5c: {  	_ =	shalt  }
0x5d: {  	_ =	shalt  }
0x5e: {  	_ =	shalt  }
0x5f: {  	_ =	shalt  }
0x60: {  	_ =	shalt  }
0x61: {  	_ =	shalt  }
0x62: {  	_ =	shalt  }
0x63: {  	_ =	shalt  }
0x64: {  	_ =	shalt  }
0x65: {  	_ =	shalt  }
0x66: {  	_ =	shalt  }
0x67: {  	_ =	shalt  }
0x68: {  	_ =	shalt  }
0x69: {  	_ =	shalt  }
0x6a: {  	_ =	shalt  }
0x6b: {  	_ =	shalt  }
0x6c: {  	_ =	shalt  }
0x6d: {  	_ =	shalt  }
0x6e: {  	_ =	shalt  }
0x6f: {  	_ =	shalt  }
0x70: {  	_ =	shalt  }
0x71: {  	_ =	shalt  }
0x72: {  	_ =	shalt  }
0x73: {  	_ =	shalt  }
0x74: {  	_ =	shalt  }
0x75: {  	_ =	shalt  }
0x76: {  	_ =	shalt  }
0x77: {  	_ =	shalt  }
0x78: {  	_ =	shalt  }
0x79: {  	_ =	shalt  }
0x7a: {  	_ =	shalt  }
0x7b: {  	_ =	shalt  }
0x7c: {  	_ =	shalt  }
0x7d: {  	_ =	shalt  }
0x7e: {  	_ =	shalt  }
0x7f: {  	_ =	shalt  }
0x80: {  	_ =	shalt  }
0x81: {  	_ =	shalt  }
0x82: {  	_ =	shalt  }
0x83: {  	_ =	shalt  }
0x84: {  	_ =	shalt  }
0x85: {  	_ =	shalt  }
0x86: {  	_ =	shalt  }
0x87: {  	_ =	shalt  }
.Lfunc_end0:
.L_simem_size_0:
called_computation_lowered:
.L_overlay_start_0:
0x88: {  	s2 =	sld [smem:$0x3FD9]  }
0x89: {  	s3 =	sld [smem:$0x3FFE];
	_ =	sdelay $0x1  }
0x8a: {  	s1 =	srdreg.scid  }
0x8b: {  	s0 =	sand.u32 $0x1, s1  }
0x8c: {  	s17 =	sshll.u32 s0, $0xA;
	s2 =	sadd.s32 s3, s2  }
0x8d: {  	s2 =	sadd.s32 s2, s17  }
0x8e: {  	[smem:$0x3FB7] =	sst s2  }
0x8f: {  	_ = 	snop  }
0x90: {  	s18 =	sld [smem:$0x3FD0];
	(tm) =	ssettm $0x1  }
0x91: {  	s19 =	sld [smem:$0x3FFB];
	_ =	sdelay $0x3  }
0x92: {  	_ =	strace s19  }
0x93: {  	s2 =	sld [smem:$0x3FFC];
	_ =	sdelay $0x3  }
0x94: {  	_ =	strace s2  }
0x95: {  	s2 =	sld [smem:$0x3FFD];
	_ =	sdelay $0x3  }
0x96: {  	_ =	strace s2  }
0x97: {  	_ =	strace $0x8FFFFFFF  }
0x98: {  	s20 =	sld [smem:$0x3FDB];
	_ =	sdelay $0x1  }
0x99: {  	s4 =	simm.s32 $_scs_section_size  }
0x9a: {  	s5 =	simm.s32 $_size__tile_overlayer_lowered;
	s6 =	simm.s32 $_tile_overlayer_lowered  }
0x9b: {  	s7 =	simm.s32 $0x1BFF;
	s21 =	sshll.u32 s6, $0x1;
	s4 =	sadd.s32 s4, s20  }
0x9c: {  	s22 =	simm.s32 $0x0;
	s5 =	sshll.u32 s5, $0x1;
	s6 =	sadd.s32 s21, s4  }
0x9d: {  	[timem:s22], [sflag:s7] =	dma.local [hbm:s6], s5  }
0x9e: {  	_ =	swait.ge [sflag:s7], s5  }
0x9f: {  	s5 =	ssub.s32 $0x0, s5;
	[sflag:s7] =	ssyncset.done $0x0  }
0xa0: {  	[sflag:s7] =	ssyncadd.s32 s5;
	_ =	sdelay $0x1  }
0xa1: {  	s23 =	simm.s32 $0x1B8B  }
0xa2: {  	_ =	swait.ge [sflag:s23], $0x1  }
0xa3: {  	[sflag:s23] =	ssyncset.done $0x0  }
0xa4: {  	[sflag:s23] =	ssyncadd.s32 $0xFFFFFFFF  }
0xa5: {  	s5 =	sld [smem:$0x0]  }
0xa6: {  	s6 =	sand.u32 $0xFFFFFFFE, s1  }
0xa7: {  	p0 =	sne.s32 s1, s6  }
0xa8: {  	s6 =	sshll.u32 @p0 s6, $0xE  }
0xa9: {  	s6 =	sadd.s32 @p0 $0x11B8D, s6;
	s7 =	sshll.u32 @p0 s5, $0x11  }
0xaa: {  	s6 =	sor.u32 @p0 s7, s6  }
0xab: {  	[sflag:s6] =	ssyncadd.remote.s32 @p0 $0x1;
	_ =	sdelay $0x1  }
0xac: {  	s6 =	simm.s32 @p0 $0x1B8D  }
0xad: {  	_ =	swait.eq @p0 [sflag:s6], $0x1  }
0xae: {  	[sflag:s6] =	ssyncadd.s32 @p0 $0xFFFFFFFF  }
0xaf: {  	s7 =	sshll.u32 @!p0 s1, $0xE  }
0xb0: {  	s7 =	sor.u32 @!p0 $0x4000, s7;
	s6 =	simm.s32 @!p0 $0x1B8D  }
0xb1: {  	s5 =	sshll.u32 @!p0 s5, $0x11;
	s7 =	sadd.s32 @!p0 $0x11B8D, s7;
	_ =	swait.eq @!p0 [sflag:s6], $0x1  }
0xb2: {  	s5 =	sor.u32 @!p0 s5, s7;
	[sflag:s6] =	ssyncadd.s32 @!p0 $0xFFFFFFFF  }
0xb3: {  	s25 =	simm.s32 $0x1B8E;
	s24 =	sld [smem:$0x3FFE];
	[sflag:s5] =	ssyncadd.remote.s32 @!p0 $0x1  }
0xb4: {  	s26 =	simm.s32 $execute0_lowered;
	[smem:$0x3FD2] =	sst s25  }
0xb5: {  	s6 =	sshll.u32 s26, $0x1;
	_ =	strace $0x80000049;
	[dreg:$0x1] =	wrdreg $0xFFFFFFFF  }
0xb6: {  	s28 =	simm.s32 $_size_execute0_lowered;
	s4 =	sadd.s32 s4, s6;
	[dreg:$0x0] =	wrdreg $0x0  }
0xb7: {  	s6 =	sshll.u32 s28, $0x1;
	[dreg:$0x2] =	wrdreg s4  }
0xb8: {  	[dreg:$0x3] =	wrdreg s6  }
0xb9: {  	[dreg:$0x4] =	wrdreg $0xC0  }
0xba: {  	_ =	task [dreg:s22], $0x5FFFF  }
0xbb: {  	[dreg:$0x1] =	wrdreg $0xFFFFFFFF  }
0xbc: {  	[dreg:$0x0] =	wrdreg $0x60  }
0xbd: {  	[dreg:$0x2] =	wrdreg s24  }
0xbe: {  	[dreg:$0x3] =	wrdreg s18  }
0xbf: {  	[dreg:$0x4] =	wrdreg $0x0  }
0xc0: {  	[dreg:$0x5] =	wrdreg $0x9  }
0xc1: {  	_ =	task.clear_ibuf [dreg:s22], $0x6FFFF;
	_ =	strace $0x90000049  }
0xc2: {  	s29 =	simm.s32 $0x9;
	_ =	strace $0x8000004B  }
0xc3: {  	_ =	swait.ge [sflag:s29], $0x1  }
0xc4: {  	[sflag:s29] =	ssyncadd.s32 $0xFFFFFFFF  }
0xc5: {  	_ =	strace $0x9000004B  }
0xc6: {  	_ =	sfence  }
0xc7: {  	s30 =	sld [smem:$0x0];
	_ =	sdelay $0x2  }
0xc8: {  	s31 =	sshll.u32 s1, $0xD;
	s1 =	sshrl.u32 s1, $0x2  }
0xc9: {  	s4 =	sand.u32 $0x4000, s31;
	s1 =	sadd.s32 s1, s30  }
0xca: {  	s0 =	sor.u32 s4, s0;
	s1 =	sshll.u32 s1, $0x11  }
0xcb: {  	s0 =	sor.u32 s1, s0  }
0xcc: {  	s0 =	sadd.s32 $0x8F2B, s0  }
0xcd: {  	[sflag:s0] =	ssyncadd.remote.s32 $0x1  }
0xce: {  	_ =	sfence.sel $0xFFFF  }
0xcf: {  	[dreg:$0x0] =	wrdreg $0xFFFFFFFF;
	(pc) =	sbr.abs _section_cstart, $3  }
0xd0: {  	[dreg:$0x1] =	wrdreg $0xFFFFFFFF  }
0xd1: {  	_ =	task.clear_ibuf [dreg:s22], $0x2FFFF;
	_ =	strace $0x9FFFFFFF  }
0xd2: {  	(tm) =	ssettm $0x7FFFFFFF  }
0xd3: {  	_ =	shalt  }
tec
execute0_lowered:
.L_overlay_start_1:
0x0: {  	(tag) =	ssettag $0x1  }
0x1: {  	s0 =	rddreg [dreg:$0x0]  }
0x2: {  	s2 =	rddreg [dreg:$0x2];
	s3 =	simm.s32 $0x0  }
0x3: {  	s4 =	srdreg.scid;
	s1 =	stileid.u32;
	s12 =	simm.s32 $0xE0C00  }
0x4: {  	s16 =	simm.s32 $0x14000;
	s17 =	simm.s32 $0x15400;
	s18 =	simm.s32 $0x15480  }
0x5: {  	s19 =	simm.s32 $0x15500;
	s20 =	simm.s32 $0x15580;
	s21 =	simm.s32 $0x15600  }
0x6: {  	s28 =	simm.s32 $0x5;
	s29 =	simm.s32 $0x0;
	[smem:$0x7FF] =	sst s3  }
0x7: {  	s7 =	sand.u32 $0x1, s4;
	s13 =	sadd.s32 $0x2B600, s0;
	s9 =	smul.u32 $0x50000, s1  }
0x8: {  	s5 =	sadd.s32 $0x66400, s0;
	s23 =	sshll.u32 s1, $0x6;
	s11 =	smul.u32 $0x2710, s1  }
0x9: {  	s24 =	smul.u32 $0x2800, s1;
	_ =	strace $0x8000004A;
	s6 =	ssub.s32 $0x2, s7  }
0xa: {  	s10 =	smul.u32 $0x27100, s7;
	p0 =	seq.s32 s7, $0x1;
	s8 =	sshrl.u32 s6, $0x1  }
0xb: {  	s22 =	sshrl.u32 s9, $0x2;
	s12 =	simm.s32 @!p0 $0xB8C00;
	s8 =	ssub.s32 s6, s8  }
0xc: {  	s14 =	sadd.s32 s22, s2;
	s6 =	sor.u32 $0x1C06, s23;
	s11 =	sadd.s32 s11, s10  }
0xd: {  	s0 =	sadd.s32 s12, s0;
	s22 =	simm.s32 $0x1;
	s23 =	simm.s32 $0x28  }
0xe: {  	s7 =	smax.u32 s8, $0x1;
	s25 =	sadd.s32 $0xA0, s11;
	s10 =	sshrl.u32 s11, $0x3  }
0xf: {  	s8 =	sadd.s32 s0, s24;
	s30 =	sadd.s32 $0x78, s11;
	s31 =	sadd.s32 $0x50, s11  }
0x10: {  	s11 =	sadd.s32 $0x28, s11;
	s14 =	sshrl.u32 s14, $0x3;
	s24 =	simm.s32 $0x2  }
0x11: {  	s26 =	sshrl.u32 s25, $0x3;
	s9 =	sadd.s32 s10, s13;
	s0 =	sshrl.u32 s30, $0x3  }
0x12: {  	s12 =	sshrl.u32 s31, $0x3;
	s15 =	sshrl.u32 s11, $0x3;
	s25 =	simm.s32 $0x3  }
0x13: {  	s10 =	sadd.s32 s26, s13;
	s11 =	sadd.s32 s0, s13;
	s12 =	sadd.s32 s12, s13  }
0x14: {  	s13 =	sadd.s32 s15, s13;
	s15 =	simm.s32 $0x6;
	s26 =	simm.s32 $0x4  }
.LBB2_1:
0x15: {  	[spmem:s14], [sflag:s6] =	dma.local [hbm:s5], $0x2800  }
0x16: {  	_ =	swait.ge [sflag:s15], $0x2800  }
0x17: {  	[sflag:s15] =	ssyncset.done $0x0  }
0x18: {  	[sflag:s15] =	ssyncadd.s32 $0xFFFFD800  }
0x19: {  	s0 =	rddreg [dreg:$0x1]  }
0x1a: {  	[tilespmem:s16], [sflag:$0x6] =	stream.linear.gather [hbm4b:s0+s3], $0x1400, $0x38;
	[tilespmem:$0x15680] =	vst v63  }
0x1b: {  	_ =	swait.ge [sflag:s15], $0x1400  }
0x1c: {  	[sflag:s15] =	ssyncset.done $0x0  }
0x1d: {  	[sflag:s15] =	ssyncadd.s32 $0xFFFFEC00  }
0x1e: {  	s4 =	sadd.s32 $0x0, s9;
	[bflag:$0x0] =	sbarrier.arrive $0xFFFF  }
0x1f: {  	[tilespmem:s17], [sflag:$0x1] =	stream.linear.gather [hbm4b:s4+s3], $0x28, $0x38;
	[tilespmem:$0x15680] =	vst v63  }
0x20: {  	s1 =	sadd.s32 $0x0, s13  }
0x21: {  	[tilespmem:s18], [sflag:$0x2] =	stream.linear.gather [hbm4b:s1+s3], $0x28, $0x38;
	[tilespmem:$0x15680] =	vst v63  }
0x22: {  	s4 =	sadd.s32 $0x0, s12  }
0x23: {  	[tilespmem:s19], [sflag:$0x3] =	stream.linear.gather [hbm4b:s4+s3], $0x28, $0x38;
	[tilespmem:$0x15680] =	vst v63  }
0x24: {  	s1 =	sadd.s32 $0x0, s11  }
0x25: {  	[tilespmem:s20], [sflag:$0x4] =	stream.linear.gather [hbm4b:s1+s3], $0x28, $0x38;
	[tilespmem:$0x15680] =	vst v63  }
0x26: {  	s4 =	sadd.s32 $0x0, s10  }
0x27: {  	[tilespmem:s21], [sflag:$0x5] =	stream.linear.gather [hbm4b:s4+s3], $0x28, $0x38;
	[tilespmem:$0x15680] =	vst v63  }
0x28: {  	_ =	swait.ge [sflag:s22], $0x28  }
0x29: {  	[sflag:s22] =	ssyncset.done $0x0  }
0x2a: {  	[sflag:s22] =	ssyncadd.s32 $0xFFFFFFD8  }
0x2b: {  	[spmem:s2] =	stream.indirect.scatter.add.f32 [tilespmem:s16], [sflag:$0x6], $0x80, s17, s23, $0xb8;
	[tilespmem:$0x15680] =	vst v63  }
0x2c: {  	_ =	swait.ge [sflag:s15], $0x1400  }
0x2d: {  	[sflag:s15] =	ssyncset.done $0x0  }
0x2e: {  	[sflag:s15] =	ssyncadd.s32 $0xFFFFEC00  }
0x2f: {  	_ =	swait.ge [sflag:s24], $0x28  }
0x30: {  	[sflag:s24] =	ssyncset.done $0x0  }
0x31: {  	[sflag:s24] =	ssyncadd.s32 $0xFFFFFFD8  }
0x32: {  	[spmem:s2] =	stream.indirect.scatter.add.f32 [tilespmem:s16], [sflag:$0x6], $0x80, s18, s23, $0xb8;
	[tilespmem:$0x15680] =	vst v63  }
0x33: {  	_ =	swait.ge [sflag:s15], $0x1400  }
0x34: {  	[sflag:s15] =	ssyncset.done $0x0  }
0x35: {  	[sflag:s15] =	ssyncadd.s32 $0xFFFFEC00  }
0x36: {  	_ =	swait.ge [sflag:s25], $0x28  }
0x37: {  	[sflag:s25] =	ssyncset.done $0x0  }
0x38: {  	[sflag:s25] =	ssyncadd.s32 $0xFFFFFFD8  }
0x39: {  	[spmem:s2] =	stream.indirect.scatter.add.f32 [tilespmem:s16], [sflag:$0x6], $0x80, s19, s23, $0xb8;
	[tilespmem:$0x15680] =	vst v63  }
0x3a: {  	_ =	swait.ge [sflag:s15], $0x1400  }
0x3b: {  	[sflag:s15] =	ssyncset.done $0x0  }
0x3c: {  	[sflag:s15] =	ssyncadd.s32 $0xFFFFEC00  }
0x3d: {  	_ =	swait.ge [sflag:s26], $0x28  }
0x3e: {  	[sflag:s26] =	ssyncset.done $0x0  }
0x3f: {  	[sflag:s26] =	ssyncadd.s32 $0xFFFFFFD8  }
0x40: {  	[spmem:s2] =	stream.indirect.scatter.add.f32 [tilespmem:s16], [sflag:$0x6], $0x80, s20, s23, $0xb8;
	[tilespmem:$0x15680] =	vst v63  }
0x41: {  	_ =	swait.ge [sflag:s15], $0x1400  }
0x42: {  	[sflag:s15] =	ssyncset.done $0x0  }
0x43: {  	[sflag:s15] =	ssyncadd.s32 $0xFFFFEC00  }
0x44: {  	_ =	swait.ge [sflag:s28], $0x28  }
0x45: {  	[sflag:s28] =	ssyncset.done $0x0  }
0x46: {  	[sflag:s28] =	ssyncadd.s32 $0xFFFFFFD8  }
0x47: {  	[spmem:s2] =	stream.indirect.scatter.add.f32 [tilespmem:s16], [sflag:$0x6], $0x80, s21, s23, $0xb8;
	[tilespmem:$0x15680] =	vst v63  }
0x48: {  	_ =	swait.ge [sflag:s15], $0x1400  }
0x49: {  	s30 =	simm.s32 $0x19;
	s31 =	simm.s32 $0x32;
	[sflag:s15] =	ssyncset.done $0x0  }
.LBB2_2:
0x4a: {  	s4 =	sadd.s32 s30, s9  }
0x4b: {  	[sflag:s15] =	ssyncadd.s32 $0xFFFFEC00;
	s1 =	smov.u32 s31;
	s0 =	sadd.s32 $0x19, s31  }
0x4c: {  	[tilespmem:s17], [sflag:$0x1] =	stream.linear.gather [hbm4b:s4+s3], $0x28, $0x38;
	[tilespmem:$0x15680] =	vst v63  }
0x4d: {  	p0 =	sne.s32 s31, $0x4C9;
	s4 =	sadd.s32 s30, s13  }
0x4e: {  	[tilespmem:s18], [sflag:$0x2] =	stream.linear.gather [hbm4b:s4+s3], $0x28, $0x38;
	[tilespmem:$0x15680] =	vst v63  }
0x4f: {  	s4 =	sadd.s32 s30, s12  }
0x50: {  	[tilespmem:s19], [sflag:$0x3] =	stream.linear.gather [hbm4b:s4+s3], $0x28, $0x38;
	[tilespmem:$0x15680] =	vst v63  }
0x51: {  	s4 =	sadd.s32 s30, s11  }
0x52: {  	[tilespmem:s20], [sflag:$0x4] =	stream.linear.gather [hbm4b:s4+s3], $0x28, $0x38;
	[tilespmem:$0x15680] =	vst v63  }
0x53: {  	s4 =	sadd.s32 s30, s10;
	s30 =	smov.u32 s1  }
0x54: {  	[tilespmem:s21], [sflag:$0x5] =	stream.linear.gather [hbm4b:s4+s3], $0x28, $0x38;
	[tilespmem:$0x15680] =	vst v63  }
0x55: {  	_ =	swait.ge [sflag:s22], $0x28  }
0x56: {  	[sflag:s22] =	ssyncset.done $0x0  }
0x57: {  	[sflag:s22] =	ssyncadd.s32 $0xFFFFFFD8  }
0x58: {  	[spmem:s2] =	stream.indirect.scatter.add.f32 [tilespmem:s16], [sflag:$0x6], $0x80, s17, s23, $0xb8;
	[tilespmem:$0x15680] =	vst v63  }
0x59: {  	_ =	swait.ge [sflag:s15], $0x1400  }
0x5a: {  	[sflag:s15] =	ssyncset.done $0x0  }
0x5b: {  	[sflag:s15] =	ssyncadd.s32 $0xFFFFEC00  }
0x5c: {  	_ =	swait.ge [sflag:s24], $0x28  }
0x5d: {  	[sflag:s24] =	ssyncset.done $0x0  }
0x5e: {  	[sflag:s24] =	ssyncadd.s32 $0xFFFFFFD8  }
0x5f: {  	[spmem:s2] =	stream.indirect.scatter.add.f32 [tilespmem:s16], [sflag:$0x6], $0x80, s18, s23, $0xb8;
	[tilespmem:$0x15680] =	vst v63  }
0x60: {  	_ =	swait.ge [sflag:s15], $0x1400  }
0x61: {  	[sflag:s15] =	ssyncset.done $0x0  }
0x62: {  	[sflag:s15] =	ssyncadd.s32 $0xFFFFEC00  }
0x63: {  	_ =	swait.ge [sflag:s25], $0x28  }
0x64: {  	[sflag:s25] =	ssyncset.done $0x0  }
0x65: {  	[sflag:s25] =	ssyncadd.s32 $0xFFFFFFD8  }
0x66: {  	[spmem:s2] =	stream.indirect.scatter.add.f32 [tilespmem:s16], [sflag:$0x6], $0x80, s19, s23, $0xb8;
	[tilespmem:$0x15680] =	vst v63  }
0x67: {  	_ =	swait.ge [sflag:s15], $0x1400  }
0x68: {  	[sflag:s15] =	ssyncset.done $0x0  }
0x69: {  	[sflag:s15] =	ssyncadd.s32 $0xFFFFEC00  }
0x6a: {  	_ =	swait.ge [sflag:s26], $0x28  }
0x6b: {  	[sflag:s26] =	ssyncset.done $0x0  }
0x6c: {  	[sflag:s26] =	ssyncadd.s32 $0xFFFFFFD8  }
0x6d: {  	[spmem:s2] =	stream.indirect.scatter.add.f32 [tilespmem:s16], [sflag:$0x6], $0x80, s20, s23, $0xb8;
	[tilespmem:$0x15680] =	vst v63  }
0x6e: {  	_ =	swait.ge [sflag:s15], $0x1400  }
0x6f: {  	[sflag:s15] =	ssyncset.done $0x0  }
0x70: {  	[sflag:s15] =	ssyncadd.s32 $0xFFFFEC00  }
0x71: {  	_ =	swait.ge [sflag:s28], $0x28  }
.Ltmp0:
0x72: {  	[sflag:s28] =	ssyncset.done $0x0;
	(pc) =	sbr.rel @p0 .LBB2_2-.Ltmp0, $4  }
0x73: {  	[sflag:s28] =	ssyncadd.s32 $0xFFFFFFD8  }
0x74: {  	[spmem:s2] =	stream.indirect.scatter.add.f32 [tilespmem:s16], [sflag:$0x6], $0x80, s21, s23, $0xb8;
	[tilespmem:$0x15680] =	vst v63  }
0x75: {  	_ =	swait.ge [sflag:s15], $0x1400  }
0x76: {  	s31 =	smov.u32 s0;
	[sflag:s15] =	ssyncset.done $0x0  }
0x77: {  	s0 =	sadd.s32 s30, s9;
	[sflag:s15] =	ssyncadd.s32 $0xFFFFEC00  }
0x78: {  	[tilespmem:s17], [sflag:$0x1] =	stream.linear.gather [hbm4b:s0+s3], $0x28, $0x38;
	[tilespmem:$0x15680] =	vst v63  }
0x79: {  	s31 =	sadd.s32 s30, s13  }
0x7a: {  	[tilespmem:s18], [sflag:$0x2] =	stream.linear.gather [hbm4b:s31+s3], $0x28, $0x38;
	[tilespmem:$0x15680] =	vst v63  }
0x7b: {  	s1 =	sadd.s32 s30, s12  }
0x7c: {  	[tilespmem:s19], [sflag:$0x3] =	stream.linear.gather [hbm4b:s1+s3], $0x28, $0x38;
	[tilespmem:$0x15680] =	vst v63  }
0x7d: {  	s4 =	sadd.s32 s30, s11  }
0x7e: {  	[tilespmem:s20], [sflag:$0x4] =	stream.linear.gather [hbm4b:s4+s3], $0x28, $0x38;
	[tilespmem:$0x15680] =	vst v63  }
0x7f: {  	s31 =	sadd.s32 s30, s10  }
0x80: {  	[tilespmem:s21], [sflag:$0x5] =	stream.linear.gather [hbm4b:s31+s3], $0x28, $0x38;
	[tilespmem:$0x15680] =	vst v63  }
0x81: {  	_ =	swait.ge [sflag:s22], $0x28  }
0x82: {  	[sflag:s22] =	ssyncset.done $0x0  }
0x83: {  	[sflag:s22] =	ssyncadd.s32 $0xFFFFFFD8  }
0x84: {  	[spmem:s2] =	stream.indirect.scatter.add.f32 [tilespmem:s16], [sflag:$0x6], $0x80, s17, s23, $0xb8;
	[tilespmem:$0x15680] =	vst v63  }
0x85: {  	_ =	swait.ge [sflag:s15], $0x1400  }
0x86: {  	[sflag:s15] =	ssyncset.done $0x0  }
0x87: {  	[sflag:s15] =	ssyncadd.s32 $0xFFFFEC00  }
0x88: {  	_ =	swait.ge [sflag:s24], $0x28  }
0x89: {  	[sflag:s24] =	ssyncset.done $0x0  }
0x8a: {  	[sflag:s24] =	ssyncadd.s32 $0xFFFFFFD8  }
0x8b: {  	[spmem:s2] =	stream.indirect.scatter.add.f32 [tilespmem:s16], [sflag:$0x6], $0x80, s18, s23, $0xb8;
	[tilespmem:$0x15680] =	vst v63  }
0x8c: {  	_ =	swait.ge [sflag:s15], $0x1400  }
0x8d: {  	[sflag:s15] =	ssyncset.done $0x0  }
0x8e: {  	[sflag:s15] =	ssyncadd.s32 $0xFFFFEC00  }
0x8f: {  	_ =	swait.ge [sflag:s25], $0x28  }
0x90: {  	[sflag:s25] =	ssyncset.done $0x0  }
0x91: {  	[sflag:s25] =	ssyncadd.s32 $0xFFFFFFD8  }
0x92: {  	[spmem:s2] =	stream.indirect.scatter.add.f32 [tilespmem:s16], [sflag:$0x6], $0x80, s19, s23, $0xb8;
	[tilespmem:$0x15680] =	vst v63  }
0x93: {  	_ =	swait.ge [sflag:s15], $0x1400  }
0x94: {  	[sflag:s15] =	ssyncset.done $0x0  }
0x95: {  	[sflag:s15] =	ssyncadd.s32 $0xFFFFEC00  }
0x96: {  	_ =	swait.ge [sflag:s26], $0x28  }
0x97: {  	[sflag:s26] =	ssyncset.done $0x0  }
0x98: {  	[sflag:s26] =	ssyncadd.s32 $0xFFFFFFD8  }
0x99: {  	[spmem:s2] =	stream.indirect.scatter.add.f32 [tilespmem:s16], [sflag:$0x6], $0x80, s20, s23, $0xb8;
	[tilespmem:$0x15680] =	vst v63  }
0x9a: {  	_ =	swait.ge [sflag:s15], $0x1400  }
0x9b: {  	[sflag:s15] =	ssyncset.done $0x0  }
0x9c: {  	[sflag:s15] =	ssyncadd.s32 $0xFFFFEC00  }
0x9d: {  	_ =	swait.ge [sflag:s28], $0x28  }
0x9e: {  	[sflag:s28] =	ssyncset.done $0x0  }
0x9f: {  	[sflag:s28] =	ssyncadd.s32 $0xFFFFFFD8  }
0xa0: {  	[spmem:s2] =	stream.indirect.scatter.add.f32 [tilespmem:s16], [sflag:$0x6], $0x80, s21, s23, $0xb8;
	[tilespmem:$0x15680] =	vst v63  }
0xa1: {  	_ =	swait.ge [sflag:s15], $0x1400  }
0xa2: {  	s29 =	sadd.s32 $0x1, s29;
	[sflag:s15] =	ssyncset.done $0x0  }
0xa3: {  	p0 =	sne.s32 s29, s7;
	[sflag:s15] =	ssyncadd.s32 $0xFFFFEC00  }
.Ltmp1:
0xa4: {  	[bflag:$0x0] =	sbarrier.arrive $0xFFFF;
	(pc) =	sbr.rel @p0 .LBB2_1-.Ltmp1, $4  }
0xa5: {  	[hbm:s8], [sflag:s6] =	dma.local [spmem:s14], $0x2800  }
0xa6: {  	_ =	swait.ge [sflag:s15], $0x2800  }
0xa7: {  	[sflag:s15] =	ssyncset.done $0x0  }
0xa8: {  	[sflag:s15] =	ssyncadd.s32 $0xFFFFD800  }
0xa9: {  	_ =	sfence.sel $0x180000  }
0xaa: {  	[bflag:$0x0] =	sbarrier.arrive $0xFFFF  }
0xab: {  	_ =	strace $0x9000004A  }
0xac: {  	s0 =	stileid.u32;
	[bflag:$0x2] =	sbarrier.arrive $0xFFFF  }
0xad: {  	p0 =	sne.s32 s0, $0x0;
	s0 =	rddreg [dreg:$0x3]  }
0xae: {  	s0 =	sadd.s32 @!p0 $0x100000, s0  }
0xaf: {  	[sflag:s0] =	ssyncadd.tile.s32 @!p0 $0x1;
	_ =	shalt  }
.Lfunc_end2:
_tile_overlayer_lowered:
.L_overlay_start_2:
0xb0: {  	(tag) =	ssettag $0x2  }
0xb1: {  	s0 =	rddreg [dreg:$0x0];
	s2 =	stileid.u32  }
0xb2: {  	s1 =	rddreg [dreg:$0x1];
	p0 =	sne.s32 s2, $0x0  }
0xb3: {  	s3 =	rddreg [dreg:$0x2];
	[bflag:$0x3] =	sbarrier.arrive $0xFFFF;
	s2 =	simm.s32 @!p0 $0x1C06  }
0xb4: {  	[timem:s3], [sflag:s2] =	dma.local @!p0 [hbm:s0], s1  }
0xb5: {  	s0 =	simm.s32 @!p0 $0x6  }
0xb6: {  	_ =	swait.ge @!p0 [sflag:s0], s1  }
0xb7: {  	s1 =	ssub.s32 @!p0 $0x0, s1;
	[sflag:s0] =	ssyncset.done @!p0 $0x0  }
0xb8: {  	[sflag:s0] =	ssyncadd.s32 @!p0 s1  }
0xb9: {  	[bflag:$0x3] =	sbarrier.arrive $0xFFFF  }
0xba: {  	_ =	shalt  }

</sc_bundles>
